<compile_context>
chip_gen: v7x
topology: tpu7x:2x2x1
jax: 0.10.2.dev20260603
libtpu: 0.0.44.dev20260713+nightly
codegen_flags: <defaults>
</compile_context>

<pallas_src>
import functools

import jax
import jax.numpy as jnp
from jax import lax
from jax.experimental import pallas as pl
from jax.experimental.pallas import tpu as pltpu
from jax.experimental.pallas import tpu_sc as plsc

_B = 128
_D = 768
_POOL = 36
_K = 5
_HALF = 10
_S = _K * _HALF
_SP = 64
_NROWS = _S * _B
_WPA = 8
_RPW = _NROWS // _WPA
_CH = 80
_NCH = _RPW // _CH


def _score_body(x_ref, k2_ref, k3_ref, g0_ref, g1_ref,
                srck2_ref, srcv2_ref, srck3_ref, srcv3_ref, loss_ref,
                gk0_ref, gv0_ref, gk1_ref, gv1_ref):
    x = x_ref[...]
    qn = x / jnp.maximum(jnp.sqrt(jnp.sum(x * x, axis=1, keepdims=True)), 1e-12)
    iota = lax.broadcasted_iota(jnp.int32, (_POOL, _B), 0)
    tmul = (lax.broadcasted_iota(jnp.int32, (_S, _B), 0) % _HALF) * _POOL
    losses = []
    for k_ref, srck_ref, srcv_ref in ((k2_ref, srck2_ref, srcv2_ref),
                                      (k3_ref, srck3_ref, srcv3_ref)):
        kmat = k_ref[...]
        kn = kmat / jnp.maximum(
            jnp.sqrt(jnp.sum(kmat * kmat, axis=1, keepdims=True)), 1e-12)
        cos = lax.dot_general(kn, qn, (((1,), (1,)), ((), ())),
                              preferred_element_type=jnp.float32)
        rowsum = jnp.sum(cos, axis=1, keepdims=True)
        cm = cos
        acc = jnp.float32(0.0)
        picks = []
        for _ in range(_K):
            v = jnp.max(cm, axis=0, keepdims=True)
            pick = jnp.min(jnp.where(cm == v, iota, _POOL), axis=0,
                           keepdims=True)
            sel = iota == pick
            acc = acc + jnp.sum(
                jnp.where(sel, jnp.broadcast_to(rowsum, (_POOL, _B)), 0.0))
            picks.append(pick)
            cm = jnp.where(sel, jnp.float32(-1e30), cm)
        losses.append(1.0 - acc / jnp.float32(_B * _B * _K))
        rep = jnp.concatenate([p for p in picks for _ in range(_HALF)], axis=0)
        pad = jnp.zeros((_SP - _S, _B), jnp.int32)
        srck_ref[...] = jnp.concatenate([tmul + rep, pad], axis=0)
        srcv_ref[...] = jnp.concatenate([tmul + rep + _HALF * _POOL, pad],
                                        axis=0)
    loss_ref[...] = jnp.broadcast_to(
        (losses[0] + losses[1]) / jnp.float32(3.0), (1, 1))
    gk0_ref[...] = jnp.broadcast_to(g0_ref[0:3, :][:, None, :], (3, _B, _D))
    gv0_ref[...] = jnp.broadcast_to(g0_ref[3:6, :][:, None, :], (3, _B, _D))
    gk1_ref[...] = jnp.broadcast_to(g1_ref[0:3, :][:, None, :], (3, _B, _D))
    gv1_ref[...] = jnp.broadcast_to(g1_ref[3:6, :][:, None, :], (3, _B, _D))


_score = pl.pallas_call(
    _score_body,
    out_shape=(
        jax.ShapeDtypeStruct((_SP, _B), jnp.int32),
        jax.ShapeDtypeStruct((_SP, _B), jnp.int32),
        jax.ShapeDtypeStruct((_SP, _B), jnp.int32),
        jax.ShapeDtypeStruct((_SP, _B), jnp.int32),
        jax.ShapeDtypeStruct((1, 1), jnp.float32),
        jax.ShapeDtypeStruct((3, _B, _D), jnp.float32),
        jax.ShapeDtypeStruct((3, _B, _D), jnp.float32),
        jax.ShapeDtypeStruct((3, _B, _D), jnp.float32),
        jax.ShapeDtypeStruct((3, _B, _D), jnp.float32),
    ),
)


@functools.cache
def _make_gather():
    mesh = plsc.VectorSubcoreMesh(core_axis_name="c", subcore_axis_name="s")
    return functools.partial(
        pl.kernel,
        mesh=mesh,
        out_type=[jax.ShapeDtypeStruct((_NROWS, _D), jnp.float32)] * 4,
        scratch_types=[
            pltpu.VMEM((_RPW,), jnp.int32),
            pltpu.VMEM((_CH, _D), jnp.float32),
            pltpu.VMEM((_CH, _D), jnp.float32),
            pltpu.SemaphoreType.DMA,
            pltpu.SemaphoreType.DMA,
            pltpu.SemaphoreType.DMA,
            pltpu.SemaphoreType.DMA,
        ],
    )(_gather_body)


def _gather_body(t2_hbm, t3_hbm, i0_hbm, i1_hbm, i2_hbm, i3_hbm,
                 o0_hbm, o1_hbm, o2_hbm, o3_hbm,
                 idx_v, buf0_v, buf1_v, gsem0, gsem1, ssem0, ssem1):
    wid = lax.axis_index("s") * 2 + lax.axis_index("c")
    arm = wid // _WPA
    base = (wid % _WPA) * _RPW
    arms = ((t2_hbm, i0_hbm, o0_hbm), (t2_hbm, i1_hbm, o1_hbm),
            (t3_hbm, i2_hbm, o2_hbm), (t3_hbm, i3_hbm, o3_hbm))
    for a, (t_hbm, i_hbm, o_hbm) in enumerate(arms):
        @pl.when(arm == a)
        def _():
            pltpu.sync_copy(i_hbm.at[pl.ds(base, _RPW)], idx_v)
            bufs = (buf0_v, buf1_v)
            gsems = (gsem0, gsem1)
            ssems = (ssem0, ssem1)
            gcps = [None, None]
            scps = [None, None]
            for c in range(_NCH):
                p = c % 2
                if c >= 2:
                    scps[p].wait()
                gcps[p] = pltpu.async_copy(
                    t_hbm.at[idx_v.at[pl.ds(c * _CH, _CH)]], bufs[p], gsems[p])
                if c >= 1:
                    gcps[1 - p].wait()
                    scps[1 - p] = pltpu.async_copy(
                        bufs[1 - p], o_hbm.at[pl.ds(base + (c - 1) * _CH, _CH)],
                        ssems[1 - p])
            pl_ = (_NCH - 1) % 2
            gcps[pl_].wait()
            scps[pl_] = pltpu.async_copy(
                bufs[pl_], o_hbm.at[pl.ds(base + (_NCH - 1) * _CH, _CH)],
                ssems[pl_])
            scps[1 - pl_].wait()
            scps[pl_].wait()


def kernel(x_querry, g_p_0, g_p_1, e_p_2, e_k_2, e_p_3, e_k_3, e_p_4, e_k_4):
    del e_p_4, e_k_4
    (srck2, srcv2, srck3, srcv3, loss11,
     gk0, gv0, gk1, gv1) = _score(x_querry, e_k_2, e_k_3, g_p_0, g_p_1)
    t2 = e_p_2.transpose(1, 0, 2).reshape(_POOL * 2 * _HALF, _D)
    t3 = e_p_3.transpose(1, 0, 2).reshape(_POOL * 2 * _HALF, _D)
    flat = lambda i: i.reshape(_SP * _B)
    ek2, ev2, ek3, ev3 = _make_gather()(
        t2, t3, flat(srck2), flat(srcv2), flat(srck3), flat(srcv3))
    out = lambda a: a.reshape(_S, _B, _D).transpose(1, 0, 2)
    g = lambda a: a.transpose(1, 0, 2)
    return (g(gk0), g(gv0), g(gk1), g(gv1), out(ek2), out(ev2), out(ek3),
            out(ev3), loss11[0, 0])

# --- scband reference (transcript-rebuilt; emitter-appended) ---
"""Pipeline reference for scband-dual-prompt-3075196584396 (READ-ONLY COPY).

The authoritative reference and input builder live on the scoring server;
editing this copy changes nothing except your own understanding.
"""

import jax, jax.numpy as jnp
import numpy as np

B = 128
EMBED_DIM = 768
KEY_DIM = 768
TOP_K = 5
G_P_LEN = 6
E_P_LEN = 20
POOL = 36
G_LAYERS = [0, 1]
E_LAYERS = [2, 3, 4]


def _normalize(x, axis):
    # matches torch.nn.functional.normalize (p=2, eps=1e-12)
    n = jnp.linalg.norm(x, ord=2, axis=axis, keepdims=True)
    return x / jnp.maximum(n, 1e-12)


def setup_inputs(seed: int = 0) -> dict:
    key = jax.random.key(seed)
    ks = jax.random.split(key, 10)
    u = lambda k, shape: jax.random.uniform(k, shape, dtype=jnp.float32, minval=-1.0, maxval=1.0)
    inp = {}
    inp['x_querry'] = jax.random.normal(ks[0], (B, KEY_DIM), dtype=jnp.float32)
    inp['g_p_0'] = u(ks[1], (G_P_LEN, EMBED_DIM))
    inp['g_p_1'] = u(ks[2], (G_P_LEN, EMBED_DIM))
    inp['e_p_2'] = u(ks[3], (POOL, E_P_LEN, EMBED_DIM))
    inp['e_k_2'] = u(ks[4], (POOL, KEY_DIM))
    inp['e_p_3'] = u(ks[5], (POOL, E_P_LEN, EMBED_DIM))
    inp['e_k_3'] = u(ks[6], (POOL, KEY_DIM))
    inp['e_p_4'] = u(ks[7], (POOL, E_P_LEN, EMBED_DIM))
    inp['e_k_4'] = u(ks[8], (POOL, KEY_DIM))
    return inp


def reference(x_querry, g_p_0, g_p_1, e_p_2, e_k_2, e_p_3, e_k_3, e_p_4, e_k_4):
    # training=True, task_id_bootstrap=False path of DualPrompt.forward
    Bq = x_querry.shape[0]
    g_ps = {0: g_p_0, 1: g_p_1}
    e_ps = {2: (e_p_2, e_k_2), 3: (e_p_3, e_k_3), 4: (e_p_4, e_k_4)}
    q = jax.lax.stop_gradient(_normalize(x_querry, 1))
    outs = []
    total_loss = jnp.float32(0.0)
    max_layer = max(G_LAYERS + E_LAYERS)  # NOTE: range(max) skips last e-layer, faithful to source
    for l in range(max_layer):
        loss = jnp.float32(0.0)
        e_valid = l in E_LAYERS
        g_valid = l in G_LAYERS
        Ek = Ev = Gk = Gv = None
        if e_valid:
            p, K = e_ps[l]
            n_K = _normalize(K, 1)
            cos_sim = jnp.einsum('bj,kj->bk', q, n_K)
            _, k_idx = jax.lax.top_k(cos_sim, TOP_K)
            # torch: cos_sim[:, k_idx] -> [B, B, TOP_K]
            loss = jnp.mean(1.0 - jnp.take(cos_sim, k_idx, axis=1))
            P_ = jnp.take(p, k_idx, axis=0)  # [B, TOP_K, E_P_LEN, D]
            i = E_P_LEN // 2
            Ek = P_[:, :, :i, :].reshape(Bq, -1, EMBED_DIM)
            Ev = P_[:, :, i:, :].reshape(Bq, -1, EMBED_DIM)
        if g_valid:
            j = G_P_LEN // 2
            P_ = jnp.broadcast_to(g_ps[l][None, :, :], (Bq, G_P_LEN, EMBED_DIM))
            Gk = P_[:, :j, :]
            Gv = P_[:, j:, :]
        if e_valid and g_valid:
            Pk = jnp.concatenate((Ek, Gk), axis=1)
            Pv = jnp.concatenate((Ev, Gv), axis=1)
        elif e_valid:
            Pk, Pv = Ek, Ev
        elif g_valid:
            Pk, Pv = Gk, Gv
        else:
            Pk, Pv = None, None
        outs.append(Pk)
        outs.append(Pv)
        total_loss = total_loss + loss
    return (*outs, total_loss / len(E_LAYERS))

if __name__ == "__main__":
    import jax
    _d = setup_inputs()
    print(jax.jit(kernel)(*tuple(_d.values())))

</pallas_src>

<mosaic_0001>
#map = affine_map<(d0, d1) -> (0, 0)>
#map1 = affine_map<(d0, d1) -> (0)>
module attributes {stable_mosaic.version = 14 : i64} {
  func.func @_gather_body(%arg0: i32, %arg1: i32, %arg2: memref<720x768xf32, #tpu.memory_space<hbm>>, %arg3: memref<720x768xf32, #tpu.memory_space<hbm>>, %arg4: memref<8192xi32, #tpu.memory_space<hbm>>, %arg5: memref<8192xi32, #tpu.memory_space<hbm>>, %arg6: memref<8192xi32, #tpu.memory_space<hbm>>, %arg7: memref<8192xi32, #tpu.memory_space<hbm>>, %arg8: memref<6400x768xf32, #tpu.memory_space<hbm>>, %arg9: memref<6400x768xf32, #tpu.memory_space<hbm>>, %arg10: memref<6400x768xf32, #tpu.memory_space<hbm>>, %arg11: memref<6400x768xf32, #tpu.memory_space<hbm>>, %arg12: memref<800xi32, #tpu.memory_space<vmem>>, %arg13: memref<80x768xf32, #tpu.memory_space<vmem>>, %arg14: memref<80x768xf32, #tpu.memory_space<vmem>>, %arg15: memref<!tpu.dma_semaphore, #tpu.memory_space<semaphore_mem>>, %arg16: memref<!tpu.dma_semaphore, #tpu.memory_space<semaphore_mem>>, %arg17: memref<!tpu.dma_semaphore, #tpu.memory_space<semaphore_mem>>, %arg18: memref<!tpu.dma_semaphore, #tpu.memory_space<semaphore_mem>>) attributes {dimension_semantics = [#tpu.dimension_semantics<core_parallel>, #tpu.dimension_semantics<subcore_parallel>], iteration_bounds = array<i64: 2, 16>, scalar_prefetch = 0 : i64, scratch_operands = 7 : i64, tpu.core_type = #tpu.core_type<sc_vector_subcore>, window_params = [{transform_indices = #map}, {transform_indices = #map}, {transform_indices = #map1}, {transform_indices = #map1}, {transform_indices = #map1}, {transform_indices = #map1}, {transform_indices = #map}, {transform_indices = #map}, {transform_indices = #map}, {transform_indices = #map}]} {
    %mul3A = arith.constant 2 : i32
    %mul3A_0 = arith.muli %arg1, %mul3A : i32
    %add3A = arith.addi %mul3A_0, %arg0 : i32
    %jit3A = arith.constant 8 : i32
    %div3A = arith.divsi %add3A, %jit3A : i32
    %sign3A = arith.constant 0 : i32
    %sign3A_1 = arith.cmpi sgt, %add3A, %sign3A : i32
    %sign3A_2 = arith.extui %sign3A_1 : i1 to i32
    %sign3A_3 = arith.constant 0 : i32
    %sign3A_4 = arith.cmpi slt, %add3A, %sign3A_3 : i32
    %sign3A_5 = arith.extui %sign3A_4 : i1 to i32
    %sign3A_6 = arith.subi %sign3A_2, %sign3A_5 : i32
    %sign3A_7 = arith.constant 0 : i32
    %sign3A_8 = arith.cmpi sgt, %jit3A, %sign3A_7 : i32
    %sign3A_9 = arith.extui %sign3A_8 : i1 to i32
    %sign3A_10 = arith.constant 0 : i32
    %sign3A_11 = arith.cmpi slt, %jit3A, %sign3A_10 : i32
    %sign3A_12 = arith.extui %sign3A_11 : i1 to i32
    %sign3A_13 = arith.subi %sign3A_9, %sign3A_12 : i32
    %ne3A = arith.cmpi ne, %sign3A_6, %sign3A_13 : i32
    %rem3A = arith.remsi %add3A, %jit3A : i32
    %ne3A_14 = arith.constant 0 : i32
    %ne3A_15 = arith.cmpi ne, %rem3A, %ne3A_14 : i32
    %and3A = arith.andi %ne3A, %ne3A_15 : i1
    %sub3A = arith.constant 1 : i32
    %sub3A_16 = arith.subi %div3A, %sub3A : i32
    %select_n3A = arith.select %and3A, %sub3A_16, %div3A : i32
    %jit3A_17 = arith.constant 8 : i32
    %eq3A = arith.constant 0 : i32
    %eq3A_18 = arith.cmpi eq, %jit3A_17, %eq3A : i32
    %jit3A_19 = arith.constant 1 : i32
    %select_n3A_20 = arith.select %eq3A_18, %jit3A_19, %jit3A_17 : i32
    %rem3A_21 = arith.remsi %add3A, %select_n3A_20 : i32
    %ne3A_22 = arith.constant 0 : i32
    %ne3A_23 = arith.cmpi ne, %rem3A_21, %ne3A_22 : i32
    %lt3A = arith.constant 0 : i32
    %lt3A_24 = arith.cmpi slt, %rem3A_21, %lt3A : i32
    %lt3A_25 = arith.constant 0 : i32
    %lt3A_26 = arith.cmpi slt, %select_n3A_20, %lt3A_25 : i32
    %ne3A_27 = arith.xori %lt3A_24, %lt3A_26 : i1
    %and3A_28 = arith.andi %ne3A_27, %ne3A_23 : i1
    %add3A_29 = arith.addi %rem3A_21, %select_n3A_20 : i32
    %select_n3A_30 = arith.select %and3A_28, %add3A_29, %rem3A_21 : i32
    %mul3A_31 = arith.constant 800 : i32
    %mul3A_32 = arith.muli %select_n3A_30, %mul3A_31 : i32
    %eq3A_33 = arith.constant 0 : i32
    %eq3A_34 = arith.cmpi eq, %select_n3A, %eq3A_33 : i32
    %convert_element_type3A = arith.extui %eq3A_34 : i1 to i32
    %cond3A = arith.constant 0 : i32
    %cond3A_35 = arith.cmpi ne, %convert_element_type3A, %cond3A : i32
    scf.if %cond3A_35 {
      "tpu.region"() ({
        %run_scoped3A = tpu.sem_alloc : memref<!tpu.dma_semaphore, #tpu.memory_space<semaphore_mem>>
        %dma_start3A_249 = tpu.memref_slice %arg4[%mul3A_32] : memref<8192xi32, #tpu.memory_space<hbm>> -> memref<800xi32, #tpu.memory_space<hbm>>
        %dma_start3A_250 = tpu.memref_slice %arg4[%mul3A_32] : memref<8192xi32, #tpu.memory_space<hbm>> -> memref<800xi32, #tpu.memory_space<hbm>>
        tpu.enqueue_dma source(%dma_start3A_250 : memref<800xi32, #tpu.memory_space<hbm>>) target(%arg12 : memref<800xi32, #tpu.memory_space<vmem>>) target_semaphore(%run_scoped3A : memref<!tpu.dma_semaphore, #tpu.memory_space<semaphore_mem>>)
        %dma_wait3A_251 = tpu.memref_slice %arg4[%mul3A_32] : memref<8192xi32, #tpu.memory_space<hbm>> -> memref<800xi32, #tpu.memory_space<hbm>>
        %dma_wait3A_252 = tpu.memref_slice %arg4[%mul3A_32] : memref<8192xi32, #tpu.memory_space<hbm>> -> memref<800xi32, #tpu.memory_space<hbm>>
        tpu.wait_dma2 semaphore(%run_scoped3A : memref<!tpu.dma_semaphore, #tpu.memory_space<semaphore_mem>>) src(%dma_wait3A_252 : memref<800xi32, #tpu.memory_space<hbm>>) dst(%arg12 : memref<800xi32, #tpu.memory_space<vmem>>)
        tpu.yield
      }) : () -> ()
      %dma_start3A = arith.constant 0 : i32
      %dma_start3A_51 = tpu.memref_slice %arg12[%dma_start3A] : memref<800xi32, #tpu.memory_space<vmem>> -> memref<80xi32, #tpu.memory_space<vmem>>
      %dma_start3A_52 = arith.constant 0 : i32
      %dma_start3A_53 = arith.constant 0 : i32
      %dma_start3A_54 = tpu.memref_slice %arg2[%dma_start3A_52, %dma_start3A_53] : memref<720x768xf32, #tpu.memory_space<hbm>> -> memref<720x768xf32, #tpu.memory_space<hbm>>
      tpu.enqueue_indirect_dma source(%dma_start3A_54 : memref<720x768xf32, #tpu.memory_space<hbm>>) target(%arg13 : memref<80x768xf32, #tpu.memory_space<vmem>>) offsets(%dma_start3A_51 : memref<80xi32, #tpu.memory_space<vmem>>) semaphore(%arg15 : memref<!tpu.dma_semaphore, #tpu.memory_space<semaphore_mem>>)
      %dma_start3A_55 = arith.constant 80 : i32
      %dma_start3A_56 = tpu.memref_slice %arg12[%dma_start3A_55] : memref<800xi32, #tpu.memory_space<vmem>> -> memref<80xi32, #tpu.memory_space<vmem>>
      %dma_start3A_57 = arith.constant 0 : i32
      %dma_start3A_58 = arith.constant 0 : i32
      %dma_start3A_59 = tpu.memref_slice %arg2[%dma_start3A_57, %dma_start3A_58] : memref<720x768xf32, #tpu.memory_space<hbm>> -> memref<720x768xf32, #tpu.memory_space<hbm>>
      tpu.enqueue_indirect_dma source(%dma_start3A_59 : memref<720x768xf32, #tpu.memory_space<hbm>>) target(%arg14 : memref<80x768xf32, #tpu.memory_space<vmem>>) offsets(%dma_start3A_56 : memref<80xi32, #tpu.memory_space<vmem>>) semaphore(%arg16 : memref<!tpu.dma_semaphore, #tpu.memory_space<semaphore_mem>>)
      %dma_wait3A = arith.constant 0 : i32
      %dma_wait3A_60 = tpu.memref_slice %arg12[%dma_wait3A] : memref<800xi32, #tpu.memory_space<vmem>> -> memref<80xi32, #tpu.memory_space<vmem>>
      %dma_wait3A_61 = arith.constant 0 : i32
      %dma_wait3A_62 = arith.constant 0 : i32
      %dma_wait3A_63 = tpu.memref_slice %arg2[%dma_wait3A_61, %dma_wait3A_62] : memref<720x768xf32, #tpu.memory_space<hbm>> -> memref<720x768xf32, #tpu.memory_space<hbm>>
      tpu.wait_indirect_dma semaphore(%arg15 : memref<!tpu.dma_semaphore, #tpu.memory_space<semaphore_mem>>) src(%dma_wait3A_63 : memref<720x768xf32, #tpu.memory_space<hbm>>) dst(%arg13 : memref<80x768xf32, #tpu.memory_space<vmem>>)
      %add3A_64 = arith.constant 0 : i32
      %add3A_65 = arith.addi %mul3A_32, %add3A_64 : i32
      %dma_start3A_66 = arith.constant 0 : i32
      %dma_start3A_67 = tpu.memref_slice %arg8[%add3A_65, %dma_start3A_66] : memref<6400x768xf32, #tpu.memory_space<hbm>> -> memref<80x768xf32, #tpu.memory_space<hbm>>
      %dma_start3A_68 = arith.constant 0 : i32
      %dma_start3A_69 = tpu.memref_slice %arg8[%add3A_65, %dma_start3A_68] : memref<6400x768xf32, #tpu.memory_space<hbm>> -> memref<80x768xf32, #tpu.memory_space<hbm>>
      tpu.enqueue_dma source(%arg13 : memref<80x768xf32, #tpu.memory_space<vmem>>) target(%dma_start3A_69 : memref<80x768xf32, #tpu.memory_space<hbm>>) target_semaphore(%arg17 : memref<!tpu.dma_semaphore, #tpu.memory_space<semaphore_mem>>)
      %dma_wait3A_70 = arith.constant 0 : i32
      %dma_wait3A_71 = tpu.memref_slice %arg8[%add3A_65, %dma_wait3A_70] : memref<6400x768xf32, #tpu.memory_space<hbm>> -> memref<80x768xf32, #tpu.memory_space<hbm>>
      %dma_wait3A_72 = arith.constant 0 : i32
      %dma_wait3A_73 = tpu.memref_slice %arg8[%add3A_65, %dma_wait3A_72] : memref<6400x768xf32, #tpu.memory_space<hbm>> -> memref<80x768xf32, #tpu.memory_space<hbm>>
      tpu.wait_dma2 semaphore(%arg17 : memref<!tpu.dma_semaphore, #tpu.memory_space<semaphore_mem>>) src(%arg13 : memref<80x768xf32, #tpu.memory_space<vmem>>) dst(%dma_wait3A_73 : memref<80x768xf32, #tpu.memory_space<hbm>>)
      %dma_start3A_74 = arith.constant 160 : i32
      %dma_start3A_75 = tpu.memref_slice %arg12[%dma_start3A_74] : memref<800xi32, #tpu.memory_space<vmem>> -> memref<80xi32, #tpu.memory_space<vmem>>
      %dma_start3A_76 = arith.constant 0 : i32
      %dma_start3A_77 = arith.constant 0 : i32
      %dma_start3A_78 = tpu.memref_slice %arg2[%dma_start3A_76, %dma_start3A_77] : memref<720x768xf32, #tpu.memory_space<hbm>> -> memref<720x768xf32, #tpu.memory_space<hbm>>
      tpu.enqueue_indirect_dma source(%dma_start3A_78 : memref<720x768xf32, #tpu.memory_space<hbm>>) target(%arg13 : memref<80x768xf32, #tpu.memory_space<vmem>>) offsets(%dma_start3A_75 : memref<80xi32, #tpu.memory_space<vmem>>) semaphore(%arg15 : memref<!tpu.dma_semaphore, #tpu.memory_space<semaphore_mem>>)
      %dma_wait3A_79 = arith.constant 80 : i32
      %dma_wait3A_80 = tpu.memref_slice %arg12[%dma_wait3A_79] : memref<800xi32, #tpu.memory_space<vmem>> -> memref<80xi32, #tpu.memory_space<vmem>>
      %dma_wait3A_81 = arith.constant 0 : i32
      %dma_wait3A_82 = arith.constant 0 : i32
      %dma_wait3A_83 = tpu.memref_slice %arg2[%dma_wait3A_81, %dma_wait3A_82] : memref<720x768xf32, #tpu.memory_space<hbm>> -> memref<720x768xf32, #tpu.memory_space<hbm>>
      tpu.wait_indirect_dma semaphore(%arg16 : memref<!tpu.dma_semaphore, #tpu.memory_space<semaphore_mem>>) src(%dma_wait3A_83 : memref<720x768xf32, #tpu.memory_space<hbm>>) dst(%arg14 : memref<80x768xf32, #tpu.memory_space<vmem>>)
      %add3A_84 = arith.constant 80 : i32
      %add3A_85 = arith.addi %mul3A_32, %add3A_84 : i32
      %dma_start3A_86 = arith.constant 0 : i32
      %dma_start3A_87 = tpu.memref_slice %arg8[%add3A_85, %dma_start3A_86] : memref<6400x768xf32, #tpu.memory_space<hbm>> -> memref<80x768xf32, #tpu.memory_space<hbm>>
      %dma_start3A_88 = arith.constant 0 : i32
      %dma_start3A_89 = tpu.memref_slice %arg8[%add3A_85, %dma_start3A_88] : memref<6400x768xf32, #tpu.memory_space<hbm>> -> memref<80x768xf32, #tpu.memory_space<hbm>>
      tpu.enqueue_dma source(%arg14 : memref<80x768xf32, #tpu.memory_space<vmem>>) target(%dma_start3A_89 : memref<80x768xf32, #tpu.memory_space<hbm>>) target_semaphore(%arg18 : memref<!tpu.dma_semaphore, #tpu.memory_space<semaphore_mem>>)
      %dma_wait3A_90 = arith.constant 0 : i32
      %dma_wait3A_91 = tpu.memref_slice %arg8[%add3A_85, %dma_wait3A_90] : memref<6400x768xf32, #tpu.memory_space<hbm>> -> memref<80x768xf32, #tpu.memory_space<hbm>>
      %dma_wait3A_92 = arith.constant 0 : i32
      %dma_wait3A_93 = tpu.memref_slice %arg8[%add3A_85, %dma_wait3A_92] : memref<6400x768xf32, #tpu.memory_space<hbm>> -> memref<80x768xf32, #tpu.memory_space<hbm>>
      tpu.wait_dma2 semaphore(%arg18 : memref<!tpu.dma_semaphore, #tpu.memory_space<semaphore_mem>>) src(%arg14 : memref<80x768xf32, #tpu.memory_space<vmem>>) dst(%dma_wait3A_93 : memref<80x768xf32, #tpu.memory_space<hbm>>)
      %dma_start3A_94 = arith.constant 240 : i32
      %dma_start3A_95 = tpu.memref_slice %arg12[%dma_start3A_94] : memref<800xi32, #tpu.memory_space<vmem>> -> memref<80xi32, #tpu.memory_space<vmem>>
      %dma_start3A_96 = arith.constant 0 : i32
      %dma_start3A_97 = arith.constant 0 : i32
      %dma_start3A_98 = tpu.memref_slice %arg2[%dma_start3A_96, %dma_start3A_97] : memref<720x768xf32, #tpu.memory_space<hbm>> -> memref<720x768xf32, #tpu.memory_space<hbm>>
      tpu.enqueue_indirect_dma source(%dma_start3A_98 : memref<720x768xf32, #tpu.memory_space<hbm>>) target(%arg14 : memref<80x768xf32, #tpu.memory_space<vmem>>) offsets(%dma_start3A_95 : memref<80xi32, #tpu.memory_space<vmem>>) semaphore(%arg16 : memref<!tpu.dma_semaphore, #tpu.memory_space<semaphore_mem>>)
      %dma_wait3A_99 = arith.constant 160 : i32
      %dma_wait3A_100 = tpu.memref_slice %arg12[%dma_wait3A_99] : memref<800xi32, #tpu.memory_space<vmem>> -> memref<80xi32, #tpu.memory_space<vmem>>
      %dma_wait3A_101 = arith.constant 0 : i32
      %dma_wait3A_102 = arith.constant 0 : i32
      %dma_wait3A_103 = tpu.memref_slice %arg2[%dma_wait3A_101, %dma_wait3A_102] : memref<720x768xf32, #tpu.memory_space<hbm>> -> memref<720x768xf32, #tpu.memory_space<hbm>>
      tpu.wait_indirect_dma semaphore(%arg15 : memref<!tpu.dma_semaphore, #tpu.memory_space<semaphore_mem>>) src(%dma_wait3A_103 : memref<720x768xf32, #tpu.memory_space<hbm>>) dst(%arg13 : memref<80x768xf32, #tpu.memory_space<vmem>>)
      %add3A_104 = arith.constant 160 : i32
      %add3A_105 = arith.addi %mul3A_32, %add3A_104 : i32
      %dma_start3A_106 = arith.constant 0 : i32
      %dma_start3A_107 = tpu.memref_slice %arg8[%add3A_105, %dma_start3A_106] : memref<6400x768xf32, #tpu.memory_space<hbm>> -> memref<80x768xf32, #tpu.memory_space<hbm>>
      %dma_start3A_108 = arith.constant 0 : i32
      %dma_start3A_109 = tpu.memref_slice %arg8[%add3A_105, %dma_start3A_108] : memref<6400x768xf32, #tpu.memory_space<hbm>> -> memref<80x768xf32, #tpu.memory_space<hbm>>
      tpu.enqueue_dma source(%arg13 : memref<80x768xf32, #tpu.memory_space<vmem>>) target(%dma_start3A_109 : memref<80x768xf32, #tpu.memory_space<hbm>>) target_semaphore(%arg17 : memref<!tpu.dma_semaphore, #tpu.memory_space<semaphore_mem>>)
      %dma_wait3A_110 = arith.constant 0 : i32
      %dma_wait3A_111 = tpu.memref_slice %arg8[%add3A_105, %dma_wait3A_110] : memref<6400x768xf32, #tpu.memory_space<hbm>> -> memref<80x768xf32, #tpu.memory_space<hbm>>
      %dma_wait3A_112 = arith.constant 0 : i32
      %dma_wait3A_113 = tpu.memref_slice %arg8[%add3A_105, %dma_wait3A_112] : memref<6400x768xf32, #tpu.memory_space<hbm>> -> memref<80x768xf32, #tpu.memory_space<hbm>>
      tpu.wait_dma2 semaphore(%arg17 : memref<!tpu.dma_semaphore, #tpu.memory_space<semaphore_mem>>) src(%arg13 : memref<80x768xf32, #tpu.memory_space<vmem>>) dst(%dma_wait3A_113 : memref<80x768xf32, #tpu.memory_space<hbm>>)
      %dma_start3A_114 = arith.constant 320 : i32
      %dma_start3A_115 = tpu.memref_slice %arg12[%dma_start3A_114] : memref<800xi32, #tpu.memory_space<vmem>> -> memref<80xi32, #tpu.memory_space<vmem>>
      %dma_start3A_116 = arith.constant 0 : i32
      %dma_start3A_117 = arith.constant 0 : i32
      %dma_start3A_118 = tpu.memref_slice %arg2[%dma_start3A_116, %dma_start3A_117] : memref<720x768xf32, #tpu.memory_space<hbm>> -> memref<720x768xf32, #tpu.memory_space<hbm>>
      tpu.enqueue_indirect_dma source(%dma_start3A_118 : memref<720x768xf32, #tpu.memory_space<hbm>>) target(%arg13 : memref<80x768xf32, #tpu.memory_space<vmem>>) offsets(%dma_start3A_115 : memref<80xi32, #tpu.memory_space<vmem>>) semaphore(%arg15 : memref<!tpu.dma_semaphore, #tpu.memory_space<semaphore_mem>>)
      %dma_wait3A_119 = arith.constant 240 : i32
      %dma_wait3A_120 = tpu.memref_slice %arg12[%dma_wait3A_119] : memref<800xi32, #tpu.memory_space<vmem>> -> memref<80xi32, #tpu.memory_space<vmem>>
      %dma_wait3A_121 = arith.constant 0 : i32
      %dma_wait3A_122 = arith.constant 0 : i32
      %dma_wait3A_123 = tpu.memref_slice %arg2[%dma_wait3A_121, %dma_wait3A_122] : memref<720x768xf32, #tpu.memory_space<hbm>> -> memref<720x768xf32, #tpu.memory_space<hbm>>
      tpu.wait_indirect_dma semaphore(%arg16 : memref<!tpu.dma_semaphore, #tpu.memory_space<semaphore_mem>>) src(%dma_wait3A_123 : memref<720x768xf32, #tpu.memory_space<hbm>>) dst(%arg14 : memref<80x768xf32, #tpu.memory_space<vmem>>)
      %add3A_124 = arith.constant 240 : i32
      %add3A_125 = arith.addi %mul3A_32, %add3A_124 : i32
      %dma_start3A_126 = arith.constant 0 : i32
      %dma_start3A_127 = tpu.memref_slice %arg8[%add3A_125, %dma_start3A_126] : memref<6400x768xf32, #tpu.memory_space<hbm>> -> memref<80x768xf32, #tpu.memory_space<hbm>>
      %dma_start3A_128 = arith.constant 0 : i32
      %dma_start3A_129 = tpu.memref_slice %arg8[%add3A_125, %dma_start3A_128] : memref<6400x768xf32, #tpu.memory_space<hbm>> -> memref<80x768xf32, #tpu.memory_space<hbm>>
      tpu.enqueue_dma source(%arg14 : memref<80x768xf32, #tpu.memory_space<vmem>>) target(%dma_start3A_129 : memref<80x768xf32, #tpu.memory_space<hbm>>) target_semaphore(%arg18 : memref<!tpu.dma_semaphore, #tpu.memory_space<semaphore_mem>>)
      %dma_wait3A_130 = arith.constant 0 : i32
      %dma_wait3A_131 = tpu.memref_slice %arg8[%add3A_125, %dma_wait3A_130] : memref<6400x768xf32, #tpu.memory_space<hbm>> -> memref<80x768xf32, #tpu.memory_space<hbm>>
      %dma_wait3A_132 = arith.constant 0 : i32
      %dma_wait3A_133 = tpu.memref_slice %arg8[%add3A_125, %dma_wait3A_132] : memref<6400x768xf32, #tpu.memory_space<hbm>> -> memref<80x768xf32, #tpu.memory_space<hbm>>
      tpu.wait_dma2 semaphore(%arg18 : memref<!tpu.dma_semaphore, #tpu.memory_space<semaphore_mem>>) src(%arg14 : memref<80x768xf32, #tpu.memory_space<vmem>>) dst(%dma_wait3A_133 : memref<80x768xf32, #tpu.memory_space<hbm>>)
      %dma_start3A_134 = arith.constant 400 : i32
      %dma_start3A_135 = tpu.memref_slice %arg12[%dma_start3A_134] : memref<800xi32, #tpu.memory_space<vmem>> -> memref<80xi32, #tpu.memory_space<vmem>>
      %dma_start3A_136 = arith.constant 0 : i32
      %dma_start3A_137 = arith.constant 0 : i32
      %dma_start3A_138 = tpu.memref_slice %arg2[%dma_start3A_136, %dma_start3A_137] : memref<720x768xf32, #tpu.memory_space<hbm>> -> memref<720x768xf32, #tpu.memory_space<hbm>>
      tpu.enqueue_indirect_dma source(%dma_start3A_138 : memref<720x768xf32, #tpu.memory_space<hbm>>) target(%arg14 : memref<80x768xf32, #tpu.memory_space<vmem>>) offsets(%dma_start3A_135 : memref<80xi32, #tpu.memory_space<vmem>>) semaphore(%arg16 : memref<!tpu.dma_semaphore, #tpu.memory_space<semaphore_mem>>)
      %dma_wait3A_139 = arith.constant 320 : i32
      %dma_wait3A_140 = tpu.memref_slice %arg12[%dma_wait3A_139] : memref<800xi32, #tpu.memory_space<vmem>> -> memref<80xi32, #tpu.memory_space<vmem>>
      %dma_wait3A_141 = arith.constant 0 : i32
      %dma_wait3A_142 = arith.constant 0 : i32
      %dma_wait3A_143 = tpu.memref_slice %arg2[%dma_wait3A_141, %dma_wait3A_142] : memref<720x768xf32, #tpu.memory_space<hbm>> -> memref<720x768xf32, #tpu.memory_space<hbm>>
      tpu.wait_indirect_dma semaphore(%arg15 : memref<!tpu.dma_semaphore, #tpu.memory_space<semaphore_mem>>) src(%dma_wait3A_143 : memref<720x768xf32, #tpu.memory_space<hbm>>) dst(%arg13 : memref<80x768xf32, #tpu.memory_space<vmem>>)
      %add3A_144 = arith.constant 320 : i32
      %add3A_145 = arith.addi %mul3A_32, %add3A_144 : i32
      %dma_start3A_146 = arith.constant 0 : i32
      %dma_start3A_147 = tpu.memref_slice %arg8[%add3A_145, %dma_start3A_146] : memref<6400x768xf32, #tpu.memory_space<hbm>> -> memref<80x768xf32, #tpu.memory_space<hbm>>
      %dma_start3A_148 = arith.constant 0 : i32
      %dma_start3A_149 = tpu.memref_slice %arg8[%add3A_145, %dma_start3A_148] : memref<6400x768xf32, #tpu.memory_space<hbm>> -> memref<80x768xf32, #tpu.memory_space<hbm>>
      tpu.enqueue_dma source(%arg13 : memref<80x768xf32, #tpu.memory_space<vmem>>) target(%dma_start3A_149 : memref<80x768xf32, #tpu.memory_space<hbm>>) target_semaphore(%arg17 : memref<!tpu.dma_semaphore, #tpu.memory_space<semaphore_mem>>)
      %dma_wait3A_150 = arith.constant 0 : i32
      %dma_wait3A_151 = tpu.memref_slice %arg8[%add3A_145, %dma_wait3A_150] : memref<6400x768xf32, #tpu.memory_space<hbm>> -> memref<80x768xf32, #tpu.memory_space<hbm>>
      %dma_wait3A_152 = arith.constant 0 : i32
      %dma_wait3A_153 = tpu.memref_slice %arg8[%add3A_145, %dma_wait3A_152] : memref<6400x768xf32, #tpu.memory_space<hbm>> -> memref<80x768xf32, #tpu.memory_space<hbm>>
      tpu.wait_dma2 semaphore(%arg17 : memref<!tpu.dma_semaphore, #tpu.memory_space<semaphore_mem>>) src(%arg13 : memref<80x768xf32, #tpu.memory_space<vmem>>) dst(%dma_wait3A_153 : memref<80x768xf32, #tpu.memory_space<hbm>>)
      %dma_start3A_154 = arith.constant 480 : i32
      %dma_start3A_155 = tpu.memref_slice %arg12[%dma_start3A_154] : memref<800xi32, #tpu.memory_space<vmem>> -> memref<80xi32, #tpu.memory_space<vmem>>
      %dma_start3A_156 = arith.constant 0 : i32
      %dma_start3A_157 = arith.constant 0 : i32
      %dma_start3A_158 = tpu.memref_slice %arg2[%dma_start3A_156, %dma_start3A_157] : memref<720x768xf32, #tpu.memory_space<hbm>> -> memref<720x768xf32, #tpu.memory_space<hbm>>
      tpu.enqueue_indirect_dma source(%dma_start3A_158 : memref<720x768xf32, #tpu.memory_space<hbm>>) target(%arg13 : memref<80x768xf32, #tpu.memory_space<vmem>>) offsets(%dma_start3A_155 : memref<80xi32, #tpu.memory_space<vmem>>) semaphore(%arg15 : memref<!tpu.dma_semaphore, #tpu.memory_space<semaphore_mem>>)
      %dma_wait3A_159 = arith.constant 400 : i32
      %dma_wait3A_160 = tpu.memref_slice %arg12[%dma_wait3A_159] : memref<800xi32, #tpu.memory_space<vmem>> -> memref<80xi32, #tpu.memory_space<vmem>>
      %dma_wait3A_161 = arith.constant 0 : i32
      %dma_wait3A_162 = arith.constant 0 : i32
      %dma_wait3A_163 = tpu.memref_slice %arg2[%dma_wait3A_161, %dma_wait3A_162] : memref<720x768xf32, #tpu.memory_space<hbm>> -> memref<720x768xf32, #tpu.memory_space<hbm>>
      tpu.wait_indirect_dma semaphore(%arg16 : memref<!tpu.dma_semaphore, #tpu.memory_space<semaphore_mem>>) src(%dma_wait3A_163 : memref<720x768xf32, #tpu.memory_space<hbm>>) dst(%arg14 : memref<80x768xf32, #tpu.memory_space<vmem>>)
      %add3A_164 = arith.constant 400 : i32
      %add3A_165 = arith.addi %mul3A_32, %add3A_164 : i32
      %dma_start3A_166 = arith.constant 0 : i32
      %dma_start3A_167 = tpu.memref_slice %arg8[%add3A_165, %dma_start3A_166] : memref<6400x768xf32, #tpu.memory_space<hbm>> -> memref<80x768xf32, #tpu.memory_space<hbm>>
      %dma_start3A_168 = arith.constant 0 : i32
      %dma_start3A_169 = tpu.memref_slice %arg8[%add3A_165, %dma_start3A_168] : memref<6400x768xf32, #tpu.memory_space<hbm>> -> memref<80x768xf32, #tpu.memory_space<hbm>>
      tpu.enqueue_dma source(%arg14 : memref<80x768xf32, #tpu.memory_space<vmem>>) target(%dma_start3A_169 : memref<80x768xf32, #tpu.memory_space<hbm>>) target_semaphore(%arg18 : memref<!tpu.dma_semaphore, #tpu.memory_space<semaphore_mem>>)
      %dma_wait3A_170 = arith.constant 0 : i32
      %dma_wait3A_171 = tpu.memref_slice %arg8[%add3A_165, %dma_wait3A_170] : memref<6400x768xf32, #tpu.memory_space<hbm>> -> memref<80x768xf32, #tpu.memory_space<hbm>>
      %dma_wait3A_172 = arith.constant 0 : i32
      %dma_wait3A_173 = tpu.memref_slice %arg8[%add3A_165, %dma_wait3A_172] : memref<6400x768xf32, #tpu.memory_space<hbm>> -> memref<80x768xf32, #tpu.memory_space<hbm>>
      tpu.wait_dma2 semaphore(%arg18 : memref<!tpu.dma_semaphore, #tpu.memory_space<semaphore_mem>>) src(%arg14 : memref<80x768xf32, #tpu.memory_space<vmem>>) dst(%dma_wait3A_173 : memref<80x768xf32, #tpu.memory_space<hbm>>)
      %dma_start3A_174 = arith.constant 560 : i32
      %dma_start3A_175 = tpu.memref_slice %arg12[%dma_start3A_174] : memref<800xi32, #tpu.memory_space<vmem>> -> memref<80xi32, #tpu.memory_space<vmem>>
      %dma_start3A_176 = arith.constant 0 : i32
      %dma_start3A_177 = arith.constant 0 : i32
      %dma_start3A_178 = tpu.memref_slice %arg2[%dma_start3A_176, %dma_start3A_177] : memref<720x768xf32, #tpu.memory_space<hbm>> -> memref<720x768xf32, #tpu.memory_space<hbm>>
      tpu.enqueue_indirect_dma source(%dma_start3A_178 : memref<720x768xf32, #tpu.memory_space<hbm>>) target(%arg14 : memref<80x768xf32, #tpu.memory_space<vmem>>) offsets(%dma_start3A_175 : memref<80xi32, #tpu.memory_space<vmem>>) semaphore(%arg16 : memref<!tpu.dma_semaphore, #tpu.memory_space<semaphore_mem>>)
      %dma_wait3A_179 = arith.constant 480 : i32
      %dma_wait3A_180 = tpu.memref_slice %arg12[%dma_wait3A_179] : memref<800xi32, #tpu.memory_space<vmem>> -> memref<80xi32, #tpu.memory_space<vmem>>
      %dma_wait3A_181 = arith.constant 0 : i32
      %dma_wait3A_182 = arith.constant 0 : i32
      %dma_wait3A_183 = tpu.memref_slice %arg2[%dma_wait3A_181, %dma_wait3A_182] : memref<720x768xf32, #tpu.memory_space<hbm>> -> memref<720x768xf32, #tpu.memory_space<hbm>>
      tpu.wait_indirect_dma semaphore(%arg15 : memref<!tpu.dma_semaphore, #tpu.memory_space<semaphore_mem>>) src(%dma_wait3A_183 : memref<720x768xf32, #tpu.memory_space<hbm>>) dst(%arg13 : memref<80x768xf32, #tpu.memory_space<vmem>>)
      %add3A_184 = arith.constant 480 : i32
      %add3A_185 = arith.addi %mul3A_32, %add3A_184 : i32
      %dma_start3A_186 = arith.constant 0 : i32
      %dma_start3A_187 = tpu.memref_slice %arg8[%add3A_185, %dma_start3A_186] : memref<6400x768xf32, #tpu.memory_space<hbm>> -> memref<80x768xf32, #tpu.memory_space<hbm>>
      %dma_start3A_188 = arith.constant 0 : i32
      %dma_start3A_189 = tpu.memref_slice %arg8[%add3A_185, %dma_start3A_188] : memref<6400x768xf32, #tpu.memory_space<hbm>> -> memref<80x768xf32, #tpu.memory_space<hbm>>
      tpu.enqueue_dma source(%arg13 : memref<80x768xf32, #tpu.memory_space<vmem>>) target(%dma_start3A_189 : memref<80x768xf32, #tpu.memory_space<hbm>>) target_semaphore(%arg17 : memref<!tpu.dma_semaphore, #tpu.memory_space<semaphore_mem>>)
      %dma_wait3A_190 = arith.constant 0 : i32
      %dma_wait3A_191 = tpu.memref_slice %arg8[%add3A_185, %dma_wait3A_190] : memref<6400x768xf32, #tpu.memory_space<hbm>> -> memref<80x768xf32, #tpu.memory_space<hbm>>
      %dma_wait3A_192 = arith.constant 0 : i32
      %dma_wait3A_193 = tpu.memref_slice %arg8[%add3A_185, %dma_wait3A_192] : memref<6400x768xf32, #tpu.memory_space<hbm>> -> memref<80x768xf32, #tpu.memory_space<hbm>>
      tpu.wait_dma2 semaphore(%arg17 : memref<!tpu.dma_semaphore, #tpu.memory_space<semaphore_mem>>) src(%arg13 : memref<80x768xf32, #tpu.memory_space<vmem>>) dst(%dma_wait3A_193 : memref<80x768xf32, #tpu.memory_space<hbm>>)
      %dma_start3A_194 = arith.constant 640 : i32
      %dma_start3A_195 = tpu.memref_slice %arg12[%dma_start3A_194] : memref<800xi32, #tpu.memory_space<vmem>> -> memref<80xi32, #tpu.memory_space<vmem>>
      %dma_start3A_196 = arith.constant 0 : i32
      %dma_start3A_197 = arith.constant 0 : i32
      %dma_start3A_198 = tpu.memref_slice %arg2[%dma_start3A_196, %dma_start3A_197] : memref<720x768xf32, #tpu.memory_space<hbm>> -> memref<720x768xf32, #tpu.memory_space<hbm>>
      tpu.enqueue_indirect_dma source(%dma_start3A_198 : memref<720x768xf32, #tpu.memory_space<hbm>>) target(%arg13 : memref<80x768xf32, #tpu.memory_space<vmem>>) offsets(%dma_start3A_195 : memref<80xi32, #tpu.memory_space<vmem>>) semaphore(%arg15 : memref<!tpu.dma_semaphore, #tpu.memory_space<semaphore_mem>>)
      %dma_wait3A_199 = arith.constant 560 : i32
      %dma_wait3A_200 = tpu.memref_slice %arg12[%dma_wait3A_199] : memref<800xi32, #tpu.memory_space<vmem>> -> memref<80xi32, #tpu.memory_space<vmem>>
      %dma_wait3A_201 = arith.constant 0 : i32
      %dma_wait3A_202 = arith.constant 0 : i32
      %dma_wait3A_203 = tpu.memref_slice %arg2[%dma_wait3A_201, %dma_wait3A_202] : memref<720x768xf32, #tpu.memory_space<hbm>> -> memref<720x768xf32, #tpu.memory_space<hbm>>
      tpu.wait_indirect_dma semaphore(%arg16 : memref<!tpu.dma_semaphore, #tpu.memory_space<semaphore_mem>>) src(%dma_wait3A_203 : memref<720x768xf32, #tpu.memory_space<hbm>>) dst(%arg14 : memref<80x768xf32, #tpu.memory_space<vmem>>)
      %add3A_204 = arith.constant 560 : i32
      %add3A_205 = arith.addi %mul3A_32, %add3A_204 : i32
      %dma_start3A_206 = arith.constant 0 : i32
      %dma_start3A_207 = tpu.memref_slice %arg8[%add3A_205, %dma_start3A_206] : memref<6400x768xf32, #tpu.memory_space<hbm>> -> memref<80x768xf32, #tpu.memory_space<hbm>>
      %dma_start3A_208 = arith.constant 0 : i32
      %dma_start3A_209 = tpu.memref_slice %arg8[%add3A_205, %dma_start3A_208] : memref<6400x768xf32, #tpu.memory_space<hbm>> -> memref<80x768xf32, #tpu.memory_space<hbm>>
      tpu.enqueue_dma source(%arg14 : memref<80x768xf32, #tpu.memory_space<vmem>>) target(%dma_start3A_209 : memref<80x768xf32, #tpu.memory_space<hbm>>) target_semaphore(%arg18 : memref<!tpu.dma_semaphore, #tpu.memory_space<semaphore_mem>>)
      %dma_wait3A_210 = arith.constant 0 : i32
      %dma_wait3A_211 = tpu.memref_slice %arg8[%add3A_205, %dma_wait3A_210] : memref<6400x768xf32, #tpu.memory_space<hbm>> -> memref<80x768xf32, #tpu.memory_space<hbm>>
      %dma_wait3A_212 = arith.constant 0 : i32
      %dma_wait3A_213 = tpu.memref_slice %arg8[%add3A_205, %dma_wait3A_212] : memref<6400x768xf32, #tpu.memory_space<hbm>> -> memref<80x768xf32, #tpu.memory_space<hbm>>
      tpu.wait_dma2 semaphore(%arg18 : memref<!tpu.dma_semaphore, #tpu.memory_space<semaphore_mem>>) src(%arg14 : memref<80x768xf32, #tpu.memory_space<vmem>>) dst(%dma_wait3A_213 : memref<80x768xf32, #tpu.memory_space<hbm>>)
      %dma_start3A_214 = arith.constant 720 : i32
      %dma_start3A_215 = tpu.memref_slice %arg12[%dma_start3A_214] : memref<800xi32, #tpu.memory_space<vmem>> -> memref<80xi32, #tpu.memory_space<vmem>>
      %dma_start3A_216 = arith.constant 0 : i32
      %dma_start3A_217 = arith.constant 0 : i32
      %dma_start3A_218 = tpu.memref_slice %arg2[%dma_start3A_216, %dma_start3A_217] : memref<720x768xf32, #tpu.memory_space<hbm>> -> memref<720x768xf32, #tpu.memory_space<hbm>>
      tpu.enqueue_indirect_dma source(%dma_start3A_218 : memref<720x768xf32, #tpu.memory_space<hbm>>) target(%arg14 : memref<80x768xf32, #tpu.memory_space<vmem>>) offsets(%dma_start3A_215 : memref<80xi32, #tpu.memory_space<vmem>>) semaphore(%arg16 : memref<!tpu.dma_semaphore, #tpu.memory_space<semaphore_mem>>)
      %dma_wait3A_219 = arith.constant 640 : i32
      %dma_wait3A_220 = tpu.memref_slice %arg12[%dma_wait3A_219] : memref<800xi32, #tpu.memory_space<vmem>> -> memref<80xi32, #tpu.memory_space<vmem>>
      %dma_wait3A_221 = arith.constant 0 : i32
      %dma_wait3A_222 = arith.constant 0 : i32
      %dma_wait3A_223 = tpu.memref_slice %arg2[%dma_wait3A_221, %dma_wait3A_222] : memref<720x768xf32, #tpu.memory_space<hbm>> -> memref<720x768xf32, #tpu.memory_space<hbm>>
      tpu.wait_indirect_dma semaphore(%arg15 : memref<!tpu.dma_semaphore, #tpu.memory_space<semaphore_mem>>) src(%dma_wait3A_223 : memref<720x768xf32, #tpu.memory_space<hbm>>) dst(%arg13 : memref<80x768xf32, #tpu.memory_space<vmem>>)
      %add3A_224 = arith.constant 640 : i32
      %add3A_225 = arith.addi %mul3A_32, %add3A_224 : i32
      %dma_start3A_226 = arith.constant 0 : i32
      %dma_start3A_227 = tpu.memref_slice %arg8[%add3A_225, %dma_start3A_226] : memref<6400x768xf32, #tpu.memory_space<hbm>> -> memref<80x768xf32, #tpu.memory_space<hbm>>
      %dma_start3A_228 = arith.constant 0 : i32
      %dma_start3A_229 = tpu.memref_slice %arg8[%add3A_225, %dma_start3A_228] : memref<6400x768xf32, #tpu.memory_space<hbm>> -> memref<80x768xf32, #tpu.memory_space<hbm>>
      tpu.enqueue_dma source(%arg13 : memref<80x768xf32, #tpu.memory_space<vmem>>) target(%dma_start3A_229 : memref<80x768xf32, #tpu.memory_space<hbm>>) target_semaphore(%arg17 : memref<!tpu.dma_semaphore, #tpu.memory_space<semaphore_mem>>)
      %dma_wait3A_230 = arith.constant 720 : i32
      %dma_wait3A_231 = tpu.memref_slice %arg12[%dma_wait3A_230] : memref<800xi32, #tpu.memory_space<vmem>> -> memref<80xi32, #tpu.memory_space<vmem>>
      %dma_wait3A_232 = arith.constant 0 : i32
      %dma_wait3A_233 = arith.constant 0 : i32
      %dma_wait3A_234 = tpu.memref_slice %arg2[%dma_wait3A_232, %dma_wait3A_233] : memref<720x768xf32, #tpu.memory_space<hbm>> -> memref<720x768xf32, #tpu.memory_space<hbm>>
      tpu.wait_indirect_dma semaphore(%arg16 : memref<!tpu.dma_semaphore, #tpu.memory_space<semaphore_mem>>) src(%dma_wait3A_234 : memref<720x768xf32, #tpu.memory_space<hbm>>) dst(%arg14 : memref<80x768xf32, #tpu.memory_space<vmem>>)
      %add3A_235 = arith.constant 720 : i32
      %add3A_236 = arith.addi %mul3A_32, %add3A_235 : i32
      %dma_start3A_237 = arith.constant 0 : i32
      %dma_start3A_238 = tpu.memref_slice %arg8[%add3A_236, %dma_start3A_237] : memref<6400x768xf32, #tpu.memory_space<hbm>> -> memref<80x768xf32, #tpu.memory_space<hbm>>
      %dma_start3A_239 = arith.constant 0 : i32
      %dma_start3A_240 = tpu.memref_slice %arg8[%add3A_236, %dma_start3A_239] : memref<6400x768xf32, #tpu.memory_space<hbm>> -> memref<80x768xf32, #tpu.memory_space<hbm>>
      tpu.enqueue_dma source(%arg14 : memref<80x768xf32, #tpu.memory_space<vmem>>) target(%dma_start3A_240 : memref<80x768xf32, #tpu.memory_space<hbm>>) target_semaphore(%arg18 : memref<!tpu.dma_semaphore, #tpu.memory_space<semaphore_mem>>)
      %dma_wait3A_241 = arith.constant 0 : i32
      %dma_wait3A_242 = tpu.memref_slice %arg8[%add3A_225, %dma_wait3A_241] : memref<6400x768xf32, #tpu.memory_space<hbm>> -> memref<80x768xf32, #tpu.memory_space<hbm>>
      %dma_wait3A_243 = arith.constant 0 : i32
      %dma_wait3A_244 = tpu.memref_slice %arg8[%add3A_225, %dma_wait3A_243] : memref<6400x768xf32, #tpu.memory_space<hbm>> -> memref<80x768xf32, #tpu.memory_space<hbm>>
      tpu.wait_dma2 semaphore(%arg17 : memref<!tpu.dma_semaphore, #tpu.memory_space<semaphore_mem>>) src(%arg13 : memref<80x768xf32, #tpu.memory_space<vmem>>) dst(%dma_wait3A_244 : memref<80x768xf32, #tpu.memory_space<hbm>>)
      %dma_wait3A_245 = arith.constant 0 : i32
      %dma_wait3A_246 = tpu.memref_slice %arg8[%add3A_236, %dma_wait3A_245] : memref<6400x768xf32, #tpu.memory_space<hbm>> -> memref<80x768xf32, #tpu.memory_space<hbm>>
      %dma_wait3A_247 = arith.constant 0 : i32
      %dma_wait3A_248 = tpu.memref_slice %arg8[%add3A_236, %dma_wait3A_247] : memref<6400x768xf32, #tpu.memory_space<hbm>> -> memref<80x768xf32, #tpu.memory_space<hbm>>
      tpu.wait_dma2 semaphore(%arg18 : memref<!tpu.dma_semaphore, #tpu.memory_space<semaphore_mem>>) src(%arg14 : memref<80x768xf32, #tpu.memory_space<vmem>>) dst(%dma_wait3A_248 : memref<80x768xf32, #tpu.memory_space<hbm>>)
    } else {
    }
    %eq3A_36 = arith.constant 1 : i32
    %eq3A_37 = arith.cmpi eq, %select_n3A, %eq3A_36 : i32
    %convert_element_type3A_38 = arith.extui %eq3A_37 : i1 to i32
    %cond3A_39 = arith.constant 0 : i32
    %cond3A_40 = arith.cmpi ne, %convert_element_type3A_38, %cond3A_39 : i32
    scf.if %cond3A_40 {
      "tpu.region"() ({
        %run_scoped3A = tpu.sem_alloc : memref<!tpu.dma_semaphore, #tpu.memory_space<semaphore_mem>>
        %dma_start3A_249 = tpu.memref_slice %arg5[%mul3A_32] : memref<8192xi32, #tpu.memory_space<hbm>> -> memref<800xi32, #tpu.memory_space<hbm>>
        %dma_start3A_250 = tpu.memref_slice %arg5[%mul3A_32] : memref<8192xi32, #tpu.memory_space<hbm>> -> memref<800xi32, #tpu.memory_space<hbm>>
        tpu.enqueue_dma source(%dma_start3A_250 : memref<800xi32, #tpu.memory_space<hbm>>) target(%arg12 : memref<800xi32, #tpu.memory_space<vmem>>) target_semaphore(%run_scoped3A : memref<!tpu.dma_semaphore, #tpu.memory_space<semaphore_mem>>)
        %dma_wait3A_251 = tpu.memref_slice %arg5[%mul3A_32] : memref<8192xi32, #tpu.memory_space<hbm>> -> memref<800xi32, #tpu.memory_space<hbm>>
        %dma_wait3A_252 = tpu.memref_slice %arg5[%mul3A_32] : memref<8192xi32, #tpu.memory_space<hbm>> -> memref<800xi32, #tpu.memory_space<hbm>>
        tpu.wait_dma2 semaphore(%run_scoped3A : memref<!tpu.dma_semaphore, #tpu.memory_space<semaphore_mem>>) src(%dma_wait3A_252 : memref<800xi32, #tpu.memory_space<hbm>>) dst(%arg12 : memref<800xi32, #tpu.memory_space<vmem>>)
        tpu.yield
      }) : () -> ()
      %dma_start3A = arith.constant 0 : i32
      %dma_start3A_51 = tpu.memref_slice %arg12[%dma_start3A] : memref<800xi32, #tpu.memory_space<vmem>> -> memref<80xi32, #tpu.memory_space<vmem>>
      %dma_start3A_52 = arith.constant 0 : i32
      %dma_start3A_53 = arith.constant 0 : i32
      %dma_start3A_54 = tpu.memref_slice %arg2[%dma_start3A_52, %dma_start3A_53] : memref<720x768xf32, #tpu.memory_space<hbm>> -> memref<720x768xf32, #tpu.memory_space<hbm>>
      tpu.enqueue_indirect_dma source(%dma_start3A_54 : memref<720x768xf32, #tpu.memory_space<hbm>>) target(%arg13 : memref<80x768xf32, #tpu.memory_space<vmem>>) offsets(%dma_start3A_51 : memref<80xi32, #tpu.memory_space<vmem>>) semaphore(%arg15 : memref<!tpu.dma_semaphore, #tpu.memory_space<semaphore_mem>>)
      %dma_start3A_55 = arith.constant 80 : i32
      %dma_start3A_56 = tpu.memref_slice %arg12[%dma_start3A_55] : memref<800xi32, #tpu.memory_space<vmem>> -> memref<80xi32, #tpu.memory_space<vmem>>
      %dma_start3A_57 = arith.constant 0 : i32
      %dma_start3A_58 = arith.constant 0 : i32
      %dma_start3A_59 = tpu.memref_slice %arg2[%dma_start3A_57, %dma_start3A_58] : memref<720x768xf32, #tpu.memory_space<hbm>> -> memref<720x768xf32, #tpu.memory_space<hbm>>
      tpu.enqueue_indirect_dma source(%dma_start3A_59 : memref<720x768xf32, #tpu.memory_space<hbm>>) target(%arg14 : memref<80x768xf32, #tpu.memory_space<vmem>>) offsets(%dma_start3A_56 : memref<80xi32, #tpu.memory_space<vmem>>) semaphore(%arg16 : memref<!tpu.dma_semaphore, #tpu.memory_space<semaphore_mem>>)
      %dma_wait3A = arith.constant 0 : i32
      %dma_wait3A_60 = tpu.memref_slice %arg12[%dma_wait3A] : memref<800xi32, #tpu.memory_space<vmem>> -> memref<80xi32, #tpu.memory_space<vmem>>
      %dma_wait3A_61 = arith.constant 0 : i32
      %dma_wait3A_62 = arith.constant 0 : i32
      %dma_wait3A_63 = tpu.memref_slice %arg2[%dma_wait3A_61, %dma_wait3A_62] : memref<720x768xf32, #tpu.memory_space<hbm>> -> memref<720x768xf32, #tpu.memory_space<hbm>>
      tpu.wait_indirect_dma semaphore(%arg15 : memref<!tpu.dma_semaphore, #tpu.memory_space<semaphore_mem>>) src(%dma_wait3A_63 : memref<720x768xf32, #tpu.memory_space<hbm>>) dst(%arg13 : memref<80x768xf32, #tpu.memory_space<vmem>>)
      %add3A_64 = arith.constant 0 : i32
      %add3A_65 = arith.addi %mul3A_32, %add3A_64 : i32
      %dma_start3A_66 = arith.constant 0 : i32
      %dma_start3A_67 = tpu.memref_slice %arg9[%add3A_65, %dma_start3A_66] : memref<6400x768xf32, #tpu.memory_space<hbm>> -> memref<80x768xf32, #tpu.memory_space<hbm>>
      %dma_start3A_68 = arith.constant 0 : i32
      %dma_start3A_69 = tpu.memref_slice %arg9[%add3A_65, %dma_start3A_68] : memref<6400x768xf32, #tpu.memory_space<hbm>> -> memref<80x768xf32, #tpu.memory_space<hbm>>
      tpu.enqueue_dma source(%arg13 : memref<80x768xf32, #tpu.memory_space<vmem>>) target(%dma_start3A_69 : memref<80x768xf32, #tpu.memory_space<hbm>>) target_semaphore(%arg17 : memref<!tpu.dma_semaphore, #tpu.memory_space<semaphore_mem>>)
      %dma_wait3A_70 = arith.constant 0 : i32
      %dma_wait3A_71 = tpu.memref_slice %arg9[%add3A_65, %dma_wait3A_70] : memref<6400x768xf32, #tpu.memory_space<hbm>> -> memref<80x768xf32, #tpu.memory_space<hbm>>
      %dma_wait3A_72 = arith.constant 0 : i32
      %dma_wait3A_73 = tpu.memref_slice %arg9[%add3A_65, %dma_wait3A_72] : memref<6400x768xf32, #tpu.memory_space<hbm>> -> memref<80x768xf32, #tpu.memory_space<hbm>>
      tpu.wait_dma2 semaphore(%arg17 : memref<!tpu.dma_semaphore, #tpu.memory_space<semaphore_mem>>) src(%arg13 : memref<80x768xf32, #tpu.memory_space<vmem>>) dst(%dma_wait3A_73 : memref<80x768xf32, #tpu.memory_space<hbm>>)
      %dma_start3A_74 = arith.constant 160 : i32
      %dma_start3A_75 = tpu.memref_slice %arg12[%dma_start3A_74] : memref<800xi32, #tpu.memory_space<vmem>> -> memref<80xi32, #tpu.memory_space<vmem>>
      %dma_start3A_76 = arith.constant 0 : i32
      %dma_start3A_77 = arith.constant 0 : i32
      %dma_start3A_78 = tpu.memref_slice %arg2[%dma_start3A_76, %dma_start3A_77] : memref<720x768xf32, #tpu.memory_space<hbm>> -> memref<720x768xf32, #tpu.memory_space<hbm>>
      tpu.enqueue_indirect_dma source(%dma_start3A_78 : memref<720x768xf32, #tpu.memory_space<hbm>>) target(%arg13 : memref<80x768xf32, #tpu.memory_space<vmem>>) offsets(%dma_start3A_75 : memref<80xi32, #tpu.memory_space<vmem>>) semaphore(%arg15 : memref<!tpu.dma_semaphore, #tpu.memory_space<semaphore_mem>>)
      %dma_wait3A_79 = arith.constant 80 : i32
      %dma_wait3A_80 = tpu.memref_slice %arg12[%dma_wait3A_79] : memref<800xi32, #tpu.memory_space<vmem>> -> memref<80xi32, #tpu.memory_space<vmem>>
      %dma_wait3A_81 = arith.constant 0 : i32
      %dma_wait3A_82 = arith.constant 0 : i32
      %dma_wait3A_83 = tpu.memref_slice %arg2[%dma_wait3A_81, %dma_wait3A_82] : memref<720x768xf32, #tpu.memory_space<hbm>> -> memref<720x768xf32, #tpu.memory_space<hbm>>
      tpu.wait_indirect_dma semaphore(%arg16 : memref<!tpu.dma_semaphore, #tpu.memory_space<semaphore_mem>>) src(%dma_wait3A_83 : memref<720x768xf32, #tpu.memory_space<hbm>>) dst(%arg14 : memref<80x768xf32, #tpu.memory_space<vmem>>)
      %add3A_84 = arith.constant 80 : i32
      %add3A_85 = arith.addi %mul3A_32, %add3A_84 : i32
      %dma_start3A_86 = arith.constant 0 : i32
      %dma_start3A_87 = tpu.memref_slice %arg9[%add3A_85, %dma_start3A_86] : memref<6400x768xf32, #tpu.memory_space<hbm>> -> memref<80x768xf32, #tpu.memory_space<hbm>>
      %dma_start3A_88 = arith.constant 0 : i32
      %dma_start3A_89 = tpu.memref_slice %arg9[%add3A_85, %dma_start3A_88] : memref<6400x768xf32, #tpu.memory_space<hbm>> -> memref<80x768xf32, #tpu.memory_space<hbm>>
      tpu.enqueue_dma source(%arg14 : memref<80x768xf32, #tpu.memory_space<vmem>>) target(%dma_start3A_89 : memref<80x768xf32, #tpu.memory_space<hbm>>) target_semaphore(%arg18 : memref<!tpu.dma_semaphore, #tpu.memory_space<semaphore_mem>>)
      %dma_wait3A_90 = arith.constant 0 : i32
      %dma_wait3A_91 = tpu.memref_slice %arg9[%add3A_85, %dma_wait3A_90] : memref<6400x768xf32, #tpu.memory_space<hbm>> -> memref<80x768xf32, #tpu.memory_space<hbm>>
      %dma_wait3A_92 = arith.constant 0 : i32
      %dma_wait3A_93 = tpu.memref_slice %arg9[%add3A_85, %dma_wait3A_92] : memref<6400x768xf32, #tpu.memory_space<hbm>> -> memref<80x768xf32, #tpu.memory_space<hbm>>
      tpu.wait_dma2 semaphore(%arg18 : memref<!tpu.dma_semaphore, #tpu.memory_space<semaphore_mem>>) src(%arg14 : memref<80x768xf32, #tpu.memory_space<vmem>>) dst(%dma_wait3A_93 : memref<80x768xf32, #tpu.memory_space<hbm>>)
      %dma_start3A_94 = arith.constant 240 : i32
      %dma_start3A_95 = tpu.memref_slice %arg12[%dma_start3A_94] : memref<800xi32, #tpu.memory_space<vmem>> -> memref<80xi32, #tpu.memory_space<vmem>>
      %dma_start3A_96 = arith.constant 0 : i32
      %dma_start3A_97 = arith.constant 0 : i32
      %dma_start3A_98 = tpu.memref_slice %arg2[%dma_start3A_96, %dma_start3A_97] : memref<720x768xf32, #tpu.memory_space<hbm>> -> memref<720x768xf32, #tpu.memory_space<hbm>>
      tpu.enqueue_indirect_dma source(%dma_start3A_98 : memref<720x768xf32, #tpu.memory_space<hbm>>) target(%arg14 : memref<80x768xf32, #tpu.memory_space<vmem>>) offsets(%dma_start3A_95 : memref<80xi32, #tpu.memory_space<vmem>>) semaphore(%arg16 : memref<!tpu.dma_semaphore, #tpu.memory_space<semaphore_mem>>)
      %dma_wait3A_99 = arith.constant 160 : i32
      %dma_wait3A_100 = tpu.memref_slice %arg12[%dma_wait3A_99] : memref<800xi32, #tpu.memory_space<vmem>> -> memref<80xi32, #tpu.memory_space<vmem>>
      %dma_wait3A_101 = arith.constant 0 : i32
      %dma_wait3A_102 = arith.constant 0 : i32
      %dma_wait3A_103 = tpu.memref_slice %arg2[%dma_wait3A_101, %dma_wait3A_102] : memref<720x768xf32, #tpu.memory_space<hbm>> -> memref<720x768xf32, #tpu.memory_space<hbm>>
      tpu.wait_indirect_dma semaphore(%arg15 : memref<!tpu.dma_semaphore, #tpu.memory_space<semaphore_mem>>) src(%dma_wait3A_103 : memref<720x768xf32, #tpu.memory_space<hbm>>) dst(%arg13 : memref<80x768xf32, #tpu.memory_space<vmem>>)
      %add3A_104 = arith.constant 160 : i32
      %add3A_105 = arith.addi %mul3A_32, %add3A_104 : i32
      %dma_start3A_106 = arith.constant 0 : i32
      %dma_start3A_107 = tpu.memref_slice %arg9[%add3A_105, %dma_start3A_106] : memref<6400x768xf32, #tpu.memory_space<hbm>> -> memref<80x768xf32, #tpu.memory_space<hbm>>
      %dma_start3A_108 = arith.constant 0 : i32
      %dma_start3A_109 = tpu.memref_slice %arg9[%add3A_105, %dma_start3A_108] : memref<6400x768xf32, #tpu.memory_space<hbm>> -> memref<80x768xf32, #tpu.memory_space<hbm>>
      tpu.enqueue_dma source(%arg13 : memref<80x768xf32, #tpu.memory_space<vmem>>) target(%dma_start3A_109 : memref<80x768xf32, #tpu.memory_space<hbm>>) target_semaphore(%arg17 : memref<!tpu.dma_semaphore, #tpu.memory_space<semaphore_mem>>)
      %dma_wait3A_110 = arith.constant 0 : i32
      %dma_wait3A_111 = tpu.memref_slice %arg9[%add3A_105, %dma_wait3A_110] : memref<6400x768xf32, #tpu.memory_space<hbm>> -> memref<80x768xf32, #tpu.memory_space<hbm>>
      %dma_wait3A_112 = arith.constant 0 : i32
      %dma_wait3A_113 = tpu.memref_slice %arg9[%add3A_105, %dma_wait3A_112] : memref<6400x768xf32, #tpu.memory_space<hbm>> -> memref<80x768xf32, #tpu.memory_space<hbm>>
      tpu.wait_dma2 semaphore(%arg17 : memref<!tpu.dma_semaphore, #tpu.memory_space<semaphore_mem>>) src(%arg13 : memref<80x768xf32, #tpu.memory_space<vmem>>) dst(%dma_wait3A_113 : memref<80x768xf32, #tpu.memory_space<hbm>>)
      %dma_start3A_114 = arith.constant 320 : i32
      %dma_start3A_115 = tpu.memref_slice %arg12[%dma_start3A_114] : memref<800xi32, #tpu.memory_space<vmem>> -> memref<80xi32, #tpu.memory_space<vmem>>
      %dma_start3A_116 = arith.constant 0 : i32
      %dma_start3A_117 = arith.constant 0 : i32
      %dma_start3A_118 = tpu.memref_slice %arg2[%dma_start3A_116, %dma_start3A_117] : memref<720x768xf32, #tpu.memory_space<hbm>> -> memref<720x768xf32, #tpu.memory_space<hbm>>
      tpu.enqueue_indirect_dma source(%dma_start3A_118 : memref<720x768xf32, #tpu.memory_space<hbm>>) target(%arg13 : memref<80x768xf32, #tpu.memory_space<vmem>>) offsets(%dma_start3A_115 : memref<80xi32, #tpu.memory_space<vmem>>) semaphore(%arg15 : memref<!tpu.dma_semaphore, #tpu.memory_space<semaphore_mem>>)
      %dma_wait3A_119 = arith.constant 240 : i32
      %dma_wait3A_120 = tpu.memref_slice %arg12[%dma_wait3A_119] : memref<800xi32, #tpu.memory_space<vmem>> -> memref<80xi32, #tpu.memory_space<vmem>>
      %dma_wait3A_121 = arith.constant 0 : i32
      %dma_wait3A_122 = arith.constant 0 : i32
      %dma_wait3A_123 = tpu.memref_slice %arg2[%dma_wait3A_121, %dma_wait3A_122] : memref<720x768xf32, #tpu.memory_space<hbm>> -> memref<720x768xf32, #tpu.memory_space<hbm>>
      tpu.wait_indirect_dma semaphore(%arg16 : memref<!tpu.dma_semaphore, #tpu.memory_space<semaphore_mem>>) src(%dma_wait3A_123 : memref<720x768xf32, #tpu.memory_space<hbm>>) dst(%arg14 : memref<80x768xf32, #tpu.memory_space<vmem>>)
      %add3A_124 = arith.constant 240 : i32
      %add3A_125 = arith.addi %mul3A_32, %add3A_124 : i32
      %dma_start3A_126 = arith.constant 0 : i32
      %dma_start3A_127 = tpu.memref_slice %arg9[%add3A_125, %dma_start3A_126] : memref<6400x768xf32, #tpu.memory_space<hbm>> -> memref<80x768xf32, #tpu.memory_space<hbm>>
      %dma_start3A_128 = arith.constant 0 : i32
      %dma_start3A_129 = tpu.memref_slice %arg9[%add3A_125, %dma_start3A_128] : memref<6400x768xf32, #tpu.memory_space<hbm>> -> memref<80x768xf32, #tpu.memory_space<hbm>>
      tpu.enqueue_dma source(%arg14 : memref<80x768xf32, #tpu.memory_space<vmem>>) target(%dma_start3A_129 : memref<80x768xf32, #tpu.memory_space<hbm>>) target_semaphore(%arg18 : memref<!tpu.dma_semaphore, #tpu.memory_space<semaphore_mem>>)
      %dma_wait3A_130 = arith.constant 0 : i32
      %dma_wait3A_131 = tpu.memref_slice %arg9[%add3A_125, %dma_wait3A_130] : memref<6400x768xf32, #tpu.memory_space<hbm>> -> memref<80x768xf32, #tpu.memory_space<hbm>>
      %dma_wait3A_132 = arith.constant 0 : i32
      %dma_wait3A_133 = tpu.memref_slice %arg9[%add3A_125, %dma_wait3A_132] : memref<6400x768xf32, #tpu.memory_space<hbm>> -> memref<80x768xf32, #tpu.memory_space<hbm>>
      tpu.wait_dma2 semaphore(%arg18 : memref<!tpu.dma_semaphore, #tpu.memory_space<semaphore_mem>>) src(%arg14 : memref<80x768xf32, #tpu.memory_space<vmem>>) dst(%dma_wait3A_133 : memref<80x768xf32, #tpu.memory_space<hbm>>)
      %dma_start3A_134 = arith.constant 400 : i32
      %dma_start3A_135 = tpu.memref_slice %arg12[%dma_start3A_134] : memref<800xi32, #tpu.memory_space<vmem>> -> memref<80xi32, #tpu.memory_space<vmem>>
      %dma_start3A_136 = arith.constant 0 : i32
      %dma_start3A_137 = arith.constant 0 : i32
      %dma_start3A_138 = tpu.memref_slice %arg2[%dma_start3A_136, %dma_start3A_137] : memref<720x768xf32, #tpu.memory_space<hbm>> -> memref<720x768xf32, #tpu.memory_space<hbm>>
      tpu.enqueue_indirect_dma source(%dma_start3A_138 : memref<720x768xf32, #tpu.memory_space<hbm>>) target(%arg14 : memref<80x768xf32, #tpu.memory_space<vmem>>) offsets(%dma_start3A_135 : memref<80xi32, #tpu.memory_space<vmem>>) semaphore(%arg16 : memref<!tpu.dma_semaphore, #tpu.memory_space<semaphore_mem>>)
      %dma_wait3A_139 = arith.constant 320 : i32
      %dma_wait3A_140 = tpu.memref_slice %arg12[%dma_wait3A_139] : memref<800xi32, #tpu.memory_space<vmem>> -> memref<80xi32, #tpu.memory_space<vmem>>
      %dma_wait3A_141 = arith.constant 0 : i32
      %dma_wait3A_142 = arith.constant 0 : i32
      %dma_wait3A_143 = tpu.memref_slice %arg2[%dma_wait3A_141, %dma_wait3A_142] : memref<720x768xf32, #tpu.memory_space<hbm>> -> memref<720x768xf32, #tpu.memory_space<hbm>>
      tpu.wait_indirect_dma semaphore(%arg15 : memref<!tpu.dma_semaphore, #tpu.memory_space<semaphore_mem>>) src(%dma_wait3A_143 : memref<720x768xf32, #tpu.memory_space<hbm>>) dst(%arg13 : memref<80x768xf32, #tpu.memory_space<vmem>>)
      %add3A_144 = arith.constant 320 : i32
      %add3A_145 = arith.addi %mul3A_32, %add3A_144 : i32
      %dma_start3A_146 = arith.constant 0 : i32
      %dma_start3A_147 = tpu.memref_slice %arg9[%add3A_145, %dma_start3A_146] : memref<6400x768xf32, #tpu.memory_space<hbm>> -> memref<80x768xf32, #tpu.memory_space<hbm>>
      %dma_start3A_148 = arith.constant 0 : i32
      %dma_start3A_149 = tpu.memref_slice %arg9[%add3A_145, %dma_start3A_148] : memref<6400x768xf32, #tpu.memory_space<hbm>> -> memref<80x768xf32, #tpu.memory_space<hbm>>
      tpu.enqueue_dma source(%arg13 : memref<80x768xf32, #tpu.memory_space<vmem>>) target(%dma_start3A_149 : memref<80x768xf32, #tpu.memory_space<hbm>>) target_semaphore(%arg17 : memref<!tpu.dma_semaphore, #tpu.memory_space<semaphore_mem>>)
      %dma_wait3A_150 = arith.constant 0 : i32
      %dma_wait3A_151 = tpu.memref_slice %arg9[%add3A_145, %dma_wait3A_150] : memref<6400x768xf32, #tpu.memory_space<hbm>> -> memref<80x768xf32, #tpu.memory_space<hbm>>
      %dma_wait3A_152 = arith.constant 0 : i32
      %dma_wait3A_153 = tpu.memref_slice %arg9[%add3A_145, %dma_wait3A_152] : memref<6400x768xf32, #tpu.memory_space<hbm>> -> memref<80x768xf32, #tpu.memory_space<hbm>>
      tpu.wait_dma2 semaphore(%arg17 : memref<!tpu.dma_semaphore, #tpu.memory_space<semaphore_mem>>) src(%arg13 : memref<80x768xf32, #tpu.memory_space<vmem>>) dst(%dma_wait3A_153 : memref<80x768xf32, #tpu.memory_space<hbm>>)
      %dma_start3A_154 = arith.constant 480 : i32
      %dma_start3A_155 = tpu.memref_slice %arg12[%dma_start3A_154] : memref<800xi32, #tpu.memory_space<vmem>> -> memref<80xi32, #tpu.memory_space<vmem>>
      %dma_start3A_156 = arith.constant 0 : i32
      %dma_start3A_157 = arith.constant 0 : i32
      %dma_start3A_158 = tpu.memref_slice %arg2[%dma_start3A_156, %dma_start3A_157] : memref<720x768xf32, #tpu.memory_space<hbm>> -> memref<720x768xf32, #tpu.memory_space<hbm>>
      tpu.enqueue_indirect_dma source(%dma_start3A_158 : memref<720x768xf32, #tpu.memory_space<hbm>>) target(%arg13 : memref<80x768xf32, #tpu.memory_space<vmem>>) offsets(%dma_start3A_155 : memref<80xi32, #tpu.memory_space<vmem>>) semaphore(%arg15 : memref<!tpu.dma_semaphore, #tpu.memory_space<semaphore_mem>>)
      %dma_wait3A_159 = arith.constant 400 : i32
      %dma_wait3A_160 = tpu.memref_slice %arg12[%dma_wait3A_159] : memref<800xi32, #tpu.memory_space<vmem>> -> memref<80xi32, #tpu.memory_space<vmem>>
      %dma_wait3A_161 = arith.constant 0 : i32
      %dma_wait3A_162 = arith.constant 0 : i32
      %dma_wait3A_163 = tpu.memref_slice %arg2[%dma_wait3A_161, %dma_wait3A_162] : memref<720x768xf32, #tpu.memory_space<hbm>> -> memref<720x768xf32, #tpu.memory_space<hbm>>
      tpu.wait_indirect_dma semaphore(%arg16 : memref<!tpu.dma_semaphore, #tpu.memory_space<semaphore_mem>>) src(%dma_wait3A_163 : memref<720x768xf32, #tpu.memory_space<hbm>>) dst(%arg14 : memref<80x768xf32, #tpu.memory_space<vmem>>)
      %add3A_164 = arith.constant 400 : i32
      %add3A_165 = arith.addi %mul3A_32, %add3A_164 : i32
      %dma_start3A_166 = arith.constant 0 : i32
      %dma_start3A_167 = tpu.memref_slice %arg9[%add3A_165, %dma_start3A_166] : memref<6400x768xf32, #tpu.memory_space<hbm>> -> memref<80x768xf32, #tpu.memory_space<hbm>>
      %dma_start3A_168 = arith.constant 0 : i32
      %dma_start3A_169 = tpu.memref_slice %arg9[%add3A_165, %dma_start3A_168] : memref<6400x768xf32, #tpu.memory_space<hbm>> -> memref<80x768xf32, #tpu.memory_space<hbm>>
      tpu.enqueue_dma source(%arg14 : memref<80x768xf32, #tpu.memory_space<vmem>>) target(%dma_start3A_169 : memref<80x768xf32, #tpu.memory_space<hbm>>) target_semaphore(%arg18 : memref<!tpu.dma_semaphore, #tpu.memory_space<semaphore_mem>>)
      %dma_wait3A_170 = arith.constant 0 : i32
      %dma_wait3A_171 = tpu.memref_slice %arg9[%add3A_165, %dma_wait3A_170] : memref<6400x768xf32, #tpu.memory_space<hbm>> -> memref<80x768xf32, #tpu.memory_space<hbm>>
      %dma_wait3A_172 = arith.constant 0 : i32
      %dma_wait3A_173 = tpu.memref_slice %arg9[%add3A_165, %dma_wait3A_172] : memref<6400x768xf32, #tpu.memory_space<hbm>> -> memref<80x768xf32, #tpu.memory_space<hbm>>
      tpu.wait_dma2 semaphore(%arg18 : memref<!tpu.dma_semaphore, #tpu.memory_space<semaphore_mem>>) src(%arg14 : memref<80x768xf32, #tpu.memory_space<vmem>>) dst(%dma_wait3A_173 : memref<80x768xf32, #tpu.memory_space<hbm>>)
      %dma_start3A_174 = arith.constant 560 : i32
      %dma_start3A_175 = tpu.memref_slice %arg12[%dma_start3A_174] : memref<800xi32, #tpu.memory_space<vmem>> -> memref<80xi32, #tpu.memory_space<vmem>>
      %dma_start3A_176 = arith.constant 0 : i32
      %dma_start3A_177 = arith.constant 0 : i32
      %dma_start3A_178 = tpu.memref_slice %arg2[%dma_start3A_176, %dma_start3A_177] : memref<720x768xf32, #tpu.memory_space<hbm>> -> memref<720x768xf32, #tpu.memory_space<hbm>>
      tpu.enqueue_indirect_dma source(%dma_start3A_178 : memref<720x768xf32, #tpu.memory_space<hbm>>) target(%arg14 : memref<80x768xf32, #tpu.memory_space<vmem>>) offsets(%dma_start3A_175 : memref<80xi32, #tpu.memory_space<vmem>>) semaphore(%arg16 : memref<!tpu.dma_semaphore, #tpu.memory_space<semaphore_mem>>)
      %dma_wait3A_179 = arith.constant 480 : i32
      %dma_wait3A_180 = tpu.memref_slice %arg12[%dma_wait3A_179] : memref<800xi32, #tpu.memory_space<vmem>> -> memref<80xi32, #tpu.memory_space<vmem>>
      %dma_wait3A_181 = arith.constant 0 : i32
      %dma_wait3A_182 = arith.constant 0 : i32
      %dma_wait3A_183 = tpu.memref_slice %arg2[%dma_wait3A_181, %dma_wait3A_182] : memref<720x768xf32, #tpu.memory_space<hbm>> -> memref<720x768xf32, #tpu.memory_space<hbm>>
      tpu.wait_indirect_dma semaphore(%arg15 : memref<!tpu.dma_semaphore, #tpu.memory_space<semaphore_mem>>) src(%dma_wait3A_183 : memref<720x768xf32, #tpu.memory_space<hbm>>) dst(%arg13 : memref<80x768xf32, #tpu.memory_space<vmem>>)
      %add3A_184 = arith.constant 480 : i32
      %add3A_185 = arith.addi %mul3A_32, %add3A_184 : i32
      %dma_start3A_186 = arith.constant 0 : i32
      %dma_start3A_187 = tpu.memref_slice %arg9[%add3A_185, %dma_start3A_186] : memref<6400x768xf32, #tpu.memory_space<hbm>> -> memref<80x768xf32, #tpu.memory_space<hbm>>
      %dma_start3A_188 = arith.constant 0 : i32
      %dma_start3A_189 = tpu.memref_slice %arg9[%add3A_185, %dma_start3A_188] : memref<6400x768xf32, #tpu.memory_space<hbm>> -> memref<80x768xf32, #tpu.memory_space<hbm>>
      tpu.enqueue_dma source(%arg13 : memref<80x768xf32, #tpu.memory_space<vmem>>) target(%dma_start3A_189 : memref<80x768xf32, #tpu.memory_space<hbm>>) target_semaphore(%arg17 : memref<!tpu.dma_semaphore, #tpu.memory_space<semaphore_mem>>)
      %dma_wait3A_190 = arith.constant 0 : i32
      %dma_wait3A_191 = tpu.memref_slice %arg9[%add3A_185, %dma_wait3A_190] : memref<6400x768xf32, #tpu.memory_space<hbm>> -> memref<80x768xf32, #tpu.memory_space<hbm>>
      %dma_wait3A_192 = arith.constant 0 : i32
      %dma_wait3A_193 = tpu.memref_slice %arg9[%add3A_185, %dma_wait3A_192] : memref<6400x768xf32, #tpu.memory_space<hbm>> -> memref<80x768xf32, #tpu.memory_space<hbm>>
      tpu.wait_dma2 semaphore(%arg17 : memref<!tpu.dma_semaphore, #tpu.memory_space<semaphore_mem>>) src(%arg13 : memref<80x768xf32, #tpu.memory_space<vmem>>) dst(%dma_wait3A_193 : memref<80x768xf32, #tpu.memory_space<hbm>>)
      %dma_start3A_194 = arith.constant 640 : i32
      %dma_start3A_195 = tpu.memref_slice %arg12[%dma_start3A_194] : memref<800xi32, #tpu.memory_space<vmem>> -> memref<80xi32, #tpu.memory_space<vmem>>
      %dma_start3A_196 = arith.constant 0 : i32
      %dma_start3A_197 = arith.constant 0 : i32
      %dma_start3A_198 = tpu.memref_slice %arg2[%dma_start3A_196, %dma_start3A_197] : memref<720x768xf32, #tpu.memory_space<hbm>> -> memref<720x768xf32, #tpu.memory_space<hbm>>
      tpu.enqueue_indirect_dma source(%dma_start3A_198 : memref<720x768xf32, #tpu.memory_space<hbm>>) target(%arg13 : memref<80x768xf32, #tpu.memory_space<vmem>>) offsets(%dma_start3A_195 : memref<80xi32, #tpu.memory_space<vmem>>) semaphore(%arg15 : memref<!tpu.dma_semaphore, #tpu.memory_space<semaphore_mem>>)
      %dma_wait3A_199 = arith.constant 560 : i32
      %dma_wait3A_200 = tpu.memref_slice %arg12[%dma_wait3A_199] : memref<800xi32, #tpu.memory_space<vmem>> -> memref<80xi32, #tpu.memory_space<vmem>>
      %dma_wait3A_201 = arith.constant 0 : i32
      %dma_wait3A_202 = arith.constant 0 : i32
      %dma_wait3A_203 = tpu.memref_slice %arg2[%dma_wait3A_201, %dma_wait3A_202] : memref<720x768xf32, #tpu.memory_space<hbm>> -> memref<720x768xf32, #tpu.memory_space<hbm>>
      tpu.wait_indirect_dma semaphore(%arg16 : memref<!tpu.dma_semaphore, #tpu.memory_space<semaphore_mem>>) src(%dma_wait3A_203 : memref<720x768xf32, #tpu.memory_space<hbm>>) dst(%arg14 : memref<80x768xf32, #tpu.memory_space<vmem>>)
      %add3A_204 = arith.constant 560 : i32
      %add3A_205 = arith.addi %mul3A_32, %add3A_204 : i32
      %dma_start3A_206 = arith.constant 0 : i32
      %dma_start3A_207 = tpu.memref_slice %arg9[%add3A_205, %dma_start3A_206] : memref<6400x768xf32, #tpu.memory_space<hbm>> -> memref<80x768xf32, #tpu.memory_space<hbm>>
      %dma_start3A_208 = arith.constant 0 : i32
      %dma_start3A_209 = tpu.memref_slice %arg9[%add3A_205, %dma_start3A_208] : memref<6400x768xf32, #tpu.memory_space<hbm>> -> memref<80x768xf32, #tpu.memory_space<hbm>>
      tpu.enqueue_dma source(%arg14 : memref<80x768xf32, #tpu.memory_space<vmem>>) target(%dma_start3A_209 : memref<80x768xf32, #tpu.memory_space<hbm>>) target_semaphore(%arg18 : memref<!tpu.dma_semaphore, #tpu.memory_space<semaphore_mem>>)
      %dma_wait3A_210 = arith.constant 0 : i32
      %dma_wait3A_211 = tpu.memref_slice %arg9[%add3A_205, %dma_wait3A_210] : memref<6400x768xf32, #tpu.memory_space<hbm>> -> memref<80x768xf32, #tpu.memory_space<hbm>>
      %dma_wait3A_212 = arith.constant 0 : i32
      %dma_wait3A_213 = tpu.memref_slice %arg9[%add3A_205, %dma_wait3A_212] : memref<6400x768xf32, #tpu.memory_space<hbm>> -> memref<80x768xf32, #tpu.memory_space<hbm>>
      tpu.wait_dma2 semaphore(%arg18 : memref<!tpu.dma_semaphore, #tpu.memory_space<semaphore_mem>>) src(%arg14 : memref<80x768xf32, #tpu.memory_space<vmem>>) dst(%dma_wait3A_213 : memref<80x768xf32, #tpu.memory_space<hbm>>)
      %dma_start3A_214 = arith.constant 720 : i32
      %dma_start3A_215 = tpu.memref_slice %arg12[%dma_start3A_214] : memref<800xi32, #tpu.memory_space<vmem>> -> memref<80xi32, #tpu.memory_space<vmem>>
      %dma_start3A_216 = arith.constant 0 : i32
      %dma_start3A_217 = arith.constant 0 : i32
      %dma_start3A_218 = tpu.memref_slice %arg2[%dma_start3A_216, %dma_start3A_217] : memref<720x768xf32, #tpu.memory_space<hbm>> -> memref<720x768xf32, #tpu.memory_space<hbm>>
      tpu.enqueue_indirect_dma source(%dma_start3A_218 : memref<720x768xf32, #tpu.memory_space<hbm>>) target(%arg14 : memref<80x768xf32, #tpu.memory_space<vmem>>) offsets(%dma_start3A_215 : memref<80xi32, #tpu.memory_space<vmem>>) semaphore(%arg16 : memref<!tpu.dma_semaphore, #tpu.memory_space<semaphore_mem>>)
      %dma_wait3A_219 = arith.constant 640 : i32
      %dma_wait3A_220 = tpu.memref_slice %arg12[%dma_wait3A_219] : memref<800xi32, #tpu.memory_space<vmem>> -> memref<80xi32, #tpu.memory_space<vmem>>
      %dma_wait3A_221 = arith.constant 0 : i32
      %dma_wait3A_222 = arith.constant 0 : i32
      %dma_wait3A_223 = tpu.memref_slice %arg2[%dma_wait3A_221, %dma_wait3A_222] : memref<720x768xf32, #tpu.memory_space<hbm>> -> memref<720x768xf32, #tpu.memory_space<hbm>>
      tpu.wait_indirect_dma semaphore(%arg15 : memref<!tpu.dma_semaphore, #tpu.memory_space<semaphore_mem>>) src(%dma_wait3A_223 : memref<720x768xf32, #tpu.memory_space<hbm>>) dst(%arg13 : memref<80x768xf32, #tpu.memory_space<vmem>>)
      %add3A_224 = arith.constant 640 : i32
      %add3A_225 = arith.addi %mul3A_32, %add3A_224 : i32
      %dma_start3A_226 = arith.constant 0 : i32
      %dma_start3A_227 = tpu.memref_slice %arg9[%add3A_225, %dma_start3A_226] : memref<6400x768xf32, #tpu.memory_space<hbm>> -> memref<80x768xf32, #tpu.memory_space<hbm>>
      %dma_start3A_228 = arith.constant 0 : i32
      %dma_start3A_229 = tpu.memref_slice %arg9[%add3A_225, %dma_start3A_228] : memref<6400x768xf32, #tpu.memory_space<hbm>> -> memref<80x768xf32, #tpu.memory_space<hbm>>
      tpu.enqueue_dma source(%arg13 : memref<80x768xf32, #tpu.memory_space<vmem>>) target(%dma_start3A_229 : memref<80x768xf32, #tpu.memory_space<hbm>>) target_semaphore(%arg17 : memref<!tpu.dma_semaphore, #tpu.memory_space<semaphore_mem>>)
      %dma_wait3A_230 = arith.constant 720 : i32
      %dma_wait3A_231 = tpu.memref_slice %arg12[%dma_wait3A_230] : memref<800xi32, #tpu.memory_space<vmem>> -> memref<80xi32, #tpu.memory_space<vmem>>
      %dma_wait3A_232 = arith.constant 0 : i32
      %dma_wait3A_233 = arith.constant 0 : i32
      %dma_wait3A_234 = tpu.memref_slice %arg2[%dma_wait3A_232, %dma_wait3A_233] : memref<720x768xf32, #tpu.memory_space<hbm>> -> memref<720x768xf32, #tpu.memory_space<hbm>>
      tpu.wait_indirect_dma semaphore(%arg16 : memref<!tpu.dma_semaphore, #tpu.memory_space<semaphore_mem>>) src(%dma_wait3A_234 : memref<720x768xf32, #tpu.memory_space<hbm>>) dst(%arg14 : memref<80x768xf32, #tpu.memory_space<vmem>>)
      %add3A_235 = arith.constant 720 : i32
      %add3A_236 = arith.addi %mul3A_32, %add3A_235 : i32
      %dma_start3A_237 = arith.constant 0 : i32
      %dma_start3A_238 = tpu.memref_slice %arg9[%add3A_236, %dma_start3A_237] : memref<6400x768xf32, #tpu.memory_space<hbm>> -> memref<80x768xf32, #tpu.memory_space<hbm>>
      %dma_start3A_239 = arith.constant 0 : i32
      %dma_start3A_240 = tpu.memref_slice %arg9[%add3A_236, %dma_start3A_239] : memref<6400x768xf32, #tpu.memory_space<hbm>> -> memref<80x768xf32, #tpu.memory_space<hbm>>
      tpu.enqueue_dma source(%arg14 : memref<80x768xf32, #tpu.memory_space<vmem>>) target(%dma_start3A_240 : memref<80x768xf32, #tpu.memory_space<hbm>>) target_semaphore(%arg18 : memref<!tpu.dma_semaphore, #tpu.memory_space<semaphore_mem>>)
      %dma_wait3A_241 = arith.constant 0 : i32
      %dma_wait3A_242 = tpu.memref_slice %arg9[%add3A_225, %dma_wait3A_241] : memref<6400x768xf32, #tpu.memory_space<hbm>> -> memref<80x768xf32, #tpu.memory_space<hbm>>
      %dma_wait3A_243 = arith.constant 0 : i32
      %dma_wait3A_244 = tpu.memref_slice %arg9[%add3A_225, %dma_wait3A_243] : memref<6400x768xf32, #tpu.memory_space<hbm>> -> memref<80x768xf32, #tpu.memory_space<hbm>>
      tpu.wait_dma2 semaphore(%arg17 : memref<!tpu.dma_semaphore, #tpu.memory_space<semaphore_mem>>) src(%arg13 : memref<80x768xf32, #tpu.memory_space<vmem>>) dst(%dma_wait3A_244 : memref<80x768xf32, #tpu.memory_space<hbm>>)
      %dma_wait3A_245 = arith.constant 0 : i32
      %dma_wait3A_246 = tpu.memref_slice %arg9[%add3A_236, %dma_wait3A_245] : memref<6400x768xf32, #tpu.memory_space<hbm>> -> memref<80x768xf32, #tpu.memory_space<hbm>>
      %dma_wait3A_247 = arith.constant 0 : i32
      %dma_wait3A_248 = tpu.memref_slice %arg9[%add3A_236, %dma_wait3A_247] : memref<6400x768xf32, #tpu.memory_space<hbm>> -> memref<80x768xf32, #tpu.memory_space<hbm>>
      tpu.wait_dma2 semaphore(%arg18 : memref<!tpu.dma_semaphore, #tpu.memory_space<semaphore_mem>>) src(%arg14 : memref<80x768xf32, #tpu.memory_space<vmem>>) dst(%dma_wait3A_248 : memref<80x768xf32, #tpu.memory_space<hbm>>)
    } else {
    }
    %eq3A_41 = arith.constant 2 : i32
    %eq3A_42 = arith.cmpi eq, %select_n3A, %eq3A_41 : i32
    %convert_element_type3A_43 = arith.extui %eq3A_42 : i1 to i32
    %cond3A_44 = arith.constant 0 : i32
    %cond3A_45 = arith.cmpi ne, %convert_element_type3A_43, %cond3A_44 : i32
    scf.if %cond3A_45 {
      "tpu.region"() ({
        %run_scoped3A = tpu.sem_alloc : memref<!tpu.dma_semaphore, #tpu.memory_space<semaphore_mem>>
        %dma_start3A_249 = tpu.memref_slice %arg6[%mul3A_32] : memref<8192xi32, #tpu.memory_space<hbm>> -> memref<800xi32, #tpu.memory_space<hbm>>
        %dma_start3A_250 = tpu.memref_slice %arg6[%mul3A_32] : memref<8192xi32, #tpu.memory_space<hbm>> -> memref<800xi32, #tpu.memory_space<hbm>>
        tpu.enqueue_dma source(%dma_start3A_250 : memref<800xi32, #tpu.memory_space<hbm>>) target(%arg12 : memref<800xi32, #tpu.memory_space<vmem>>) target_semaphore(%run_scoped3A : memref<!tpu.dma_semaphore, #tpu.memory_space<semaphore_mem>>)
        %dma_wait3A_251 = tpu.memref_slice %arg6[%mul3A_32] : memref<8192xi32, #tpu.memory_space<hbm>> -> memref<800xi32, #tpu.memory_space<hbm>>
        %dma_wait3A_252 = tpu.memref_slice %arg6[%mul3A_32] : memref<8192xi32, #tpu.memory_space<hbm>> -> memref<800xi32, #tpu.memory_space<hbm>>
        tpu.wait_dma2 semaphore(%run_scoped3A : memref<!tpu.dma_semaphore, #tpu.memory_space<semaphore_mem>>) src(%dma_wait3A_252 : memref<800xi32, #tpu.memory_space<hbm>>) dst(%arg12 : memref<800xi32, #tpu.memory_space<vmem>>)
        tpu.yield
      }) : () -> ()
      %dma_start3A = arith.constant 0 : i32
      %dma_start3A_51 = tpu.memref_slice %arg12[%dma_start3A] : memref<800xi32, #tpu.memory_space<vmem>> -> memref<80xi32, #tpu.memory_space<vmem>>
      %dma_start3A_52 = arith.constant 0 : i32
      %dma_start3A_53 = arith.constant 0 : i32
      %dma_start3A_54 = tpu.memref_slice %arg3[%dma_start3A_52, %dma_start3A_53] : memref<720x768xf32, #tpu.memory_space<hbm>> -> memref<720x768xf32, #tpu.memory_space<hbm>>
      tpu.enqueue_indirect_dma source(%dma_start3A_54 : memref<720x768xf32, #tpu.memory_space<hbm>>) target(%arg13 : memref<80x768xf32, #tpu.memory_space<vmem>>) offsets(%dma_start3A_51 : memref<80xi32, #tpu.memory_space<vmem>>) semaphore(%arg15 : memref<!tpu.dma_semaphore, #tpu.memory_space<semaphore_mem>>)
      %dma_start3A_55 = arith.constant 80 : i32
      %dma_start3A_56 = tpu.memref_slice %arg12[%dma_start3A_55] : memref<800xi32, #tpu.memory_space<vmem>> -> memref<80xi32, #tpu.memory_space<vmem>>
      %dma_start3A_57 = arith.constant 0 : i32
      %dma_start3A_58 = arith.constant 0 : i32
      %dma_start3A_59 = tpu.memref_slice %arg3[%dma_start3A_57, %dma_start3A_58] : memref<720x768xf32, #tpu.memory_space<hbm>> -> memref<720x768xf32, #tpu.memory_space<hbm>>
      tpu.enqueue_indirect_dma source(%dma_start3A_59 : memref<720x768xf32, #tpu.memory_space<hbm>>) target(%arg14 : memref<80x768xf32, #tpu.memory_space<vmem>>) offsets(%dma_start3A_56 : memref<80xi32, #tpu.memory_space<vmem>>) semaphore(%arg16 : memref<!tpu.dma_semaphore, #tpu.memory_space<semaphore_mem>>)
      %dma_wait3A = arith.constant 0 : i32
      %dma_wait3A_60 = tpu.memref_slice %arg12[%dma_wait3A] : memref<800xi32, #tpu.memory_space<vmem>> -> memref<80xi32, #tpu.memory_space<vmem>>
      %dma_wait3A_61 = arith.constant 0 : i32
      %dma_wait3A_62 = arith.constant 0 : i32
      %dma_wait3A_63 = tpu.memref_slice %arg3[%dma_wait3A_61, %dma_wait3A_62] : memref<720x768xf32, #tpu.memory_space<hbm>> -> memref<720x768xf32, #tpu.memory_space<hbm>>
      tpu.wait_indirect_dma semaphore(%arg15 : memref<!tpu.dma_semaphore, #tpu.memory_space<semaphore_mem>>) src(%dma_wait3A_63 : memref<720x768xf32, #tpu.memory_space<hbm>>) dst(%arg13 : memref<80x768xf32, #tpu.memory_space<vmem>>)
      %add3A_64 = arith.constant 0 : i32
      %add3A_65 = arith.addi %mul3A_32, %add3A_64 : i32
      %dma_start3A_66 = arith.constant 0 : i32
      %dma_start3A_67 = tpu.memref_slice %arg10[%add3A_65, %dma_start3A_66] : memref<6400x768xf32, #tpu.memory_space<hbm>> -> memref<80x768xf32, #tpu.memory_space<hbm>>
      %dma_start3A_68 = arith.constant 0 : i32
      %dma_start3A_69 = tpu.memref_slice %arg10[%add3A_65, %dma_start3A_68] : memref<6400x768xf32, #tpu.memory_space<hbm>> -> memref<80x768xf32, #tpu.memory_space<hbm>>
      tpu.enqueue_dma source(%arg13 : memref<80x768xf32, #tpu.memory_space<vmem>>) target(%dma_start3A_69 : memref<80x768xf32, #tpu.memory_space<hbm>>) target_semaphore(%arg17 : memref<!tpu.dma_semaphore, #tpu.memory_space<semaphore_mem>>)
      %dma_wait3A_70 = arith.constant 0 : i32
      %dma_wait3A_71 = tpu.memref_slice %arg10[%add3A_65, %dma_wait3A_70] : memref<6400x768xf32, #tpu.memory_space<hbm>> -> memref<80x768xf32, #tpu.memory_space<hbm>>
      %dma_wait3A_72 = arith.constant 0 : i32
      %dma_wait3A_73 = tpu.memref_slice %arg10[%add3A_65, %dma_wait3A_72] : memref<6400x768xf32, #tpu.memory_space<hbm>> -> memref<80x768xf32, #tpu.memory_space<hbm>>
      tpu.wait_dma2 semaphore(%arg17 : memref<!tpu.dma_semaphore, #tpu.memory_space<semaphore_mem>>) src(%arg13 : memref<80x768xf32, #tpu.memory_space<vmem>>) dst(%dma_wait3A_73 : memref<80x768xf32, #tpu.memory_space<hbm>>)
      %dma_start3A_74 = arith.constant 160 : i32
      %dma_start3A_75 = tpu.memref_slice %arg12[%dma_start3A_74] : memref<800xi32, #tpu.memory_space<vmem>> -> memref<80xi32, #tpu.memory_space<vmem>>
      %dma_start3A_76 = arith.constant 0 : i32
      %dma_start3A_77 = arith.constant 0 : i32
      %dma_start3A_78 = tpu.memref_slice %arg3[%dma_start3A_76, %dma_start3A_77] : memref<720x768xf32, #tpu.memory_space<hbm>> -> memref<720x768xf32, #tpu.memory_space<hbm>>
      tpu.enqueue_indirect_dma source(%dma_start3A_78 : memref<720x768xf32, #tpu.memory_space<hbm>>) target(%arg13 : memref<80x768xf32, #tpu.memory_space<vmem>>) offsets(%dma_start3A_75 : memref<80xi32, #tpu.memory_space<vmem>>) semaphore(%arg15 : memref<!tpu.dma_semaphore, #tpu.memory_space<semaphore_mem>>)
      %dma_wait3A_79 = arith.constant 80 : i32
      %dma_wait3A_80 = tpu.memref_slice %arg12[%dma_wait3A_79] : memref<800xi32, #tpu.memory_space<vmem>> -> memref<80xi32, #tpu.memory_space<vmem>>
      %dma_wait3A_81 = arith.constant 0 : i32
      %dma_wait3A_82 = arith.constant 0 : i32
      %dma_wait3A_83 = tpu.memref_slice %arg3[%dma_wait3A_81, %dma_wait3A_82] : memref<720x768xf32, #tpu.memory_space<hbm>> -> memref<720x768xf32, #tpu.memory_space<hbm>>
      tpu.wait_indirect_dma semaphore(%arg16 : memref<!tpu.dma_semaphore, #tpu.memory_space<semaphore_mem>>) src(%dma_wait3A_83 : memref<720x768xf32, #tpu.memory_space<hbm>>) dst(%arg14 : memref<80x768xf32, #tpu.memory_space<vmem>>)
      %add3A_84 = arith.constant 80 : i32
      %add3A_85 = arith.addi %mul3A_32, %add3A_84 : i32
      %dma_start3A_86 = arith.constant 0 : i32
      %dma_start3A_87 = tpu.memref_slice %arg10[%add3A_85, %dma_start3A_86] : memref<6400x768xf32, #tpu.memory_space<hbm>> -> memref<80x768xf32, #tpu.memory_space<hbm>>
      %dma_start3A_88 = arith.constant 0 : i32
      %dma_start3A_89 = tpu.memref_slice %arg10[%add3A_85, %dma_start3A_88] : memref<6400x768xf32, #tpu.memory_space<hbm>> -> memref<80x768xf32, #tpu.memory_space<hbm>>
      tpu.enqueue_dma source(%arg14 : memref<80x768xf32, #tpu.memory_space<vmem>>) target(%dma_start3A_89 : memref<80x768xf32, #tpu.memory_space<hbm>>) target_semaphore(%arg18 : memref<!tpu.dma_semaphore, #tpu.memory_space<semaphore_mem>>)
      %dma_wait3A_90 = arith.constant 0 : i32
      %dma_wait3A_91 = tpu.memref_slice %arg10[%add3A_85, %dma_wait3A_90] : memref<6400x768xf32, #tpu.memory_space<hbm>> -> memref<80x768xf32, #tpu.memory_space<hbm>>
      %dma_wait3A_92 = arith.constant 0 : i32
      %dma_wait3A_93 = tpu.memref_slice %arg10[%add3A_85, %dma_wait3A_92] : memref<6400x768xf32, #tpu.memory_space<hbm>> -> memref<80x768xf32, #tpu.memory_space<hbm>>
      tpu.wait_dma2 semaphore(%arg18 : memref<!tpu.dma_semaphore, #tpu.memory_space<semaphore_mem>>) src(%arg14 : memref<80x768xf32, #tpu.memory_space<vmem>>) dst(%dma_wait3A_93 : memref<80x768xf32, #tpu.memory_space<hbm>>)
      %dma_start3A_94 = arith.constant 240 : i32
      %dma_start3A_95 = tpu.memref_slice %arg12[%dma_start3A_94] : memref<800xi32, #tpu.memory_space<vmem>> -> memref<80xi32, #tpu.memory_space<vmem>>
      %dma_start3A_96 = arith.constant 0 : i32
      %dma_start3A_97 = arith.constant 0 : i32
      %dma_start3A_98 = tpu.memref_slice %arg3[%dma_start3A_96, %dma_start3A_97] : memref<720x768xf32, #tpu.memory_space<hbm>> -> memref<720x768xf32, #tpu.memory_space<hbm>>
      tpu.enqueue_indirect_dma source(%dma_start3A_98 : memref<720x768xf32, #tpu.memory_space<hbm>>) target(%arg14 : memref<80x768xf32, #tpu.memory_space<vmem>>) offsets(%dma_start3A_95 : memref<80xi32, #tpu.memory_space<vmem>>) semaphore(%arg16 : memref<!tpu.dma_semaphore, #tpu.memory_space<semaphore_mem>>)
      %dma_wait3A_99 = arith.constant 160 : i32
      %dma_wait3A_100 = tpu.memref_slice %arg12[%dma_wait3A_99] : memref<800xi32, #tpu.memory_space<vmem>> -> memref<80xi32, #tpu.memory_space<vmem>>
      %dma_wait3A_101 = arith.constant 0 : i32
      %dma_wait3A_102 = arith.constant 0 : i32
      %dma_wait3A_103 = tpu.memref_slice %arg3[%dma_wait3A_101, %dma_wait3A_102] : memref<720x768xf32, #tpu.memory_space<hbm>> -> memref<720x768xf32, #tpu.memory_space<hbm>>
      tpu.wait_indirect_dma semaphore(%arg15 : memref<!tpu.dma_semaphore, #tpu.memory_space<semaphore_mem>>) src(%dma_wait3A_103 : memref<720x768xf32, #tpu.memory_space<hbm>>) dst(%arg13 : memref<80x768xf32, #tpu.memory_space<vmem>>)
      %add3A_104 = arith.constant 160 : i32
      %add3A_105 = arith.addi %mul3A_32, %add3A_104 : i32
      %dma_start3A_106 = arith.constant 0 : i32
      %dma_start3A_107 = tpu.memref_slice %arg10[%add3A_105, %dma_start3A_106] : memref<6400x768xf32, #tpu.memory_space<hbm>> -> memref<80x768xf32, #tpu.memory_space<hbm>>
      %dma_start3A_108 = arith.constant 0 : i32
      %dma_start3A_109 = tpu.memref_slice %arg10[%add3A_105, %dma_start3A_108] : memref<6400x768xf32, #tpu.memory_space<hbm>> -> memref<80x768xf32, #tpu.memory_space<hbm>>
      tpu.enqueue_dma source(%arg13 : memref<80x768xf32, #tpu.memory_space<vmem>>) target(%dma_start3A_109 : memref<80x768xf32, #tpu.memory_space<hbm>>) target_semaphore(%arg17 : memref<!tpu.dma_semaphore, #tpu.memory_space<semaphore_mem>>)
      %dma_wait3A_110 = arith.constant 0 : i32
      %dma_wait3A_111 = tpu.memref_slice %arg10[%add3A_105, %dma_wait3A_110] : memref<6400x768xf32, #tpu.memory_space<hbm>> -> memref<80x768xf32, #tpu.memory_space<hbm>>
      %dma_wait3A_112 = arith.constant 0 : i32
      %dma_wait3A_113 = tpu.memref_slice %arg10[%add3A_105, %dma_wait3A_112] : memref<6400x768xf32, #tpu.memory_space<hbm>> -> memref<80x768xf32, #tpu.memory_space<hbm>>
      tpu.wait_dma2 semaphore(%arg17 : memref<!tpu.dma_semaphore, #tpu.memory_space<semaphore_mem>>) src(%arg13 : memref<80x768xf32, #tpu.memory_space<vmem>>) dst(%dma_wait3A_113 : memref<80x768xf32, #tpu.memory_space<hbm>>)
      %dma_start3A_114 = arith.constant 320 : i32
      %dma_start3A_115 = tpu.memref_slice %arg12[%dma_start3A_114] : memref<800xi32, #tpu.memory_space<vmem>> -> memref<80xi32, #tpu.memory_space<vmem>>
      %dma_start3A_116 = arith.constant 0 : i32
      %dma_start3A_117 = arith.constant 0 : i32
      %dma_start3A_118 = tpu.memref_slice %arg3[%dma_start3A_116, %dma_start3A_117] : memref<720x768xf32, #tpu.memory_space<hbm>> -> memref<720x768xf32, #tpu.memory_space<hbm>>
      tpu.enqueue_indirect_dma source(%dma_start3A_118 : memref<720x768xf32, #tpu.memory_space<hbm>>) target(%arg13 : memref<80x768xf32, #tpu.memory_space<vmem>>) offsets(%dma_start3A_115 : memref<80xi32, #tpu.memory_space<vmem>>) semaphore(%arg15 : memref<!tpu.dma_semaphore, #tpu.memory_space<semaphore_mem>>)
      %dma_wait3A_119 = arith.constant 240 : i32
      %dma_wait3A_120 = tpu.memref_slice %arg12[%dma_wait3A_119] : memref<800xi32, #tpu.memory_space<vmem>> -> memref<80xi32, #tpu.memory_space<vmem>>
      %dma_wait3A_121 = arith.constant 0 : i32
      %dma_wait3A_122 = arith.constant 0 : i32
      %dma_wait3A_123 = tpu.memref_slice %arg3[%dma_wait3A_121, %dma_wait3A_122] : memref<720x768xf32, #tpu.memory_space<hbm>> -> memref<720x768xf32, #tpu.memory_space<hbm>>
      tpu.wait_indirect_dma semaphore(%arg16 : memref<!tpu.dma_semaphore, #tpu.memory_space<semaphore_mem>>) src(%dma_wait3A_123 : memref<720x768xf32, #tpu.memory_space<hbm>>) dst(%arg14 : memref<80x768xf32, #tpu.memory_space<vmem>>)
      %add3A_124 = arith.constant 240 : i32
      %add3A_125 = arith.addi %mul3A_32, %add3A_124 : i32
      %dma_start3A_126 = arith.constant 0 : i32
      %dma_start3A_127 = tpu.memref_slice %arg10[%add3A_125, %dma_start3A_126] : memref<6400x768xf32, #tpu.memory_space<hbm>> -> memref<80x768xf32, #tpu.memory_space<hbm>>
      %dma_start3A_128 = arith.constant 0 : i32
      %dma_start3A_129 = tpu.memref_slice %arg10[%add3A_125, %dma_start3A_128] : memref<6400x768xf32, #tpu.memory_space<hbm>> -> memref<80x768xf32, #tpu.memory_space<hbm>>
      tpu.enqueue_dma source(%arg14 : memref<80x768xf32, #tpu.memory_space<vmem>>) target(%dma_start3A_129 : memref<80x768xf32, #tpu.memory_space<hbm>>) target_semaphore(%arg18 : memref<!tpu.dma_semaphore, #tpu.memory_space<semaphore_mem>>)
      %dma_wait3A_130 = arith.constant 0 : i32
      %dma_wait3A_131 = tpu.memref_slice %arg10[%add3A_125, %dma_wait3A_130] : memref<6400x768xf32, #tpu.memory_space<hbm>> -> memref<80x768xf32, #tpu.memory_space<hbm>>
      %dma_wait3A_132 = arith.constant 0 : i32
      %dma_wait3A_133 = tpu.memref_slice %arg10[%add3A_125, %dma_wait3A_132] : memref<6400x768xf32, #tpu.memory_space<hbm>> -> memref<80x768xf32, #tpu.memory_space<hbm>>
      tpu.wait_dma2 semaphore(%arg18 : memref<!tpu.dma_semaphore, #tpu.memory_space<semaphore_mem>>) src(%arg14 : memref<80x768xf32, #tpu.memory_space<vmem>>) dst(%dma_wait3A_133 : memref<80x768xf32, #tpu.memory_space<hbm>>)
      %dma_start3A_134 = arith.constant 400 : i32
      %dma_start3A_135 = tpu.memref_slice %arg12[%dma_start3A_134] : memref<800xi32, #tpu.memory_space<vmem>> -> memref<80xi32, #tpu.memory_space<vmem>>
      %dma_start3A_136 = arith.constant 0 : i32
      %dma_start3A_137 = arith.constant 0 : i32
      %dma_start3A_138 = tpu.memref_slice %arg3[%dma_start3A_136, %dma_start3A_137] : memref<720x768xf32, #tpu.memory_space<hbm>> -> memref<720x768xf32, #tpu.memory_space<hbm>>
      tpu.enqueue_indirect_dma source(%dma_start3A_138 : memref<720x768xf32, #tpu.memory_space<hbm>>) target(%arg14 : memref<80x768xf32, #tpu.memory_space<vmem>>) offsets(%dma_start3A_135 : memref<80xi32, #tpu.memory_space<vmem>>) semaphore(%arg16 : memref<!tpu.dma_semaphore, #tpu.memory_space<semaphore_mem>>)
      %dma_wait3A_139 = arith.constant 320 : i32
      %dma_wait3A_140 = tpu.memref_slice %arg12[%dma_wait3A_139] : memref<800xi32, #tpu.memory_space<vmem>> -> memref<80xi32, #tpu.memory_space<vmem>>
      %dma_wait3A_141 = arith.constant 0 : i32
      %dma_wait3A_142 = arith.constant 0 : i32
      %dma_wait3A_143 = tpu.memref_slice %arg3[%dma_wait3A_141, %dma_wait3A_142] : memref<720x768xf32, #tpu.memory_space<hbm>> -> memref<720x768xf32, #tpu.memory_space<hbm>>
      tpu.wait_indirect_dma semaphore(%arg15 : memref<!tpu.dma_semaphore, #tpu.memory_space<semaphore_mem>>) src(%dma_wait3A_143 : memref<720x768xf32, #tpu.memory_space<hbm>>) dst(%arg13 : memref<80x768xf32, #tpu.memory_space<vmem>>)
      %add3A_144 = arith.constant 320 : i32
      %add3A_145 = arith.addi %mul3A_32, %add3A_144 : i32
      %dma_start3A_146 = arith.constant 0 : i32
      %dma_start3A_147 = tpu.memref_slice %arg10[%add3A_145, %dma_start3A_146] : memref<6400x768xf32, #tpu.memory_space<hbm>> -> memref<80x768xf32, #tpu.memory_space<hbm>>
      %dma_start3A_148 = arith.constant 0 : i32
      %dma_start3A_149 = tpu.memref_slice %arg10[%add3A_145, %dma_start3A_148] : memref<6400x768xf32, #tpu.memory_space<hbm>> -> memref<80x768xf32, #tpu.memory_space<hbm>>
      tpu.enqueue_dma source(%arg13 : memref<80x768xf32, #tpu.memory_space<vmem>>) target(%dma_start3A_149 : memref<80x768xf32, #tpu.memory_space<hbm>>) target_semaphore(%arg17 : memref<!tpu.dma_semaphore, #tpu.memory_space<semaphore_mem>>)
      %dma_wait3A_150 = arith.constant 0 : i32
      %dma_wait3A_151 = tpu.memref_slice %arg10[%add3A_145, %dma_wait3A_150] : memref<6400x768xf32, #tpu.memory_space<hbm>> -> memref<80x768xf32, #tpu.memory_space<hbm>>
      %dma_wait3A_152 = arith.constant 0 : i32
      %dma_wait3A_153 = tpu.memref_slice %arg10[%add3A_145, %dma_wait3A_152] : memref<6400x768xf32, #tpu.memory_space<hbm>> -> memref<80x768xf32, #tpu.memory_space<hbm>>
      tpu.wait_dma2 semaphore(%arg17 : memref<!tpu.dma_semaphore, #tpu.memory_space<semaphore_mem>>) src(%arg13 : memref<80x768xf32, #tpu.memory_space<vmem>>) dst(%dma_wait3A_153 : memref<80x768xf32, #tpu.memory_space<hbm>>)
      %dma_start3A_154 = arith.constant 480 : i32
      %dma_start3A_155 = tpu.memref_slice %arg12[%dma_start3A_154] : memref<800xi32, #tpu.memory_space<vmem>> -> memref<80xi32, #tpu.memory_space<vmem>>
      %dma_start3A_156 = arith.constant 0 : i32
      %dma_start3A_157 = arith.constant 0 : i32
      %dma_start3A_158 = tpu.memref_slice %arg3[%dma_start3A_156, %dma_start3A_157] : memref<720x768xf32, #tpu.memory_space<hbm>> -> memref<720x768xf32, #tpu.memory_space<hbm>>
      tpu.enqueue_indirect_dma source(%dma_start3A_158 : memref<720x768xf32, #tpu.memory_space<hbm>>) target(%arg13 : memref<80x768xf32, #tpu.memory_space<vmem>>) offsets(%dma_start3A_155 : memref<80xi32, #tpu.memory_space<vmem>>) semaphore(%arg15 : memref<!tpu.dma_semaphore, #tpu.memory_space<semaphore_mem>>)
      %dma_wait3A_159 = arith.constant 400 : i32
      %dma_wait3A_160 = tpu.memref_slice %arg12[%dma_wait3A_159] : memref<800xi32, #tpu.memory_space<vmem>> -> memref<80xi32, #tpu.memory_space<vmem>>
      %dma_wait3A_161 = arith.constant 0 : i32
      %dma_wait3A_162 = arith.constant 0 : i32
      %dma_wait3A_163 = tpu.memref_slice %arg3[%dma_wait3A_161, %dma_wait3A_162] : memref<720x768xf32, #tpu.memory_space<hbm>> -> memref<720x768xf32, #tpu.memory_space<hbm>>
      tpu.wait_indirect_dma semaphore(%arg16 : memref<!tpu.dma_semaphore, #tpu.memory_space<semaphore_mem>>) src(%dma_wait3A_163 : memref<720x768xf32, #tpu.memory_space<hbm>>) dst(%arg14 : memref<80x768xf32, #tpu.memory_space<vmem>>)
      %add3A_164 = arith.constant 400 : i32
      %add3A_165 = arith.addi %mul3A_32, %add3A_164 : i32
      %dma_start3A_166 = arith.constant 0 : i32
      %dma_start3A_167 = tpu.memref_slice %arg10[%add3A_165, %dma_start3A_166] : memref<6400x768xf32, #tpu.memory_space<hbm>> -> memref<80x768xf32, #tpu.memory_space<hbm>>
      %dma_start3A_168 = arith.constant 0 : i32
      %dma_start3A_169 = tpu.memref_slice %arg10[%add3A_165, %dma_start3A_168] : memref<6400x768xf32, #tpu.memory_space<hbm>> -> memref<80x768xf32, #tpu.memory_space<hbm>>
      tpu.enqueue_dma source(%arg14 : memref<80x768xf32, #tpu.memory_space<vmem>>) target(%dma_start3A_169 : memref<80x768xf32, #tpu.memory_space<hbm>>) target_semaphore(%arg18 : memref<!tpu.dma_semaphore, #tpu.memory_space<semaphore_mem>>)
      %dma_wait3A_170 = arith.constant 0 : i32
      %dma_wait3A_171 = tpu.memref_slice %arg10[%add3A_165, %dma_wait3A_170] : memref<6400x768xf32, #tpu.memory_space<hbm>> -> memref<80x768xf32, #tpu.memory_space<hbm>>
      %dma_wait3A_172 = arith.constant 0 : i32
      %dma_wait3A_173 = tpu.memref_slice %arg10[%add3A_165, %dma_wait3A_172] : memref<6400x768xf32, #tpu.memory_space<hbm>> -> memref<80x768xf32, #tpu.memory_space<hbm>>
      tpu.wait_dma2 semaphore(%arg18 : memref<!tpu.dma_semaphore, #tpu.memory_space<semaphore_mem>>) src(%arg14 : memref<80x768xf32, #tpu.memory_space<vmem>>) dst(%dma_wait3A_173 : memref<80x768xf32, #tpu.memory_space<hbm>>)
      %dma_start3A_174 = arith.constant 560 : i32
      %dma_start3A_175 = tpu.memref_slice %arg12[%dma_start3A_174] : memref<800xi32, #tpu.memory_space<vmem>> -> memref<80xi32, #tpu.memory_space<vmem>>
      %dma_start3A_176 = arith.constant 0 : i32
      %dma_start3A_177 = arith.constant 0 : i32
      %dma_start3A_178 = tpu.memref_slice %arg3[%dma_start3A_176, %dma_start3A_177] : memref<720x768xf32, #tpu.memory_space<hbm>> -> memref<720x768xf32, #tpu.memory_space<hbm>>
      tpu.enqueue_indirect_dma source(%dma_start3A_178 : memref<720x768xf32, #tpu.memory_space<hbm>>) target(%arg14 : memref<80x768xf32, #tpu.memory_space<vmem>>) offsets(%dma_start3A_175 : memref<80xi32, #tpu.memory_space<vmem>>) semaphore(%arg16 : memref<!tpu.dma_semaphore, #tpu.memory_space<semaphore_mem>>)
      %dma_wait3A_179 = arith.constant 480 : i32
      %dma_wait3A_180 = tpu.memref_slice %arg12[%dma_wait3A_179] : memref<800xi32, #tpu.memory_space<vmem>> -> memref<80xi32, #tpu.memory_space<vmem>>
      %dma_wait3A_181 = arith.constant 0 : i32
      %dma_wait3A_182 = arith.constant 0 : i32
      %dma_wait3A_183 = tpu.memref_slice %arg3[%dma_wait3A_181, %dma_wait3A_182] : memref<720x768xf32, #tpu.memory_space<hbm>> -> memref<720x768xf32, #tpu.memory_space<hbm>>
      tpu.wait_indirect_dma semaphore(%arg15 : memref<!tpu.dma_semaphore, #tpu.memory_space<semaphore_mem>>) src(%dma_wait3A_183 : memref<720x768xf32, #tpu.memory_space<hbm>>) dst(%arg13 : memref<80x768xf32, #tpu.memory_space<vmem>>)
      %add3A_184 = arith.constant 480 : i32
      %add3A_185 = arith.addi %mul3A_32, %add3A_184 : i32
      %dma_start3A_186 = arith.constant 0 : i32
      %dma_start3A_187 = tpu.memref_slice %arg10[%add3A_185, %dma_start3A_186] : memref<6400x768xf32, #tpu.memory_space<hbm>> -> memref<80x768xf32, #tpu.memory_space<hbm>>
      %dma_start3A_188 = arith.constant 0 : i32
      %dma_start3A_189 = tpu.memref_slice %arg10[%add3A_185, %dma_start3A_188] : memref<6400x768xf32, #tpu.memory_space<hbm>> -> memref<80x768xf32, #tpu.memory_space<hbm>>
      tpu.enqueue_dma source(%arg13 : memref<80x768xf32, #tpu.memory_space<vmem>>) target(%dma_start3A_189 : memref<80x768xf32, #tpu.memory_space<hbm>>) target_semaphore(%arg17 : memref<!tpu.dma_semaphore, #tpu.memory_space<semaphore_mem>>)
      %dma_wait3A_190 = arith.constant 0 : i32
      %dma_wait3A_191 = tpu.memref_slice %arg10[%add3A_185, %dma_wait3A_190] : memref<6400x768xf32, #tpu.memory_space<hbm>> -> memref<80x768xf32, #tpu.memory_space<hbm>>
      %dma_wait3A_192 = arith.constant 0 : i32
      %dma_wait3A_193 = tpu.memref_slice %arg10[%add3A_185, %dma_wait3A_192] : memref<6400x768xf32, #tpu.memory_space<hbm>> -> memref<80x768xf32, #tpu.memory_space<hbm>>
      tpu.wait_dma2 semaphore(%arg17 : memref<!tpu.dma_semaphore, #tpu.memory_space<semaphore_mem>>) src(%arg13 : memref<80x768xf32, #tpu.memory_space<vmem>>) dst(%dma_wait3A_193 : memref<80x768xf32, #tpu.memory_space<hbm>>)
      %dma_start3A_194 = arith.constant 640 : i32
      %dma_start3A_195 = tpu.memref_slice %arg12[%dma_start3A_194] : memref<800xi32, #tpu.memory_space<vmem>> -> memref<80xi32, #tpu.memory_space<vmem>>
      %dma_start3A_196 = arith.constant 0 : i32
      %dma_start3A_197 = arith.constant 0 : i32
      %dma_start3A_198 = tpu.memref_slice %arg3[%dma_start3A_196, %dma_start3A_197] : memref<720x768xf32, #tpu.memory_space<hbm>> -> memref<720x768xf32, #tpu.memory_space<hbm>>
      tpu.enqueue_indirect_dma source(%dma_start3A_198 : memref<720x768xf32, #tpu.memory_space<hbm>>) target(%arg13 : memref<80x768xf32, #tpu.memory_space<vmem>>) offsets(%dma_start3A_195 : memref<80xi32, #tpu.memory_space<vmem>>) semaphore(%arg15 : memref<!tpu.dma_semaphore, #tpu.memory_space<semaphore_mem>>)
      %dma_wait3A_199 = arith.constant 560 : i32
      %dma_wait3A_200 = tpu.memref_slice %arg12[%dma_wait3A_199] : memref<800xi32, #tpu.memory_space<vmem>> -> memref<80xi32, #tpu.memory_space<vmem>>
      %dma_wait3A_201 = arith.constant 0 : i32
      %dma_wait3A_202 = arith.constant 0 : i32
      %dma_wait3A_203 = tpu.memref_slice %arg3[%dma_wait3A_201, %dma_wait3A_202] : memref<720x768xf32, #tpu.memory_space<hbm>> -> memref<720x768xf32, #tpu.memory_space<hbm>>
      tpu.wait_indirect_dma semaphore(%arg16 : memref<!tpu.dma_semaphore, #tpu.memory_space<semaphore_mem>>) src(%dma_wait3A_203 : memref<720x768xf32, #tpu.memory_space<hbm>>) dst(%arg14 : memref<80x768xf32, #tpu.memory_space<vmem>>)
      %add3A_204 = arith.constant 560 : i32
      %add3A_205 = arith.addi %mul3A_32, %add3A_204 : i32
      %dma_start3A_206 = arith.constant 0 : i32
      %dma_start3A_207 = tpu.memref_slice %arg10[%add3A_205, %dma_start3A_206] : memref<6400x768xf32, #tpu.memory_space<hbm>> -> memref<80x768xf32, #tpu.memory_space<hbm>>
      %dma_start3A_208 = arith.constant 0 : i32
      %dma_start3A_209 = tpu.memref_slice %arg10[%add3A_205, %dma_start3A_208] : memref<6400x768xf32, #tpu.memory_space<hbm>> -> memref<80x768xf32, #tpu.memory_space<hbm>>
      tpu.enqueue_dma source(%arg14 : memref<80x768xf32, #tpu.memory_space<vmem>>) target(%dma_start3A_209 : memref<80x768xf32, #tpu.memory_space<hbm>>) target_semaphore(%arg18 : memref<!tpu.dma_semaphore, #tpu.memory_space<semaphore_mem>>)
      %dma_wait3A_210 = arith.constant 0 : i32
      %dma_wait3A_211 = tpu.memref_slice %arg10[%add3A_205, %dma_wait3A_210] : memref<6400x768xf32, #tpu.memory_space<hbm>> -> memref<80x768xf32, #tpu.memory_space<hbm>>
      %dma_wait3A_212 = arith.constant 0 : i32
      %dma_wait3A_213 = tpu.memref_slice %arg10[%add3A_205, %dma_wait3A_212] : memref<6400x768xf32, #tpu.memory_space<hbm>> -> memref<80x768xf32, #tpu.memory_space<hbm>>
      tpu.wait_dma2 semaphore(%arg18 : memref<!tpu.dma_semaphore, #tpu.memory_space<semaphore_mem>>) src(%arg14 : memref<80x768xf32, #tpu.memory_space<vmem>>) dst(%dma_wait3A_213 : memref<80x768xf32, #tpu.memory_space<hbm>>)
      %dma_start3A_214 = arith.constant 720 : i32
      %dma_start3A_215 = tpu.memref_slice %arg12[%dma_start3A_214] : memref<800xi32, #tpu.memory_space<vmem>> -> memref<80xi32, #tpu.memory_space<vmem>>
      %dma_start3A_216 = arith.constant 0 : i32
      %dma_start3A_217 = arith.constant 0 : i32
      %dma_start3A_218 = tpu.memref_slice %arg3[%dma_start3A_216, %dma_start3A_217] : memref<720x768xf32, #tpu.memory_space<hbm>> -> memref<720x768xf32, #tpu.memory_space<hbm>>
      tpu.enqueue_indirect_dma source(%dma_start3A_218 : memref<720x768xf32, #tpu.memory_space<hbm>>) target(%arg14 : memref<80x768xf32, #tpu.memory_space<vmem>>) offsets(%dma_start3A_215 : memref<80xi32, #tpu.memory_space<vmem>>) semaphore(%arg16 : memref<!tpu.dma_semaphore, #tpu.memory_space<semaphore_mem>>)
      %dma_wait3A_219 = arith.constant 640 : i32
      %dma_wait3A_220 = tpu.memref_slice %arg12[%dma_wait3A_219] : memref<800xi32, #tpu.memory_space<vmem>> -> memref<80xi32, #tpu.memory_space<vmem>>
      %dma_wait3A_221 = arith.constant 0 : i32
      %dma_wait3A_222 = arith.constant 0 : i32
      %dma_wait3A_223 = tpu.memref_slice %arg3[%dma_wait3A_221, %dma_wait3A_222] : memref<720x768xf32, #tpu.memory_space<hbm>> -> memref<720x768xf32, #tpu.memory_space<hbm>>
      tpu.wait_indirect_dma semaphore(%arg15 : memref<!tpu.dma_semaphore, #tpu.memory_space<semaphore_mem>>) src(%dma_wait3A_223 : memref<720x768xf32, #tpu.memory_space<hbm>>) dst(%arg13 : memref<80x768xf32, #tpu.memory_space<vmem>>)
      %add3A_224 = arith.constant 640 : i32
      %add3A_225 = arith.addi %mul3A_32, %add3A_224 : i32
      %dma_start3A_226 = arith.constant 0 : i32
      %dma_start3A_227 = tpu.memref_slice %arg10[%add3A_225, %dma_start3A_226] : memref<6400x768xf32, #tpu.memory_space<hbm>> -> memref<80x768xf32, #tpu.memory_space<hbm>>
      %dma_start3A_228 = arith.constant 0 : i32
      %dma_start3A_229 = tpu.memref_slice %arg10[%add3A_225, %dma_start3A_228] : memref<6400x768xf32, #tpu.memory_space<hbm>> -> memref<80x768xf32, #tpu.memory_space<hbm>>
      tpu.enqueue_dma source(%arg13 : memref<80x768xf32, #tpu.memory_space<vmem>>) target(%dma_start3A_229 : memref<80x768xf32, #tpu.memory_space<hbm>>) target_semaphore(%arg17 : memref<!tpu.dma_semaphore, #tpu.memory_space<semaphore_mem>>)
      %dma_wait3A_230 = arith.constant 720 : i32
      %dma_wait3A_231 = tpu.memref_slice %arg12[%dma_wait3A_230] : memref<800xi32, #tpu.memory_space<vmem>> -> memref<80xi32, #tpu.memory_space<vmem>>
      %dma_wait3A_232 = arith.constant 0 : i32
      %dma_wait3A_233 = arith.constant 0 : i32
      %dma_wait3A_234 = tpu.memref_slice %arg3[%dma_wait3A_232, %dma_wait3A_233] : memref<720x768xf32, #tpu.memory_space<hbm>> -> memref<720x768xf32, #tpu.memory_space<hbm>>
      tpu.wait_indirect_dma semaphore(%arg16 : memref<!tpu.dma_semaphore, #tpu.memory_space<semaphore_mem>>) src(%dma_wait3A_234 : memref<720x768xf32, #tpu.memory_space<hbm>>) dst(%arg14 : memref<80x768xf32, #tpu.memory_space<vmem>>)
      %add3A_235 = arith.constant 720 : i32
      %add3A_236 = arith.addi %mul3A_32, %add3A_235 : i32
      %dma_start3A_237 = arith.constant 0 : i32
      %dma_start3A_238 = tpu.memref_slice %arg10[%add3A_236, %dma_start3A_237] : memref<6400x768xf32, #tpu.memory_space<hbm>> -> memref<80x768xf32, #tpu.memory_space<hbm>>
      %dma_start3A_239 = arith.constant 0 : i32
      %dma_start3A_240 = tpu.memref_slice %arg10[%add3A_236, %dma_start3A_239] : memref<6400x768xf32, #tpu.memory_space<hbm>> -> memref<80x768xf32, #tpu.memory_space<hbm>>
      tpu.enqueue_dma source(%arg14 : memref<80x768xf32, #tpu.memory_space<vmem>>) target(%dma_start3A_240 : memref<80x768xf32, #tpu.memory_space<hbm>>) target_semaphore(%arg18 : memref<!tpu.dma_semaphore, #tpu.memory_space<semaphore_mem>>)
      %dma_wait3A_241 = arith.constant 0 : i32
      %dma_wait3A_242 = tpu.memref_slice %arg10[%add3A_225, %dma_wait3A_241] : memref<6400x768xf32, #tpu.memory_space<hbm>> -> memref<80x768xf32, #tpu.memory_space<hbm>>
      %dma_wait3A_243 = arith.constant 0 : i32
      %dma_wait3A_244 = tpu.memref_slice %arg10[%add3A_225, %dma_wait3A_243] : memref<6400x768xf32, #tpu.memory_space<hbm>> -> memref<80x768xf32, #tpu.memory_space<hbm>>
      tpu.wait_dma2 semaphore(%arg17 : memref<!tpu.dma_semaphore, #tpu.memory_space<semaphore_mem>>) src(%arg13 : memref<80x768xf32, #tpu.memory_space<vmem>>) dst(%dma_wait3A_244 : memref<80x768xf32, #tpu.memory_space<hbm>>)
      %dma_wait3A_245 = arith.constant 0 : i32
      %dma_wait3A_246 = tpu.memref_slice %arg10[%add3A_236, %dma_wait3A_245] : memref<6400x768xf32, #tpu.memory_space<hbm>> -> memref<80x768xf32, #tpu.memory_space<hbm>>
      %dma_wait3A_247 = arith.constant 0 : i32
      %dma_wait3A_248 = tpu.memref_slice %arg10[%add3A_236, %dma_wait3A_247] : memref<6400x768xf32, #tpu.memory_space<hbm>> -> memref<80x768xf32, #tpu.memory_space<hbm>>
      tpu.wait_dma2 semaphore(%arg18 : memref<!tpu.dma_semaphore, #tpu.memory_space<semaphore_mem>>) src(%arg14 : memref<80x768xf32, #tpu.memory_space<vmem>>) dst(%dma_wait3A_248 : memref<80x768xf32, #tpu.memory_space<hbm>>)
    } else {
    }
    %eq3A_46 = arith.constant 3 : i32
    %eq3A_47 = arith.cmpi eq, %select_n3A, %eq3A_46 : i32
    %convert_element_type3A_48 = arith.extui %eq3A_47 : i1 to i32
    %cond3A_49 = arith.constant 0 : i32
    %cond3A_50 = arith.cmpi ne, %convert_element_type3A_48, %cond3A_49 : i32
    scf.if %cond3A_50 {
      "tpu.region"() ({
        %run_scoped3A = tpu.sem_alloc : memref<!tpu.dma_semaphore, #tpu.memory_space<semaphore_mem>>
        %dma_start3A_249 = tpu.memref_slice %arg7[%mul3A_32] : memref<8192xi32, #tpu.memory_space<hbm>> -> memref<800xi32, #tpu.memory_space<hbm>>
        %dma_start3A_250 = tpu.memref_slice %arg7[%mul3A_32] : memref<8192xi32, #tpu.memory_space<hbm>> -> memref<800xi32, #tpu.memory_space<hbm>>
        tpu.enqueue_dma source(%dma_start3A_250 : memref<800xi32, #tpu.memory_space<hbm>>) target(%arg12 : memref<800xi32, #tpu.memory_space<vmem>>) target_semaphore(%run_scoped3A : memref<!tpu.dma_semaphore, #tpu.memory_space<semaphore_mem>>)
        %dma_wait3A_251 = tpu.memref_slice %arg7[%mul3A_32] : memref<8192xi32, #tpu.memory_space<hbm>> -> memref<800xi32, #tpu.memory_space<hbm>>
        %dma_wait3A_252 = tpu.memref_slice %arg7[%mul3A_32] : memref<8192xi32, #tpu.memory_space<hbm>> -> memref<800xi32, #tpu.memory_space<hbm>>
        tpu.wait_dma2 semaphore(%run_scoped3A : memref<!tpu.dma_semaphore, #tpu.memory_space<semaphore_mem>>) src(%dma_wait3A_252 : memref<800xi32, #tpu.memory_space<hbm>>) dst(%arg12 : memref<800xi32, #tpu.memory_space<vmem>>)
        tpu.yield
      }) : () -> ()
      %dma_start3A = arith.constant 0 : i32
      %dma_start3A_51 = tpu.memref_slice %arg12[%dma_start3A] : memref<800xi32, #tpu.memory_space<vmem>> -> memref<80xi32, #tpu.memory_space<vmem>>
      %dma_start3A_52 = arith.constant 0 : i32
      %dma_start3A_53 = arith.constant 0 : i32
      %dma_start3A_54 = tpu.memref_slice %arg3[%dma_start3A_52, %dma_start3A_53] : memref<720x768xf32, #tpu.memory_space<hbm>> -> memref<720x768xf32, #tpu.memory_space<hbm>>
      tpu.enqueue_indirect_dma source(%dma_start3A_54 : memref<720x768xf32, #tpu.memory_space<hbm>>) target(%arg13 : memref<80x768xf32, #tpu.memory_space<vmem>>) offsets(%dma_start3A_51 : memref<80xi32, #tpu.memory_space<vmem>>) semaphore(%arg15 : memref<!tpu.dma_semaphore, #tpu.memory_space<semaphore_mem>>)
      %dma_start3A_55 = arith.constant 80 : i32
      %dma_start3A_56 = tpu.memref_slice %arg12[%dma_start3A_55] : memref<800xi32, #tpu.memory_space<vmem>> -> memref<80xi32, #tpu.memory_space<vmem>>
      %dma_start3A_57 = arith.constant 0 : i32
      %dma_start3A_58 = arith.constant 0 : i32
      %dma_start3A_59 = tpu.memref_slice %arg3[%dma_start3A_57, %dma_start3A_58] : memref<720x768xf32, #tpu.memory_space<hbm>> -> memref<720x768xf32, #tpu.memory_space<hbm>>
      tpu.enqueue_indirect_dma source(%dma_start3A_59 : memref<720x768xf32, #tpu.memory_space<hbm>>) target(%arg14 : memref<80x768xf32, #tpu.memory_space<vmem>>) offsets(%dma_start3A_56 : memref<80xi32, #tpu.memory_space<vmem>>) semaphore(%arg16 : memref<!tpu.dma_semaphore, #tpu.memory_space<semaphore_mem>>)
      %dma_wait3A = arith.constant 0 : i32
      %dma_wait3A_60 = tpu.memref_slice %arg12[%dma_wait3A] : memref<800xi32, #tpu.memory_space<vmem>> -> memref<80xi32, #tpu.memory_space<vmem>>
      %dma_wait3A_61 = arith.constant 0 : i32
      %dma_wait3A_62 = arith.constant 0 : i32
      %dma_wait3A_63 = tpu.memref_slice %arg3[%dma_wait3A_61, %dma_wait3A_62] : memref<720x768xf32, #tpu.memory_space<hbm>> -> memref<720x768xf32, #tpu.memory_space<hbm>>
      tpu.wait_indirect_dma semaphore(%arg15 : memref<!tpu.dma_semaphore, #tpu.memory_space<semaphore_mem>>) src(%dma_wait3A_63 : memref<720x768xf32, #tpu.memory_space<hbm>>) dst(%arg13 : memref<80x768xf32, #tpu.memory_space<vmem>>)
      %add3A_64 = arith.constant 0 : i32
      %add3A_65 = arith.addi %mul3A_32, %add3A_64 : i32
      %dma_start3A_66 = arith.constant 0 : i32
      %dma_start3A_67 = tpu.memref_slice %arg11[%add3A_65, %dma_start3A_66] : memref<6400x768xf32, #tpu.memory_space<hbm>> -> memref<80x768xf32, #tpu.memory_space<hbm>>
      %dma_start3A_68 = arith.constant 0 : i32
      %dma_start3A_69 = tpu.memref_slice %arg11[%add3A_65, %dma_start3A_68] : memref<6400x768xf32, #tpu.memory_space<hbm>> -> memref<80x768xf32, #tpu.memory_space<hbm>>
      tpu.enqueue_dma source(%arg13 : memref<80x768xf32, #tpu.memory_space<vmem>>) target(%dma_start3A_69 : memref<80x768xf32, #tpu.memory_space<hbm>>) target_semaphore(%arg17 : memref<!tpu.dma_semaphore, #tpu.memory_space<semaphore_mem>>)
      %dma_wait3A_70 = arith.constant 0 : i32
      %dma_wait3A_71 = tpu.memref_slice %arg11[%add3A_65, %dma_wait3A_70] : memref<6400x768xf32, #tpu.memory_space<hbm>> -> memref<80x768xf32, #tpu.memory_space<hbm>>
      %dma_wait3A_72 = arith.constant 0 : i32
      %dma_wait3A_73 = tpu.memref_slice %arg11[%add3A_65, %dma_wait3A_72] : memref<6400x768xf32, #tpu.memory_space<hbm>> -> memref<80x768xf32, #tpu.memory_space<hbm>>
      tpu.wait_dma2 semaphore(%arg17 : memref<!tpu.dma_semaphore, #tpu.memory_space<semaphore_mem>>) src(%arg13 : memref<80x768xf32, #tpu.memory_space<vmem>>) dst(%dma_wait3A_73 : memref<80x768xf32, #tpu.memory_space<hbm>>)
      %dma_start3A_74 = arith.constant 160 : i32
      %dma_start3A_75 = tpu.memref_slice %arg12[%dma_start3A_74] : memref<800xi32, #tpu.memory_space<vmem>> -> memref<80xi32, #tpu.memory_space<vmem>>
      %dma_start3A_76 = arith.constant 0 : i32
      %dma_start3A_77 = arith.constant 0 : i32
      %dma_start3A_78 = tpu.memref_slice %arg3[%dma_start3A_76, %dma_start3A_77] : memref<720x768xf32, #tpu.memory_space<hbm>> -> memref<720x768xf32, #tpu.memory_space<hbm>>
      tpu.enqueue_indirect_dma source(%dma_start3A_78 : memref<720x768xf32, #tpu.memory_space<hbm>>) target(%arg13 : memref<80x768xf32, #tpu.memory_space<vmem>>) offsets(%dma_start3A_75 : memref<80xi32, #tpu.memory_space<vmem>>) semaphore(%arg15 : memref<!tpu.dma_semaphore, #tpu.memory_space<semaphore_mem>>)
      %dma_wait3A_79 = arith.constant 80 : i32
      %dma_wait3A_80 = tpu.memref_slice %arg12[%dma_wait3A_79] : memref<800xi32, #tpu.memory_space<vmem>> -> memref<80xi32, #tpu.memory_space<vmem>>
      %dma_wait3A_81 = arith.constant 0 : i32
      %dma_wait3A_82 = arith.constant 0 : i32
      %dma_wait3A_83 = tpu.memref_slice %arg3[%dma_wait3A_81, %dma_wait3A_82] : memref<720x768xf32, #tpu.memory_space<hbm>> -> memref<720x768xf32, #tpu.memory_space<hbm>>
      tpu.wait_indirect_dma semaphore(%arg16 : memref<!tpu.dma_semaphore, #tpu.memory_space<semaphore_mem>>) src(%dma_wait3A_83 : memref<720x768xf32, #tpu.memory_space<hbm>>) dst(%arg14 : memref<80x768xf32, #tpu.memory_space<vmem>>)
      %add3A_84 = arith.constant 80 : i32
      %add3A_85 = arith.addi %mul3A_32, %add3A_84 : i32
      %dma_start3A_86 = arith.constant 0 : i32
      %dma_start3A_87 = tpu.memref_slice %arg11[%add3A_85, %dma_start3A_86] : memref<6400x768xf32, #tpu.memory_space<hbm>> -> memref<80x768xf32, #tpu.memory_space<hbm>>
      %dma_start3A_88 = arith.constant 0 : i32
      %dma_start3A_89 = tpu.memref_slice %arg11[%add3A_85, %dma_start3A_88] : memref<6400x768xf32, #tpu.memory_space<hbm>> -> memref<80x768xf32, #tpu.memory_space<hbm>>
      tpu.enqueue_dma source(%arg14 : memref<80x768xf32, #tpu.memory_space<vmem>>) target(%dma_start3A_89 : memref<80x768xf32, #tpu.memory_space<hbm>>) target_semaphore(%arg18 : memref<!tpu.dma_semaphore, #tpu.memory_space<semaphore_mem>>)
      %dma_wait3A_90 = arith.constant 0 : i32
      %dma_wait3A_91 = tpu.memref_slice %arg11[%add3A_85, %dma_wait3A_90] : memref<6400x768xf32, #tpu.memory_space<hbm>> -> memref<80x768xf32, #tpu.memory_space<hbm>>
      %dma_wait3A_92 = arith.constant 0 : i32
      %dma_wait3A_93 = tpu.memref_slice %arg11[%add3A_85, %dma_wait3A_92] : memref<6400x768xf32, #tpu.memory_space<hbm>> -> memref<80x768xf32, #tpu.memory_space<hbm>>
      tpu.wait_dma2 semaphore(%arg18 : memref<!tpu.dma_semaphore, #tpu.memory_space<semaphore_mem>>) src(%arg14 : memref<80x768xf32, #tpu.memory_space<vmem>>) dst(%dma_wait3A_93 : memref<80x768xf32, #tpu.memory_space<hbm>>)
      %dma_start3A_94 = arith.constant 240 : i32
      %dma_start3A_95 = tpu.memref_slice %arg12[%dma_start3A_94] : memref<800xi32, #tpu.memory_space<vmem>> -> memref<80xi32, #tpu.memory_space<vmem>>
      %dma_start3A_96 = arith.constant 0 : i32
      %dma_start3A_97 = arith.constant 0 : i32
      %dma_start3A_98 = tpu.memref_slice %arg3[%dma_start3A_96, %dma_start3A_97] : memref<720x768xf32, #tpu.memory_space<hbm>> -> memref<720x768xf32, #tpu.memory_space<hbm>>
      tpu.enqueue_indirect_dma source(%dma_start3A_98 : memref<720x768xf32, #tpu.memory_space<hbm>>) target(%arg14 : memref<80x768xf32, #tpu.memory_space<vmem>>) offsets(%dma_start3A_95 : memref<80xi32, #tpu.memory_space<vmem>>) semaphore(%arg16 : memref<!tpu.dma_semaphore, #tpu.memory_space<semaphore_mem>>)
      %dma_wait3A_99 = arith.constant 160 : i32
      %dma_wait3A_100 = tpu.memref_slice %arg12[%dma_wait3A_99] : memref<800xi32, #tpu.memory_space<vmem>> -> memref<80xi32, #tpu.memory_space<vmem>>
      %dma_wait3A_101 = arith.constant 0 : i32
      %dma_wait3A_102 = arith.constant 0 : i32
      %dma_wait3A_103 = tpu.memref_slice %arg3[%dma_wait3A_101, %dma_wait3A_102] : memref<720x768xf32, #tpu.memory_space<hbm>> -> memref<720x768xf32, #tpu.memory_space<hbm>>
      tpu.wait_indirect_dma semaphore(%arg15 : memref<!tpu.dma_semaphore, #tpu.memory_space<semaphore_mem>>) src(%dma_wait3A_103 : memref<720x768xf32, #tpu.memory_space<hbm>>) dst(%arg13 : memref<80x768xf32, #tpu.memory_space<vmem>>)
      %add3A_104 = arith.constant 160 : i32
      %add3A_105 = arith.addi %mul3A_32, %add3A_104 : i32
      %dma_start3A_106 = arith.constant 0 : i32
      %dma_start3A_107 = tpu.memref_slice %arg11[%add3A_105, %dma_start3A_106] : memref<6400x768xf32, #tpu.memory_space<hbm>> -> memref<80x768xf32, #tpu.memory_space<hbm>>
      %dma_start3A_108 = arith.constant 0 : i32
      %dma_start3A_109 = tpu.memref_slice %arg11[%add3A_105, %dma_start3A_108] : memref<6400x768xf32, #tpu.memory_space<hbm>> -> memref<80x768xf32, #tpu.memory_space<hbm>>
      tpu.enqueue_dma source(%arg13 : memref<80x768xf32, #tpu.memory_space<vmem>>) target(%dma_start3A_109 : memref<80x768xf32, #tpu.memory_space<hbm>>) target_semaphore(%arg17 : memref<!tpu.dma_semaphore, #tpu.memory_space<semaphore_mem>>)
      %dma_wait3A_110 = arith.constant 0 : i32
      %dma_wait3A_111 = tpu.memref_slice %arg11[%add3A_105, %dma_wait3A_110] : memref<6400x768xf32, #tpu.memory_space<hbm>> -> memref<80x768xf32, #tpu.memory_space<hbm>>
      %dma_wait3A_112 = arith.constant 0 : i32
      %dma_wait3A_113 = tpu.memref_slice %arg11[%add3A_105, %dma_wait3A_112] : memref<6400x768xf32, #tpu.memory_space<hbm>> -> memref<80x768xf32, #tpu.memory_space<hbm>>
      tpu.wait_dma2 semaphore(%arg17 : memref<!tpu.dma_semaphore, #tpu.memory_space<semaphore_mem>>) src(%arg13 : memref<80x768xf32, #tpu.memory_space<vmem>>) dst(%dma_wait3A_113 : memref<80x768xf32, #tpu.memory_space<hbm>>)
      %dma_start3A_114 = arith.constant 320 : i32
      %dma_start3A_115 = tpu.memref_slice %arg12[%dma_start3A_114] : memref<800xi32, #tpu.memory_space<vmem>> -> memref<80xi32, #tpu.memory_space<vmem>>
      %dma_start3A_116 = arith.constant 0 : i32
      %dma_start3A_117 = arith.constant 0 : i32
      %dma_start3A_118 = tpu.memref_slice %arg3[%dma_start3A_116, %dma_start3A_117] : memref<720x768xf32, #tpu.memory_space<hbm>> -> memref<720x768xf32, #tpu.memory_space<hbm>>
      tpu.enqueue_indirect_dma source(%dma_start3A_118 : memref<720x768xf32, #tpu.memory_space<hbm>>) target(%arg13 : memref<80x768xf32, #tpu.memory_space<vmem>>) offsets(%dma_start3A_115 : memref<80xi32, #tpu.memory_space<vmem>>) semaphore(%arg15 : memref<!tpu.dma_semaphore, #tpu.memory_space<semaphore_mem>>)
      %dma_wait3A_119 = arith.constant 240 : i32
      %dma_wait3A_120 = tpu.memref_slice %arg12[%dma_wait3A_119] : memref<800xi32, #tpu.memory_space<vmem>> -> memref<80xi32, #tpu.memory_space<vmem>>
      %dma_wait3A_121 = arith.constant 0 : i32
      %dma_wait3A_122 = arith.constant 0 : i32
      %dma_wait3A_123 = tpu.memref_slice %arg3[%dma_wait3A_121, %dma_wait3A_122] : memref<720x768xf32, #tpu.memory_space<hbm>> -> memref<720x768xf32, #tpu.memory_space<hbm>>
      tpu.wait_indirect_dma semaphore(%arg16 : memref<!tpu.dma_semaphore, #tpu.memory_space<semaphore_mem>>) src(%dma_wait3A_123 : memref<720x768xf32, #tpu.memory_space<hbm>>) dst(%arg14 : memref<80x768xf32, #tpu.memory_space<vmem>>)
      %add3A_124 = arith.constant 240 : i32
      %add3A_125 = arith.addi %mul3A_32, %add3A_124 : i32
      %dma_start3A_126 = arith.constant 0 : i32
      %dma_start3A_127 = tpu.memref_slice %arg11[%add3A_125, %dma_start3A_126] : memref<6400x768xf32, #tpu.memory_space<hbm>> -> memref<80x768xf32, #tpu.memory_space<hbm>>
      %dma_start3A_128 = arith.constant 0 : i32
      %dma_start3A_129 = tpu.memref_slice %arg11[%add3A_125, %dma_start3A_128] : memref<6400x768xf32, #tpu.memory_space<hbm>> -> memref<80x768xf32, #tpu.memory_space<hbm>>
      tpu.enqueue_dma source(%arg14 : memref<80x768xf32, #tpu.memory_space<vmem>>) target(%dma_start3A_129 : memref<80x768xf32, #tpu.memory_space<hbm>>) target_semaphore(%arg18 : memref<!tpu.dma_semaphore, #tpu.memory_space<semaphore_mem>>)
      %dma_wait3A_130 = arith.constant 0 : i32
      %dma_wait3A_131 = tpu.memref_slice %arg11[%add3A_125, %dma_wait3A_130] : memref<6400x768xf32, #tpu.memory_space<hbm>> -> memref<80x768xf32, #tpu.memory_space<hbm>>
      %dma_wait3A_132 = arith.constant 0 : i32
      %dma_wait3A_133 = tpu.memref_slice %arg11[%add3A_125, %dma_wait3A_132] : memref<6400x768xf32, #tpu.memory_space<hbm>> -> memref<80x768xf32, #tpu.memory_space<hbm>>
      tpu.wait_dma2 semaphore(%arg18 : memref<!tpu.dma_semaphore, #tpu.memory_space<semaphore_mem>>) src(%arg14 : memref<80x768xf32, #tpu.memory_space<vmem>>) dst(%dma_wait3A_133 : memref<80x768xf32, #tpu.memory_space<hbm>>)
      %dma_start3A_134 = arith.constant 400 : i32
      %dma_start3A_135 = tpu.memref_slice %arg12[%dma_start3A_134] : memref<800xi32, #tpu.memory_space<vmem>> -> memref<80xi32, #tpu.memory_space<vmem>>
      %dma_start3A_136 = arith.constant 0 : i32
      %dma_start3A_137 = arith.constant 0 : i32
      %dma_start3A_138 = tpu.memref_slice %arg3[%dma_start3A_136, %dma_start3A_137] : memref<720x768xf32, #tpu.memory_space<hbm>> -> memref<720x768xf32, #tpu.memory_space<hbm>>
      tpu.enqueue_indirect_dma source(%dma_start3A_138 : memref<720x768xf32, #tpu.memory_space<hbm>>) target(%arg14 : memref<80x768xf32, #tpu.memory_space<vmem>>) offsets(%dma_start3A_135 : memref<80xi32, #tpu.memory_space<vmem>>) semaphore(%arg16 : memref<!tpu.dma_semaphore, #tpu.memory_space<semaphore_mem>>)
      %dma_wait3A_139 = arith.constant 320 : i32
      %dma_wait3A_140 = tpu.memref_slice %arg12[%dma_wait3A_139] : memref<800xi32, #tpu.memory_space<vmem>> -> memref<80xi32, #tpu.memory_space<vmem>>
      %dma_wait3A_141 = arith.constant 0 : i32
      %dma_wait3A_142 = arith.constant 0 : i32
      %dma_wait3A_143 = tpu.memref_slice %arg3[%dma_wait3A_141, %dma_wait3A_142] : memref<720x768xf32, #tpu.memory_space<hbm>> -> memref<720x768xf32, #tpu.memory_space<hbm>>
      tpu.wait_indirect_dma semaphore(%arg15 : memref<!tpu.dma_semaphore, #tpu.memory_space<semaphore_mem>>) src(%dma_wait3A_143 : memref<720x768xf32, #tpu.memory_space<hbm>>) dst(%arg13 : memref<80x768xf32, #tpu.memory_space<vmem>>)
      %add3A_144 = arith.constant 320 : i32
      %add3A_145 = arith.addi %mul3A_32, %add3A_144 : i32
      %dma_start3A_146 = arith.constant 0 : i32
      %dma_start3A_147 = tpu.memref_slice %arg11[%add3A_145, %dma_start3A_146] : memref<6400x768xf32, #tpu.memory_space<hbm>> -> memref<80x768xf32, #tpu.memory_space<hbm>>
      %dma_start3A_148 = arith.constant 0 : i32
      %dma_start3A_149 = tpu.memref_slice %arg11[%add3A_145, %dma_start3A_148] : memref<6400x768xf32, #tpu.memory_space<hbm>> -> memref<80x768xf32, #tpu.memory_space<hbm>>
      tpu.enqueue_dma source(%arg13 : memref<80x768xf32, #tpu.memory_space<vmem>>) target(%dma_start3A_149 : memref<80x768xf32, #tpu.memory_space<hbm>>) target_semaphore(%arg17 : memref<!tpu.dma_semaphore, #tpu.memory_space<semaphore_mem>>)
      %dma_wait3A_150 = arith.constant 0 : i32
      %dma_wait3A_151 = tpu.memref_slice %arg11[%add3A_145, %dma_wait3A_150] : memref<6400x768xf32, #tpu.memory_space<hbm>> -> memref<80x768xf32, #tpu.memory_space<hbm>>
      %dma_wait3A_152 = arith.constant 0 : i32
      %dma_wait3A_153 = tpu.memref_slice %arg11[%add3A_145, %dma_wait3A_152] : memref<6400x768xf32, #tpu.memory_space<hbm>> -> memref<80x768xf32, #tpu.memory_space<hbm>>
      tpu.wait_dma2 semaphore(%arg17 : memref<!tpu.dma_semaphore, #tpu.memory_space<semaphore_mem>>) src(%arg13 : memref<80x768xf32, #tpu.memory_space<vmem>>) dst(%dma_wait3A_153 : memref<80x768xf32, #tpu.memory_space<hbm>>)
      %dma_start3A_154 = arith.constant 480 : i32
      %dma_start3A_155 = tpu.memref_slice %arg12[%dma_start3A_154] : memref<800xi32, #tpu.memory_space<vmem>> -> memref<80xi32, #tpu.memory_space<vmem>>
      %dma_start3A_156 = arith.constant 0 : i32
      %dma_start3A_157 = arith.constant 0 : i32
      %dma_start3A_158 = tpu.memref_slice %arg3[%dma_start3A_156, %dma_start3A_157] : memref<720x768xf32, #tpu.memory_space<hbm>> -> memref<720x768xf32, #tpu.memory_space<hbm>>
      tpu.enqueue_indirect_dma source(%dma_start3A_158 : memref<720x768xf32, #tpu.memory_space<hbm>>) target(%arg13 : memref<80x768xf32, #tpu.memory_space<vmem>>) offsets(%dma_start3A_155 : memref<80xi32, #tpu.memory_space<vmem>>) semaphore(%arg15 : memref<!tpu.dma_semaphore, #tpu.memory_space<semaphore_mem>>)
      %dma_wait3A_159 = arith.constant 400 : i32
      %dma_wait3A_160 = tpu.memref_slice %arg12[%dma_wait3A_159] : memref<800xi32, #tpu.memory_space<vmem>> -> memref<80xi32, #tpu.memory_space<vmem>>
      %dma_wait3A_161 = arith.constant 0 : i32
      %dma_wait3A_162 = arith.constant 0 : i32
      %dma_wait3A_163 = tpu.memref_slice %arg3[%dma_wait3A_161, %dma_wait3A_162] : memref<720x768xf32, #tpu.memory_space<hbm>> -> memref<720x768xf32, #tpu.memory_space<hbm>>
      tpu.wait_indirect_dma semaphore(%arg16 : memref<!tpu.dma_semaphore, #tpu.memory_space<semaphore_mem>>) src(%dma_wait3A_163 : memref<720x768xf32, #tpu.memory_space<hbm>>) dst(%arg14 : memref<80x768xf32, #tpu.memory_space<vmem>>)
      %add3A_164 = arith.constant 400 : i32
      %add3A_165 = arith.addi %mul3A_32, %add3A_164 : i32
      %dma_start3A_166 = arith.constant 0 : i32
      %dma_start3A_167 = tpu.memref_slice %arg11[%add3A_165, %dma_start3A_166] : memref<6400x768xf32, #tpu.memory_space<hbm>> -> memref<80x768xf32, #tpu.memory_space<hbm>>
      %dma_start3A_168 = arith.constant 0 : i32
      %dma_start3A_169 = tpu.memref_slice %arg11[%add3A_165, %dma_start3A_168] : memref<6400x768xf32, #tpu.memory_space<hbm>> -> memref<80x768xf32, #tpu.memory_space<hbm>>
      tpu.enqueue_dma source(%arg14 : memref<80x768xf32, #tpu.memory_space<vmem>>) target(%dma_start3A_169 : memref<80x768xf32, #tpu.memory_space<hbm>>) target_semaphore(%arg18 : memref<!tpu.dma_semaphore, #tpu.memory_space<semaphore_mem>>)
      %dma_wait3A_170 = arith.constant 0 : i32
      %dma_wait3A_171 = tpu.memref_slice %arg11[%add3A_165, %dma_wait3A_170] : memref<6400x768xf32, #tpu.memory_space<hbm>> -> memref<80x768xf32, #tpu.memory_space<hbm>>
      %dma_wait3A_172 = arith.constant 0 : i32
      %dma_wait3A_173 = tpu.memref_slice %arg11[%add3A_165, %dma_wait3A_172] : memref<6400x768xf32, #tpu.memory_space<hbm>> -> memref<80x768xf32, #tpu.memory_space<hbm>>
      tpu.wait_dma2 semaphore(%arg18 : memref<!tpu.dma_semaphore, #tpu.memory_space<semaphore_mem>>) src(%arg14 : memref<80x768xf32, #tpu.memory_space<vmem>>) dst(%dma_wait3A_173 : memref<80x768xf32, #tpu.memory_space<hbm>>)
      %dma_start3A_174 = arith.constant 560 : i32
      %dma_start3A_175 = tpu.memref_slice %arg12[%dma_start3A_174] : memref<800xi32, #tpu.memory_space<vmem>> -> memref<80xi32, #tpu.memory_space<vmem>>
      %dma_start3A_176 = arith.constant 0 : i32
      %dma_start3A_177 = arith.constant 0 : i32
      %dma_start3A_178 = tpu.memref_slice %arg3[%dma_start3A_176, %dma_start3A_177] : memref<720x768xf32, #tpu.memory_space<hbm>> -> memref<720x768xf32, #tpu.memory_space<hbm>>
      tpu.enqueue_indirect_dma source(%dma_start3A_178 : memref<720x768xf32, #tpu.memory_space<hbm>>) target(%arg14 : memref<80x768xf32, #tpu.memory_space<vmem>>) offsets(%dma_start3A_175 : memref<80xi32, #tpu.memory_space<vmem>>) semaphore(%arg16 : memref<!tpu.dma_semaphore, #tpu.memory_space<semaphore_mem>>)
      %dma_wait3A_179 = arith.constant 480 : i32
      %dma_wait3A_180 = tpu.memref_slice %arg12[%dma_wait3A_179] : memref<800xi32, #tpu.memory_space<vmem>> -> memref<80xi32, #tpu.memory_space<vmem>>
      %dma_wait3A_181 = arith.constant 0 : i32
      %dma_wait3A_182 = arith.constant 0 : i32
      %dma_wait3A_183 = tpu.memref_slice %arg3[%dma_wait3A_181, %dma_wait3A_182] : memref<720x768xf32, #tpu.memory_space<hbm>> -> memref<720x768xf32, #tpu.memory_space<hbm>>
      tpu.wait_indirect_dma semaphore(%arg15 : memref<!tpu.dma_semaphore, #tpu.memory_space<semaphore_mem>>) src(%dma_wait3A_183 : memref<720x768xf32, #tpu.memory_space<hbm>>) dst(%arg13 : memref<80x768xf32, #tpu.memory_space<vmem>>)
      %add3A_184 = arith.constant 480 : i32
      %add3A_185 = arith.addi %mul3A_32, %add3A_184 : i32
      %dma_start3A_186 = arith.constant 0 : i32
      %dma_start3A_187 = tpu.memref_slice %arg11[%add3A_185, %dma_start3A_186] : memref<6400x768xf32, #tpu.memory_space<hbm>> -> memref<80x768xf32, #tpu.memory_space<hbm>>
      %dma_start3A_188 = arith.constant 0 : i32
      %dma_start3A_189 = tpu.memref_slice %arg11[%add3A_185, %dma_start3A_188] : memref<6400x768xf32, #tpu.memory_space<hbm>> -> memref<80x768xf32, #tpu.memory_space<hbm>>
      tpu.enqueue_dma source(%arg13 : memref<80x768xf32, #tpu.memory_space<vmem>>) target(%dma_start3A_189 : memref<80x768xf32, #tpu.memory_space<hbm>>) target_semaphore(%arg17 : memref<!tpu.dma_semaphore, #tpu.memory_space<semaphore_mem>>)
      %dma_wait3A_190 = arith.constant 0 : i32
      %dma_wait3A_191 = tpu.memref_slice %arg11[%add3A_185, %dma_wait3A_190] : memref<6400x768xf32, #tpu.memory_space<hbm>> -> memref<80x768xf32, #tpu.memory_space<hbm>>
      %dma_wait3A_192 = arith.constant 0 : i32
      %dma_wait3A_193 = tpu.memref_slice %arg11[%add3A_185, %dma_wait3A_192] : memref<6400x768xf32, #tpu.memory_space<hbm>> -> memref<80x768xf32, #tpu.memory_space<hbm>>
      tpu.wait_dma2 semaphore(%arg17 : memref<!tpu.dma_semaphore, #tpu.memory_space<semaphore_mem>>) src(%arg13 : memref<80x768xf32, #tpu.memory_space<vmem>>) dst(%dma_wait3A_193 : memref<80x768xf32, #tpu.memory_space<hbm>>)
      %dma_start3A_194 = arith.constant 640 : i32
      %dma_start3A_195 = tpu.memref_slice %arg12[%dma_start3A_194] : memref<800xi32, #tpu.memory_space<vmem>> -> memref<80xi32, #tpu.memory_space<vmem>>
      %dma_start3A_196 = arith.constant 0 : i32
      %dma_start3A_197 = arith.constant 0 : i32
      %dma_start3A_198 = tpu.memref_slice %arg3[%dma_start3A_196, %dma_start3A_197] : memref<720x768xf32, #tpu.memory_space<hbm>> -> memref<720x768xf32, #tpu.memory_space<hbm>>
      tpu.enqueue_indirect_dma source(%dma_start3A_198 : memref<720x768xf32, #tpu.memory_space<hbm>>) target(%arg13 : memref<80x768xf32, #tpu.memory_space<vmem>>) offsets(%dma_start3A_195 : memref<80xi32, #tpu.memory_space<vmem>>) semaphore(%arg15 : memref<!tpu.dma_semaphore, #tpu.memory_space<semaphore_mem>>)
      %dma_wait3A_199 = arith.constant 560 : i32
      %dma_wait3A_200 = tpu.memref_slice %arg12[%dma_wait3A_199] : memref<800xi32, #tpu.memory_space<vmem>> -> memref<80xi32, #tpu.memory_space<vmem>>
      %dma_wait3A_201 = arith.constant 0 : i32
      %dma_wait3A_202 = arith.constant 0 : i32
      %dma_wait3A_203 = tpu.memref_slice %arg3[%dma_wait3A_201, %dma_wait3A_202] : memref<720x768xf32, #tpu.memory_space<hbm>> -> memref<720x768xf32, #tpu.memory_space<hbm>>
      tpu.wait_indirect_dma semaphore(%arg16 : memref<!tpu.dma_semaphore, #tpu.memory_space<semaphore_mem>>) src(%dma_wait3A_203 : memref<720x768xf32, #tpu.memory_space<hbm>>) dst(%arg14 : memref<80x768xf32, #tpu.memory_space<vmem>>)
      %add3A_204 = arith.constant 560 : i32
      %add3A_205 = arith.addi %mul3A_32, %add3A_204 : i32
      %dma_start3A_206 = arith.constant 0 : i32
      %dma_start3A_207 = tpu.memref_slice %arg11[%add3A_205, %dma_start3A_206] : memref<6400x768xf32, #tpu.memory_space<hbm>> -> memref<80x768xf32, #tpu.memory_space<hbm>>
      %dma_start3A_208 = arith.constant 0 : i32
      %dma_start3A_209 = tpu.memref_slice %arg11[%add3A_205, %dma_start3A_208] : memref<6400x768xf32, #tpu.memory_space<hbm>> -> memref<80x768xf32, #tpu.memory_space<hbm>>
      tpu.enqueue_dma source(%arg14 : memref<80x768xf32, #tpu.memory_space<vmem>>) target(%dma_start3A_209 : memref<80x768xf32, #tpu.memory_space<hbm>>) target_semaphore(%arg18 : memref<!tpu.dma_semaphore, #tpu.memory_space<semaphore_mem>>)
      %dma_wait3A_210 = arith.constant 0 : i32
      %dma_wait3A_211 = tpu.memref_slice %arg11[%add3A_205, %dma_wait3A_210] : memref<6400x768xf32, #tpu.memory_space<hbm>> -> memref<80x768xf32, #tpu.memory_space<hbm>>
      %dma_wait3A_212 = arith.constant 0 : i32
      %dma_wait3A_213 = tpu.memref_slice %arg11[%add3A_205, %dma_wait3A_212] : memref<6400x768xf32, #tpu.memory_space<hbm>> -> memref<80x768xf32, #tpu.memory_space<hbm>>
      tpu.wait_dma2 semaphore(%arg18 : memref<!tpu.dma_semaphore, #tpu.memory_space<semaphore_mem>>) src(%arg14 : memref<80x768xf32, #tpu.memory_space<vmem>>) dst(%dma_wait3A_213 : memref<80x768xf32, #tpu.memory_space<hbm>>)
      %dma_start3A_214 = arith.constant 720 : i32
      %dma_start3A_215 = tpu.memref_slice %arg12[%dma_start3A_214] : memref<800xi32, #tpu.memory_space<vmem>> -> memref<80xi32, #tpu.memory_space<vmem>>
      %dma_start3A_216 = arith.constant 0 : i32
      %dma_start3A_217 = arith.constant 0 : i32
      %dma_start3A_218 = tpu.memref_slice %arg3[%dma_start3A_216, %dma_start3A_217] : memref<720x768xf32, #tpu.memory_space<hbm>> -> memref<720x768xf32, #tpu.memory_space<hbm>>
      tpu.enqueue_indirect_dma source(%dma_start3A_218 : memref<720x768xf32, #tpu.memory_space<hbm>>) target(%arg14 : memref<80x768xf32, #tpu.memory_space<vmem>>) offsets(%dma_start3A_215 : memref<80xi32, #tpu.memory_space<vmem>>) semaphore(%arg16 : memref<!tpu.dma_semaphore, #tpu.memory_space<semaphore_mem>>)
      %dma_wait3A_219 = arith.constant 640 : i32
      %dma_wait3A_220 = tpu.memref_slice %arg12[%dma_wait3A_219] : memref<800xi32, #tpu.memory_space<vmem>> -> memref<80xi32, #tpu.memory_space<vmem>>
      %dma_wait3A_221 = arith.constant 0 : i32
      %dma_wait3A_222 = arith.constant 0 : i32
      %dma_wait3A_223 = tpu.memref_slice %arg3[%dma_wait3A_221, %dma_wait3A_222] : memref<720x768xf32, #tpu.memory_space<hbm>> -> memref<720x768xf32, #tpu.memory_space<hbm>>
      tpu.wait_indirect_dma semaphore(%arg15 : memref<!tpu.dma_semaphore, #tpu.memory_space<semaphore_mem>>) src(%dma_wait3A_223 : memref<720x768xf32, #tpu.memory_space<hbm>>) dst(%arg13 : memref<80x768xf32, #tpu.memory_space<vmem>>)
      %add3A_224 = arith.constant 640 : i32
      %add3A_225 = arith.addi %mul3A_32, %add3A_224 : i32
      %dma_start3A_226 = arith.constant 0 : i32
      %dma_start3A_227 = tpu.memref_slice %arg11[%add3A_225, %dma_start3A_226] : memref<6400x768xf32, #tpu.memory_space<hbm>> -> memref<80x768xf32, #tpu.memory_space<hbm>>
      %dma_start3A_228 = arith.constant 0 : i32
      %dma_start3A_229 = tpu.memref_slice %arg11[%add3A_225, %dma_start3A_228] : memref<6400x768xf32, #tpu.memory_space<hbm>> -> memref<80x768xf32, #tpu.memory_space<hbm>>
      tpu.enqueue_dma source(%arg13 : memref<80x768xf32, #tpu.memory_space<vmem>>) target(%dma_start3A_229 : memref<80x768xf32, #tpu.memory_space<hbm>>) target_semaphore(%arg17 : memref<!tpu.dma_semaphore, #tpu.memory_space<semaphore_mem>>)
      %dma_wait3A_230 = arith.constant 720 : i32
      %dma_wait3A_231 = tpu.memref_slice %arg12[%dma_wait3A_230] : memref<800xi32, #tpu.memory_space<vmem>> -> memref<80xi32, #tpu.memory_space<vmem>>
      %dma_wait3A_232 = arith.constant 0 : i32
      %dma_wait3A_233 = arith.constant 0 : i32
      %dma_wait3A_234 = tpu.memref_slice %arg3[%dma_wait3A_232, %dma_wait3A_233] : memref<720x768xf32, #tpu.memory_space<hbm>> -> memref<720x768xf32, #tpu.memory_space<hbm>>
      tpu.wait_indirect_dma semaphore(%arg16 : memref<!tpu.dma_semaphore, #tpu.memory_space<semaphore_mem>>) src(%dma_wait3A_234 : memref<720x768xf32, #tpu.memory_space<hbm>>) dst(%arg14 : memref<80x768xf32, #tpu.memory_space<vmem>>)
      %add3A_235 = arith.constant 720 : i32
      %add3A_236 = arith.addi %mul3A_32, %add3A_235 : i32
      %dma_start3A_237 = arith.constant 0 : i32
      %dma_start3A_238 = tpu.memref_slice %arg11[%add3A_236, %dma_start3A_237] : memref<6400x768xf32, #tpu.memory_space<hbm>> -> memref<80x768xf32, #tpu.memory_space<hbm>>
      %dma_start3A_239 = arith.constant 0 : i32
      %dma_start3A_240 = tpu.memref_slice %arg11[%add3A_236, %dma_start3A_239] : memref<6400x768xf32, #tpu.memory_space<hbm>> -> memref<80x768xf32, #tpu.memory_space<hbm>>
      tpu.enqueue_dma source(%arg14 : memref<80x768xf32, #tpu.memory_space<vmem>>) target(%dma_start3A_240 : memref<80x768xf32, #tpu.memory_space<hbm>>) target_semaphore(%arg18 : memref<!tpu.dma_semaphore, #tpu.memory_space<semaphore_mem>>)
      %dma_wait3A_241 = arith.constant 0 : i32
      %dma_wait3A_242 = tpu.memref_slice %arg11[%add3A_225, %dma_wait3A_241] : memref<6400x768xf32, #tpu.memory_space<hbm>> -> memref<80x768xf32, #tpu.memory_space<hbm>>
      %dma_wait3A_243 = arith.constant 0 : i32
      %dma_wait3A_244 = tpu.memref_slice %arg11[%add3A_225, %dma_wait3A_243] : memref<6400x768xf32, #tpu.memory_space<hbm>> -> memref<80x768xf32, #tpu.memory_space<hbm>>
      tpu.wait_dma2 semaphore(%arg17 : memref<!tpu.dma_semaphore, #tpu.memory_space<semaphore_mem>>) src(%arg13 : memref<80x768xf32, #tpu.memory_space<vmem>>) dst(%dma_wait3A_244 : memref<80x768xf32, #tpu.memory_space<hbm>>)
      %dma_wait3A_245 = arith.constant 0 : i32
      %dma_wait3A_246 = tpu.memref_slice %arg11[%add3A_236, %dma_wait3A_245] : memref<6400x768xf32, #tpu.memory_space<hbm>> -> memref<80x768xf32, #tpu.memory_space<hbm>>
      %dma_wait3A_247 = arith.constant 0 : i32
      %dma_wait3A_248 = tpu.memref_slice %arg11[%add3A_236, %dma_wait3A_247] : memref<6400x768xf32, #tpu.memory_space<hbm>> -> memref<80x768xf32, #tpu.memory_space<hbm>>
      tpu.wait_dma2 semaphore(%arg18 : memref<!tpu.dma_semaphore, #tpu.memory_space<semaphore_mem>>) src(%arg14 : memref<80x768xf32, #tpu.memory_space<vmem>>) dst(%dma_wait3A_248 : memref<80x768xf32, #tpu.memory_space<hbm>>)
    } else {
    }
    return
  }
}

module attributes {stable_mosaic.version = 14 : i64} {
  func.func @_score_body(%arg0: memref<128x768xf32, #tpu.memory_space<vmem>>, %arg1: memref<36x768xf32, #tpu.memory_space<vmem>>, %arg2: memref<36x768xf32, #tpu.memory_space<vmem>>, %arg3: memref<6x768xf32, #tpu.memory_space<vmem>>, %arg4: memref<6x768xf32, #tpu.memory_space<vmem>>, %arg5: memref<64x128xi32, #tpu.memory_space<vmem>>, %arg6: memref<64x128xi32, #tpu.memory_space<vmem>>, %arg7: memref<64x128xi32, #tpu.memory_space<vmem>>, %arg8: memref<64x128xi32, #tpu.memory_space<vmem>>, %arg9: memref<1x1xf32, #tpu.memory_space<vmem>>, %arg10: memref<3x128x768xf32, #tpu.memory_space<vmem>>, %arg11: memref<3x128x768xf32, #tpu.memory_space<vmem>>, %arg12: memref<3x128x768xf32, #tpu.memory_space<vmem>>, %arg13: memref<3x128x768xf32, #tpu.memory_space<vmem>>) attributes {dimension_semantics = [], scalar_prefetch = 0 : i64, scratch_operands = 0 : i64, tpu.core_type = #tpu.core_type<tc>} {
    %get3A = arith.constant 0 : index
    %get3A_0 = arith.constant 0 : index
    %get3A_1 = vector.load %arg0[%get3A, %get3A_0] : memref<128x768xf32, #tpu.memory_space<vmem>>, vector<128x768xf32>
    %mul3A = arith.mulf %get3A_1, %get3A_1 : vector<128x768xf32>
    %reduce_sum3A = arith.constant dense<0.000000e+00> : vector<128xf32>
    %reduce_sum3A_2 = vector.multi_reduction <add>, %mul3A, %reduce_sum3A [1] : vector<128x768xf32> to vector<128xf32>
    %broadcast_in_dim3A = vector.shape_cast %reduce_sum3A_2 : vector<128xf32> to vector<128x1xf32>
    %sqrt3A = math.sqrt %broadcast_in_dim3A : vector<128x1xf32>
    %max3A = arith.constant 9.99999996E-13 : f32
    %max3A_3 = vector.broadcast %max3A : f32 to vector<128x1xf32>
    %max3A_4 = arith.maximumf %sqrt3A, %max3A_3 : vector<128x1xf32>
    %div3A = vector.broadcast %max3A_4 : vector<128x1xf32> to vector<128x768xf32>
    %div3A_5 = arith.divf %get3A_1, %div3A : vector<128x768xf32>
    %iota3A = tpu.iota {dimensions = array<i32: 0>} : vector<36x128xi32>
    %iota3A_6 = tpu.iota {dimensions = array<i32: 0>} : vector<50x128xi32>
    %jit3A = arith.constant 10 : i32
    %eq3A = arith.constant 0 : i32
    %eq3A_7 = arith.cmpi eq, %jit3A, %eq3A : i32
    %jit3A_8 = arith.constant 1 : i32
    %select_n3A = arith.select %eq3A_7, %jit3A_8, %jit3A : i32
    %rem3A = vector.broadcast %select_n3A : i32 to vector<50x128xi32>
    %rem3A_9 = arith.remsi %iota3A_6, %rem3A : vector<50x128xi32>
    %ne3A = arith.constant 0 : i32
    %ne3A_10 = vector.broadcast %ne3A : i32 to vector<50x128xi32>
    %ne3A_11 = arith.cmpi ne, %rem3A_9, %ne3A_10 : vector<50x128xi32>
    %lt3A = arith.constant 0 : i32
    %lt3A_12 = vector.broadcast %lt3A : i32 to vector<50x128xi32>
    %lt3A_13 = arith.cmpi slt, %rem3A_9, %lt3A_12 : vector<50x128xi32>
    %lt3A_14 = arith.constant 0 : i32
    %lt3A_15 = arith.cmpi slt, %select_n3A, %lt3A_14 : i32
    %ne3A_16 = vector.broadcast %lt3A_15 : i1 to vector<50x128xi1>
    %ne3A_17 = vector.broadcast %ne3A_16 : vector<50x128xi1> to vector<50x128xi1>
    %ne3A_18 = arith.xori %lt3A_13, %ne3A_17 : vector<50x128xi1>
    %and3A = arith.andi %ne3A_18, %ne3A_11 : vector<50x128xi1>
    %add3A = vector.broadcast %select_n3A : i32 to vector<50x128xi32>
    %add3A_19 = arith.addi %rem3A_9, %add3A : vector<50x128xi32>
    %select_n3A_20 = arith.select %and3A, %add3A_19, %rem3A_9 : vector<50x128xi1>, vector<50x128xi32>
    %mul3A_21 = arith.constant 36 : i32
    %mul3A_22 = vector.broadcast %mul3A_21 : i32 to vector<50x128xi32>
    %mul3A_23 = arith.muli %select_n3A_20, %mul3A_22 : vector<50x128xi32>
    %get3A_24 = arith.constant 0 : index
    %get3A_25 = arith.constant 0 : index
    %get3A_26 = vector.load %arg1[%get3A_24, %get3A_25] : memref<36x768xf32, #tpu.memory_space<vmem>>, vector<36x768xf32>
    %mul3A_27 = arith.mulf %get3A_26, %get3A_26 : vector<36x768xf32>
    %reduce_sum3A_28 = arith.constant dense<0.000000e+00> : vector<36xf32>
    %reduce_sum3A_29 = vector.multi_reduction <add>, %mul3A_27, %reduce_sum3A_28 [1] : vector<36x768xf32> to vector<36xf32>
    %broadcast_in_dim3A_30 = vector.shape_cast %reduce_sum3A_29 : vector<36xf32> to vector<36x1xf32>
    %sqrt3A_31 = math.sqrt %broadcast_in_dim3A_30 : vector<36x1xf32>
    %max3A_32 = arith.constant 9.99999996E-13 : f32
    %max3A_33 = vector.broadcast %max3A_32 : f32 to vector<36x1xf32>
    %max3A_34 = arith.maximumf %sqrt3A_31, %max3A_33 : vector<36x1xf32>
    %div3A_35 = vector.broadcast %max3A_34 : vector<36x1xf32> to vector<36x768xf32>
    %div3A_36 = arith.divf %get3A_26, %div3A_35 : vector<36x768xf32>
    %dot_general3A = arith.constant dense<0.000000e+00> : vector<36x128xf32>
    %dot_general3A_37 = tpu.matmul %div3A_36, %div3A_5, %dot_general3A {dimension_numbers = #tpu.dot_dimension_numbers<[1], [1], [0], [0], [0, 0, 1, 0], [], []>, transpose_lhs_hint = false} : vector<36x768xf32>, vector<128x768xf32>, vector<36x128xf32> -> vector<36x128xf32>
    %reduce_sum3A_38 = arith.constant dense<0.000000e+00> : vector<36xf32>
    %reduce_sum3A_39 = vector.multi_reduction <add>, %dot_general3A_37, %reduce_sum3A_38 [1] : vector<36x128xf32> to vector<36xf32>
    %broadcast_in_dim3A_40 = vector.shape_cast %reduce_sum3A_39 : vector<36xf32> to vector<36x1xf32>
    %reduce_max3A = arith.constant dense<0xFF800000> : vector<128xf32>
    %reduce_max3A_41 = vector.multi_reduction <maximumf>, %dot_general3A_37, %reduce_max3A [0] : vector<36x128xf32> to vector<128xf32>
    %broadcast_in_dim3A_42 = vector.shape_cast %reduce_max3A_41 : vector<128xf32> to vector<1x128xf32>
    %eq3A_43 = vector.broadcast %broadcast_in_dim3A_42 : vector<1x128xf32> to vector<36x128xf32>
    %eq3A_44 = arith.cmpf oeq, %dot_general3A_37, %eq3A_43 : vector<36x128xf32>
    %jit3A_45 = arith.constant 36 : i32
    %broadcast_in_dim3A_46 = vector.broadcast %jit3A_45 : i32 to vector<36x128xi32>
    %select_n3A_47 = arith.select %eq3A_44, %iota3A, %broadcast_in_dim3A_46 : vector<36x128xi1>, vector<36x128xi32>
    %reduce_min3A = arith.constant dense<2147483647> : vector<128xi32>
    %reduce_min3A_48 = vector.multi_reduction <minsi>, %select_n3A_47, %reduce_min3A [0] : vector<36x128xi32> to vector<128xi32>
    %broadcast_in_dim3A_49 = vector.shape_cast %reduce_min3A_48 : vector<128xi32> to vector<1x128xi32>
    %eq3A_50 = vector.broadcast %broadcast_in_dim3A_49 : vector<1x128xi32> to vector<36x128xi32>
    %eq3A_51 = arith.cmpi eq, %iota3A, %eq3A_50 : vector<36x128xi32>
    %broadcast_in_dim3A_52 = vector.shape_cast %broadcast_in_dim3A_40 : vector<36x1xf32> to vector<36x1xf32>
    %broadcast_in_dim3A_53 = vector.broadcast %broadcast_in_dim3A_52 : vector<36x1xf32> to vector<36x128xf32>
    %jit3A_54 = arith.constant 0.000000e+00 : f32
    %broadcast_in_dim3A_55 = vector.broadcast %jit3A_54 : f32 to vector<36x128xf32>
    %select_n3A_56 = arith.select %eq3A_51, %broadcast_in_dim3A_53, %broadcast_in_dim3A_55 : vector<36x128xi1>, vector<36x128xf32>
    %reduce_sum3A_57 = vector.shape_cast %select_n3A_56 : vector<36x128xf32> to vector<1x36x128xf32>
    %reduce_sum3A_58 = arith.constant dense<0.000000e+00> : vector<1xf32>
    %reduce_sum3A_59 = vector.multi_reduction <add>, %reduce_sum3A_57, %reduce_sum3A_58 [1, 2] : vector<1x36x128xf32> to vector<1xf32>
    %reduce_sum3A_60 = vector.shape_cast %reduce_sum3A_59 : vector<1xf32> to vector<1x1x1xf32>
    %reduce_sum3A_61 = vector.extract %reduce_sum3A_60[0, 0, 0] : f32 from vector<1x1x1xf32>
    %add3A_62 = arith.constant 0.000000e+00 : f32
    %add3A_63 = arith.addf %add3A_62, %reduce_sum3A_61 : f32
    %jit3A_64 = arith.constant -1.000000e+30 : f32
    %broadcast_in_dim3A_65 = vector.broadcast %jit3A_64 : f32 to vector<36x128xf32>
    %select_n3A_66 = arith.select %eq3A_51, %broadcast_in_dim3A_65, %dot_general3A_37 : vector<36x128xi1>, vector<36x128xf32>
    %reduce_max3A_67 = arith.constant dense<0xFF800000> : vector<128xf32>
    %reduce_max3A_68 = vector.multi_reduction <maximumf>, %select_n3A_66, %reduce_max3A_67 [0] : vector<36x128xf32> to vector<128xf32>
    %broadcast_in_dim3A_69 = vector.shape_cast %reduce_max3A_68 : vector<128xf32> to vector<1x128xf32>
    %eq3A_70 = vector.broadcast %broadcast_in_dim3A_69 : vector<1x128xf32> to vector<36x128xf32>
    %eq3A_71 = arith.cmpf oeq, %select_n3A_66, %eq3A_70 : vector<36x128xf32>
    %jit3A_72 = arith.constant 36 : i32
    %broadcast_in_dim3A_73 = vector.broadcast %jit3A_72 : i32 to vector<36x128xi32>
    %select_n3A_74 = arith.select %eq3A_71, %iota3A, %broadcast_in_dim3A_73 : vector<36x128xi1>, vector<36x128xi32>
    %reduce_min3A_75 = arith.constant dense<2147483647> : vector<128xi32>
    %reduce_min3A_76 = vector.multi_reduction <minsi>, %select_n3A_74, %reduce_min3A_75 [0] : vector<36x128xi32> to vector<128xi32>
    %broadcast_in_dim3A_77 = vector.shape_cast %reduce_min3A_76 : vector<128xi32> to vector<1x128xi32>
    %eq3A_78 = vector.broadcast %broadcast_in_dim3A_77 : vector<1x128xi32> to vector<36x128xi32>
    %eq3A_79 = arith.cmpi eq, %iota3A, %eq3A_78 : vector<36x128xi32>
    %broadcast_in_dim3A_80 = vector.shape_cast %broadcast_in_dim3A_40 : vector<36x1xf32> to vector<36x1xf32>
    %broadcast_in_dim3A_81 = vector.broadcast %broadcast_in_dim3A_80 : vector<36x1xf32> to vector<36x128xf32>
    %jit3A_82 = arith.constant 0.000000e+00 : f32
    %broadcast_in_dim3A_83 = vector.broadcast %jit3A_82 : f32 to vector<36x128xf32>
    %select_n3A_84 = arith.select %eq3A_79, %broadcast_in_dim3A_81, %broadcast_in_dim3A_83 : vector<36x128xi1>, vector<36x128xf32>
    %reduce_sum3A_85 = vector.shape_cast %select_n3A_84 : vector<36x128xf32> to vector<1x36x128xf32>
    %reduce_sum3A_86 = arith.constant dense<0.000000e+00> : vector<1xf32>
    %reduce_sum3A_87 = vector.multi_reduction <add>, %reduce_sum3A_85, %reduce_sum3A_86 [1, 2] : vector<1x36x128xf32> to vector<1xf32>
    %reduce_sum3A_88 = vector.shape_cast %reduce_sum3A_87 : vector<1xf32> to vector<1x1x1xf32>
    %reduce_sum3A_89 = vector.extract %reduce_sum3A_88[0, 0, 0] : f32 from vector<1x1x1xf32>
    %add3A_90 = arith.addf %add3A_63, %reduce_sum3A_89 : f32
    %jit3A_91 = arith.constant -1.000000e+30 : f32
    %broadcast_in_dim3A_92 = vector.broadcast %jit3A_91 : f32 to vector<36x128xf32>
    %select_n3A_93 = arith.select %eq3A_79, %broadcast_in_dim3A_92, %select_n3A_66 : vector<36x128xi1>, vector<36x128xf32>
    %reduce_max3A_94 = arith.constant dense<0xFF800000> : vector<128xf32>
    %reduce_max3A_95 = vector.multi_reduction <maximumf>, %select_n3A_93, %reduce_max3A_94 [0] : vector<36x128xf32> to vector<128xf32>
    %broadcast_in_dim3A_96 = vector.shape_cast %reduce_max3A_95 : vector<128xf32> to vector<1x128xf32>
    %eq3A_97 = vector.broadcast %broadcast_in_dim3A_96 : vector<1x128xf32> to vector<36x128xf32>
    %eq3A_98 = arith.cmpf oeq, %select_n3A_93, %eq3A_97 : vector<36x128xf32>
    %jit3A_99 = arith.constant 36 : i32
    %broadcast_in_dim3A_100 = vector.broadcast %jit3A_99 : i32 to vector<36x128xi32>
    %select_n3A_101 = arith.select %eq3A_98, %iota3A, %broadcast_in_dim3A_100 : vector<36x128xi1>, vector<36x128xi32>
    %reduce_min3A_102 = arith.constant dense<2147483647> : vector<128xi32>
    %reduce_min3A_103 = vector.multi_reduction <minsi>, %select_n3A_101, %reduce_min3A_102 [0] : vector<36x128xi32> to vector<128xi32>
    %broadcast_in_dim3A_104 = vector.shape_cast %reduce_min3A_103 : vector<128xi32> to vector<1x128xi32>
    %eq3A_105 = vector.broadcast %broadcast_in_dim3A_104 : vector<1x128xi32> to vector<36x128xi32>
    %eq3A_106 = arith.cmpi eq, %iota3A, %eq3A_105 : vector<36x128xi32>
    %broadcast_in_dim3A_107 = vector.shape_cast %broadcast_in_dim3A_40 : vector<36x1xf32> to vector<36x1xf32>
    %broadcast_in_dim3A_108 = vector.broadcast %broadcast_in_dim3A_107 : vector<36x1xf32> to vector<36x128xf32>
    %jit3A_109 = arith.constant 0.000000e+00 : f32
    %broadcast_in_dim3A_110 = vector.broadcast %jit3A_109 : f32 to vector<36x128xf32>
    %select_n3A_111 = arith.select %eq3A_106, %broadcast_in_dim3A_108, %broadcast_in_dim3A_110 : vector<36x128xi1>, vector<36x128xf32>
    %reduce_sum3A_112 = vector.shape_cast %select_n3A_111 : vector<36x128xf32> to vector<1x36x128xf32>
    %reduce_sum3A_113 = arith.constant dense<0.000000e+00> : vector<1xf32>
    %reduce_sum3A_114 = vector.multi_reduction <add>, %reduce_sum3A_112, %reduce_sum3A_113 [1, 2] : vector<1x36x128xf32> to vector<1xf32>
    %reduce_sum3A_115 = vector.shape_cast %reduce_sum3A_114 : vector<1xf32> to vector<1x1x1xf32>
    %reduce_sum3A_116 = vector.extract %reduce_sum3A_115[0, 0, 0] : f32 from vector<1x1x1xf32>
    %add3A_117 = arith.addf %add3A_90, %reduce_sum3A_116 : f32
    %jit3A_118 = arith.constant -1.000000e+30 : f32
    %broadcast_in_dim3A_119 = vector.broadcast %jit3A_118 : f32 to vector<36x128xf32>
    %select_n3A_120 = arith.select %eq3A_106, %broadcast_in_dim3A_119, %select_n3A_93 : vector<36x128xi1>, vector<36x128xf32>
    %reduce_max3A_121 = arith.constant dense<0xFF800000> : vector<128xf32>
    %reduce_max3A_122 = vector.multi_reduction <maximumf>, %select_n3A_120, %reduce_max3A_121 [0] : vector<36x128xf32> to vector<128xf32>
    %broadcast_in_dim3A_123 = vector.shape_cast %reduce_max3A_122 : vector<128xf32> to vector<1x128xf32>
    %eq3A_124 = vector.broadcast %broadcast_in_dim3A_123 : vector<1x128xf32> to vector<36x128xf32>
    %eq3A_125 = arith.cmpf oeq, %select_n3A_120, %eq3A_124 : vector<36x128xf32>
    %jit3A_126 = arith.constant 36 : i32
    %broadcast_in_dim3A_127 = vector.broadcast %jit3A_126 : i32 to vector<36x128xi32>
    %select_n3A_128 = arith.select %eq3A_125, %iota3A, %broadcast_in_dim3A_127 : vector<36x128xi1>, vector<36x128xi32>
    %reduce_min3A_129 = arith.constant dense<2147483647> : vector<128xi32>
    %reduce_min3A_130 = vector.multi_reduction <minsi>, %select_n3A_128, %reduce_min3A_129 [0] : vector<36x128xi32> to vector<128xi32>
    %broadcast_in_dim3A_131 = vector.shape_cast %reduce_min3A_130 : vector<128xi32> to vector<1x128xi32>
    %eq3A_132 = vector.broadcast %broadcast_in_dim3A_131 : vector<1x128xi32> to vector<36x128xi32>
    %eq3A_133 = arith.cmpi eq, %iota3A, %eq3A_132 : vector<36x128xi32>
    %broadcast_in_dim3A_134 = vector.shape_cast %broadcast_in_dim3A_40 : vector<36x1xf32> to vector<36x1xf32>
    %broadcast_in_dim3A_135 = vector.broadcast %broadcast_in_dim3A_134 : vector<36x1xf32> to vector<36x128xf32>
    %jit3A_136 = arith.constant 0.000000e+00 : f32
    %broadcast_in_dim3A_137 = vector.broadcast %jit3A_136 : f32 to vector<36x128xf32>
    %select_n3A_138 = arith.select %eq3A_133, %broadcast_in_dim3A_135, %broadcast_in_dim3A_137 : vector<36x128xi1>, vector<36x128xf32>
    %reduce_sum3A_139 = vector.shape_cast %select_n3A_138 : vector<36x128xf32> to vector<1x36x128xf32>
    %reduce_sum3A_140 = arith.constant dense<0.000000e+00> : vector<1xf32>
    %reduce_sum3A_141 = vector.multi_reduction <add>, %reduce_sum3A_139, %reduce_sum3A_140 [1, 2] : vector<1x36x128xf32> to vector<1xf32>
    %reduce_sum3A_142 = vector.shape_cast %reduce_sum3A_141 : vector<1xf32> to vector<1x1x1xf32>
    %reduce_sum3A_143 = vector.extract %reduce_sum3A_142[0, 0, 0] : f32 from vector<1x1x1xf32>
    %add3A_144 = arith.addf %add3A_117, %reduce_sum3A_143 : f32
    %jit3A_145 = arith.constant -1.000000e+30 : f32
    %broadcast_in_dim3A_146 = vector.broadcast %jit3A_145 : f32 to vector<36x128xf32>
    %select_n3A_147 = arith.select %eq3A_133, %broadcast_in_dim3A_146, %select_n3A_120 : vector<36x128xi1>, vector<36x128xf32>
    %reduce_max3A_148 = arith.constant dense<0xFF800000> : vector<128xf32>
    %reduce_max3A_149 = vector.multi_reduction <maximumf>, %select_n3A_147, %reduce_max3A_148 [0] : vector<36x128xf32> to vector<128xf32>
    %broadcast_in_dim3A_150 = vector.shape_cast %reduce_max3A_149 : vector<128xf32> to vector<1x128xf32>
    %eq3A_151 = vector.broadcast %broadcast_in_dim3A_150 : vector<1x128xf32> to vector<36x128xf32>
    %eq3A_152 = arith.cmpf oeq, %select_n3A_147, %eq3A_151 : vector<36x128xf32>
    %jit3A_153 = arith.constant 36 : i32
    %broadcast_in_dim3A_154 = vector.broadcast %jit3A_153 : i32 to vector<36x128xi32>
    %select_n3A_155 = arith.select %eq3A_152, %iota3A, %broadcast_in_dim3A_154 : vector<36x128xi1>, vector<36x128xi32>
    %reduce_min3A_156 = arith.constant dense<2147483647> : vector<128xi32>
    %reduce_min3A_157 = vector.multi_reduction <minsi>, %select_n3A_155, %reduce_min3A_156 [0] : vector<36x128xi32> to vector<128xi32>
    %broadcast_in_dim3A_158 = vector.shape_cast %reduce_min3A_157 : vector<128xi32> to vector<1x128xi32>
    %eq3A_159 = vector.broadcast %broadcast_in_dim3A_158 : vector<1x128xi32> to vector<36x128xi32>
    %eq3A_160 = arith.cmpi eq, %iota3A, %eq3A_159 : vector<36x128xi32>
    %broadcast_in_dim3A_161 = vector.shape_cast %broadcast_in_dim3A_40 : vector<36x1xf32> to vector<36x1xf32>
    %broadcast_in_dim3A_162 = vector.broadcast %broadcast_in_dim3A_161 : vector<36x1xf32> to vector<36x128xf32>
    %jit3A_163 = arith.constant 0.000000e+00 : f32
    %broadcast_in_dim3A_164 = vector.broadcast %jit3A_163 : f32 to vector<36x128xf32>
    %select_n3A_165 = arith.select %eq3A_160, %broadcast_in_dim3A_162, %broadcast_in_dim3A_164 : vector<36x128xi1>, vector<36x128xf32>
    %reduce_sum3A_166 = vector.shape_cast %select_n3A_165 : vector<36x128xf32> to vector<1x36x128xf32>
    %reduce_sum3A_167 = arith.constant dense<0.000000e+00> : vector<1xf32>
    %reduce_sum3A_168 = vector.multi_reduction <add>, %reduce_sum3A_166, %reduce_sum3A_167 [1, 2] : vector<1x36x128xf32> to vector<1xf32>
    %reduce_sum3A_169 = vector.shape_cast %reduce_sum3A_168 : vector<1xf32> to vector<1x1x1xf32>
    %reduce_sum3A_170 = vector.extract %reduce_sum3A_169[0, 0, 0] : f32 from vector<1x1x1xf32>
    %add3A_171 = arith.addf %add3A_144, %reduce_sum3A_170 : f32
    %div3A_172 = arith.constant 8.192000e+04 : f32
    %div3A_173 = arith.divf %add3A_171, %div3A_172 : f32
    %sub3A = arith.constant 1.000000e+00 : f32
    %sub3A_174 = arith.subf %sub3A, %div3A_173 : f32
    %concatenate3A = tpu.concatenate %broadcast_in_dim3A_49, %broadcast_in_dim3A_49, %broadcast_in_dim3A_49, %broadcast_in_dim3A_49, %broadcast_in_dim3A_49, %broadcast_in_dim3A_49, %broadcast_in_dim3A_49, %broadcast_in_dim3A_49, %broadcast_in_dim3A_49, %broadcast_in_dim3A_49, %broadcast_in_dim3A_77, %broadcast_in_dim3A_77, %broadcast_in_dim3A_77, %broadcast_in_dim3A_77, %broadcast_in_dim3A_77, %broadcast_in_dim3A_77, %broadcast_in_dim3A_77, %broadcast_in_dim3A_77, %broadcast_in_dim3A_77, %broadcast_in_dim3A_77, %broadcast_in_dim3A_104, %broadcast_in_dim3A_104, %broadcast_in_dim3A_104, %broadcast_in_dim3A_104, %broadcast_in_dim3A_104, %broadcast_in_dim3A_104, %broadcast_in_dim3A_104, %broadcast_in_dim3A_104, %broadcast_in_dim3A_104, %broadcast_in_dim3A_104, %broadcast_in_dim3A_131, %broadcast_in_dim3A_131, %broadcast_in_dim3A_131, %broadcast_in_dim3A_131, %broadcast_in_dim3A_131, %broadcast_in_dim3A_131, %broadcast_in_dim3A_131, %broadcast_in_dim3A_131, %broadcast_in_dim3A_131, %broadcast_in_dim3A_131, %broadcast_in_dim3A_158, %broadcast_in_dim3A_158, %broadcast_in_dim3A_158, %broadcast_in_dim3A_158, %broadcast_in_dim3A_158, %broadcast_in_dim3A_158, %broadcast_in_dim3A_158, %broadcast_in_dim3A_158, %broadcast_in_dim3A_158, %broadcast_in_dim3A_158 in 0 : vector<1x128xi32>, vector<1x128xi32>, vector<1x128xi32>, vector<1x128xi32>, vector<1x128xi32>, vector<1x128xi32>, vector<1x128xi32>, vector<1x128xi32>, vector<1x128xi32>, vector<1x128xi32>, vector<1x128xi32>, vector<1x128xi32>, vector<1x128xi32>, vector<1x128xi32>, vector<1x128xi32>, vector<1x128xi32>, vector<1x128xi32>, vector<1x128xi32>, vector<1x128xi32>, vector<1x128xi32>, vector<1x128xi32>, vector<1x128xi32>, vector<1x128xi32>, vector<1x128xi32>, vector<1x128xi32>, vector<1x128xi32>, vector<1x128xi32>, vector<1x128xi32>, vector<1x128xi32>, vector<1x128xi32>, vector<1x128xi32>, vector<1x128xi32>, vector<1x128xi32>, vector<1x128xi32>, vector<1x128xi32>, vector<1x128xi32>, vector<1x128xi32>, vector<1x128xi32>, vector<1x128xi32>, vector<1x128xi32>, vector<1x128xi32>, vector<1x128xi32>, vector<1x128xi32>, vector<1x128xi32>, vector<1x128xi32>, vector<1x128xi32>, vector<1x128xi32>, vector<1x128xi32>, vector<1x128xi32>, vector<1x128xi32> -> vector<50x128xi32>
    %broadcast_in_dim3A_175 = arith.constant 0 : i32
    %broadcast_in_dim3A_176 = vector.broadcast %broadcast_in_dim3A_175 : i32 to vector<14x128xi32>
    %add3A_177 = arith.addi %mul3A_23, %concatenate3A : vector<50x128xi32>
    %concatenate3A_178 = tpu.concatenate %add3A_177, %broadcast_in_dim3A_176 in 0 : vector<50x128xi32>, vector<14x128xi32> -> vector<64x128xi32>
    %swap3A = arith.constant 0 : index
    %swap3A_179 = arith.constant 0 : index
    %swap3A_180 = vector.load %arg5[%swap3A, %swap3A_179] : memref<64x128xi32, #tpu.memory_space<vmem>>, vector<64x128xi32>
    tpu.vector_store %arg5[%swap3A, %swap3A_179], %concatenate3A_178 {strides = array<i32>} : memref<64x128xi32, #tpu.memory_space<vmem>>, vector<64x128xi32>,
    %add3A_181 = arith.addi %mul3A_23, %concatenate3A : vector<50x128xi32>
    %add3A_182 = arith.constant 360 : i32
    %add3A_183 = vector.broadcast %add3A_182 : i32 to vector<50x128xi32>
    %add3A_184 = arith.addi %add3A_181, %add3A_183 : vector<50x128xi32>
    %concatenate3A_185 = tpu.concatenate %add3A_184, %broadcast_in_dim3A_176 in 0 : vector<50x128xi32>, vector<14x128xi32> -> vector<64x128xi32>
    %swap3A_186 = arith.constant 0 : index
    %swap3A_187 = arith.constant 0 : index
    %swap3A_188 = vector.load %arg6[%swap3A_186, %swap3A_187] : memref<64x128xi32, #tpu.memory_space<vmem>>, vector<64x128xi32>
    tpu.vector_store %arg6[%swap3A_186, %swap3A_187], %concatenate3A_185 {strides = array<i32>} : memref<64x128xi32, #tpu.memory_space<vmem>>, vector<64x128xi32>,
    %get3A_189 = arith.constant 0 : index
    %get3A_190 = arith.constant 0 : index
    %get3A_191 = vector.load %arg2[%get3A_189, %get3A_190] : memref<36x768xf32, #tpu.memory_space<vmem>>, vector<36x768xf32>
    %mul3A_192 = arith.mulf %get3A_191, %get3A_191 : vector<36x768xf32>
    %reduce_sum3A_193 = arith.constant dense<0.000000e+00> : vector<36xf32>
    %reduce_sum3A_194 = vector.multi_reduction <add>, %mul3A_192, %reduce_sum3A_193 [1] : vector<36x768xf32> to vector<36xf32>
    %broadcast_in_dim3A_195 = vector.shape_cast %reduce_sum3A_194 : vector<36xf32> to vector<36x1xf32>
    %sqrt3A_196 = math.sqrt %broadcast_in_dim3A_195 : vector<36x1xf32>
    %max3A_197 = arith.constant 9.99999996E-13 : f32
    %max3A_198 = vector.broadcast %max3A_197 : f32 to vector<36x1xf32>
    %max3A_199 = arith.maximumf %sqrt3A_196, %max3A_198 : vector<36x1xf32>
    %div3A_200 = vector.broadcast %max3A_199 : vector<36x1xf32> to vector<36x768xf32>
    %div3A_201 = arith.divf %get3A_191, %div3A_200 : vector<36x768xf32>
    %dot_general3A_202 = arith.constant dense<0.000000e+00> : vector<36x128xf32>
    %dot_general3A_203 = tpu.matmul %div3A_201, %div3A_5, %dot_general3A_202 {dimension_numbers = #tpu.dot_dimension_numbers<[1], [1], [0], [0], [0, 0, 1, 0], [], []>, transpose_lhs_hint = false} : vector<36x768xf32>, vector<128x768xf32>, vector<36x128xf32> -> vector<36x128xf32>
    %reduce_sum3A_204 = arith.constant dense<0.000000e+00> : vector<36xf32>
    %reduce_sum3A_205 = vector.multi_reduction <add>, %dot_general3A_203, %reduce_sum3A_204 [1] : vector<36x128xf32> to vector<36xf32>
    %broadcast_in_dim3A_206 = vector.shape_cast %reduce_sum3A_205 : vector<36xf32> to vector<36x1xf32>
    %reduce_max3A_207 = arith.constant dense<0xFF800000> : vector<128xf32>
    %reduce_max3A_208 = vector.multi_reduction <maximumf>, %dot_general3A_203, %reduce_max3A_207 [0] : vector<36x128xf32> to vector<128xf32>
    %broadcast_in_dim3A_209 = vector.shape_cast %reduce_max3A_208 : vector<128xf32> to vector<1x128xf32>
    %eq3A_210 = vector.broadcast %broadcast_in_dim3A_209 : vector<1x128xf32> to vector<36x128xf32>
    %eq3A_211 = arith.cmpf oeq, %dot_general3A_203, %eq3A_210 : vector<36x128xf32>
    %jit3A_212 = arith.constant 36 : i32
    %broadcast_in_dim3A_213 = vector.broadcast %jit3A_212 : i32 to vector<36x128xi32>
    %select_n3A_214 = arith.select %eq3A_211, %iota3A, %broadcast_in_dim3A_213 : vector<36x128xi1>, vector<36x128xi32>
    %reduce_min3A_215 = arith.constant dense<2147483647> : vector<128xi32>
    %reduce_min3A_216 = vector.multi_reduction <minsi>, %select_n3A_214, %reduce_min3A_215 [0] : vector<36x128xi32> to vector<128xi32>
    %broadcast_in_dim3A_217 = vector.shape_cast %reduce_min3A_216 : vector<128xi32> to vector<1x128xi32>
    %eq3A_218 = vector.broadcast %broadcast_in_dim3A_217 : vector<1x128xi32> to vector<36x128xi32>
    %eq3A_219 = arith.cmpi eq, %iota3A, %eq3A_218 : vector<36x128xi32>
    %broadcast_in_dim3A_220 = vector.shape_cast %broadcast_in_dim3A_206 : vector<36x1xf32> to vector<36x1xf32>
    %broadcast_in_dim3A_221 = vector.broadcast %broadcast_in_dim3A_220 : vector<36x1xf32> to vector<36x128xf32>
    %jit3A_222 = arith.constant 0.000000e+00 : f32
    %broadcast_in_dim3A_223 = vector.broadcast %jit3A_222 : f32 to vector<36x128xf32>
    %select_n3A_224 = arith.select %eq3A_219, %broadcast_in_dim3A_221, %broadcast_in_dim3A_223 : vector<36x128xi1>, vector<36x128xf32>
    %reduce_sum3A_225 = vector.shape_cast %select_n3A_224 : vector<36x128xf32> to vector<1x36x128xf32>
    %reduce_sum3A_226 = arith.constant dense<0.000000e+00> : vector<1xf32>
    %reduce_sum3A_227 = vector.multi_reduction <add>, %reduce_sum3A_225, %reduce_sum3A_226 [1, 2] : vector<1x36x128xf32> to vector<1xf32>
    %reduce_sum3A_228 = vector.shape_cast %reduce_sum3A_227 : vector<1xf32> to vector<1x1x1xf32>
    %reduce_sum3A_229 = vector.extract %reduce_sum3A_228[0, 0, 0] : f32 from vector<1x1x1xf32>
    %add3A_230 = arith.constant 0.000000e+00 : f32
    %add3A_231 = arith.addf %add3A_230, %reduce_sum3A_229 : f32
    %jit3A_232 = arith.constant -1.000000e+30 : f32
    %broadcast_in_dim3A_233 = vector.broadcast %jit3A_232 : f32 to vector<36x128xf32>
    %select_n3A_234 = arith.select %eq3A_219, %broadcast_in_dim3A_233, %dot_general3A_203 : vector<36x128xi1>, vector<36x128xf32>
    %reduce_max3A_235 = arith.constant dense<0xFF800000> : vector<128xf32>
    %reduce_max3A_236 = vector.multi_reduction <maximumf>, %select_n3A_234, %reduce_max3A_235 [0] : vector<36x128xf32> to vector<128xf32>
    %broadcast_in_dim3A_237 = vector.shape_cast %reduce_max3A_236 : vector<128xf32> to vector<1x128xf32>
    %eq3A_238 = vector.broadcast %broadcast_in_dim3A_237 : vector<1x128xf32> to vector<36x128xf32>
    %eq3A_239 = arith.cmpf oeq, %select_n3A_234, %eq3A_238 : vector<36x128xf32>
    %jit3A_240 = arith.constant 36 : i32
    %broadcast_in_dim3A_241 = vector.broadcast %jit3A_240 : i32 to vector<36x128xi32>
    %select_n3A_242 = arith.select %eq3A_239, %iota3A, %broadcast_in_dim3A_241 : vector<36x128xi1>, vector<36x128xi32>
    %reduce_min3A_243 = arith.constant dense<2147483647> : vector<128xi32>
    %reduce_min3A_244 = vector.multi_reduction <minsi>, %select_n3A_242, %reduce_min3A_243 [0] : vector<36x128xi32> to vector<128xi32>
    %broadcast_in_dim3A_245 = vector.shape_cast %reduce_min3A_244 : vector<128xi32> to vector<1x128xi32>
    %eq3A_246 = vector.broadcast %broadcast_in_dim3A_245 : vector<1x128xi32> to vector<36x128xi32>
    %eq3A_247 = arith.cmpi eq, %iota3A, %eq3A_246 : vector<36x128xi32>
    %broadcast_in_dim3A_248 = vector.shape_cast %broadcast_in_dim3A_206 : vector<36x1xf32> to vector<36x1xf32>
    %broadcast_in_dim3A_249 = vector.broadcast %broadcast_in_dim3A_248 : vector<36x1xf32> to vector<36x128xf32>
    %jit3A_250 = arith.constant 0.000000e+00 : f32
    %broadcast_in_dim3A_251 = vector.broadcast %jit3A_250 : f32 to vector<36x128xf32>
    %select_n3A_252 = arith.select %eq3A_247, %broadcast_in_dim3A_249, %broadcast_in_dim3A_251 : vector<36x128xi1>, vector<36x128xf32>
    %reduce_sum3A_253 = vector.shape_cast %select_n3A_252 : vector<36x128xf32> to vector<1x36x128xf32>
    %reduce_sum3A_254 = arith.constant dense<0.000000e+00> : vector<1xf32>
    %reduce_sum3A_255 = vector.multi_reduction <add>, %reduce_sum3A_253, %reduce_sum3A_254 [1, 2] : vector<1x36x128xf32> to vector<1xf32>
    %reduce_sum3A_256 = vector.shape_cast %reduce_sum3A_255 : vector<1xf32> to vector<1x1x1xf32>
    %reduce_sum3A_257 = vector.extract %reduce_sum3A_256[0, 0, 0] : f32 from vector<1x1x1xf32>
    %add3A_258 = arith.addf %add3A_231, %reduce_sum3A_257 : f32
    %jit3A_259 = arith.constant -1.000000e+30 : f32
    %broadcast_in_dim3A_260 = vector.broadcast %jit3A_259 : f32 to vector<36x128xf32>
    %select_n3A_261 = arith.select %eq3A_247, %broadcast_in_dim3A_260, %select_n3A_234 : vector<36x128xi1>, vector<36x128xf32>
    %reduce_max3A_262 = arith.constant dense<0xFF800000> : vector<128xf32>
    %reduce_max3A_263 = vector.multi_reduction <maximumf>, %select_n3A_261, %reduce_max3A_262 [0] : vector<36x128xf32> to vector<128xf32>
    %broadcast_in_dim3A_264 = vector.shape_cast %reduce_max3A_263 : vector<128xf32> to vector<1x128xf32>
    %eq3A_265 = vector.broadcast %broadcast_in_dim3A_264 : vector<1x128xf32> to vector<36x128xf32>
    %eq3A_266 = arith.cmpf oeq, %select_n3A_261, %eq3A_265 : vector<36x128xf32>
    %jit3A_267 = arith.constant 36 : i32
    %broadcast_in_dim3A_268 = vector.broadcast %jit3A_267 : i32 to vector<36x128xi32>
    %select_n3A_269 = arith.select %eq3A_266, %iota3A, %broadcast_in_dim3A_268 : vector<36x128xi1>, vector<36x128xi32>
    %reduce_min3A_270 = arith.constant dense<2147483647> : vector<128xi32>
    %reduce_min3A_271 = vector.multi_reduction <minsi>, %select_n3A_269, %reduce_min3A_270 [0] : vector<36x128xi32> to vector<128xi32>
    %broadcast_in_dim3A_272 = vector.shape_cast %reduce_min3A_271 : vector<128xi32> to vector<1x128xi32>
    %eq3A_273 = vector.broadcast %broadcast_in_dim3A_272 : vector<1x128xi32> to vector<36x128xi32>
    %eq3A_274 = arith.cmpi eq, %iota3A, %eq3A_273 : vector<36x128xi32>
    %broadcast_in_dim3A_275 = vector.shape_cast %broadcast_in_dim3A_206 : vector<36x1xf32> to vector<36x1xf32>
    %broadcast_in_dim3A_276 = vector.broadcast %broadcast_in_dim3A_275 : vector<36x1xf32> to vector<36x128xf32>
    %jit3A_277 = arith.constant 0.000000e+00 : f32
    %broadcast_in_dim3A_278 = vector.broadcast %jit3A_277 : f32 to vector<36x128xf32>
    %select_n3A_279 = arith.select %eq3A_274, %broadcast_in_dim3A_276, %broadcast_in_dim3A_278 : vector<36x128xi1>, vector<36x128xf32>
    %reduce_sum3A_280 = vector.shape_cast %select_n3A_279 : vector<36x128xf32> to vector<1x36x128xf32>
    %reduce_sum3A_281 = arith.constant dense<0.000000e+00> : vector<1xf32>
    %reduce_sum3A_282 = vector.multi_reduction <add>, %reduce_sum3A_280, %reduce_sum3A_281 [1, 2] : vector<1x36x128xf32> to vector<1xf32>
    %reduce_sum3A_283 = vector.shape_cast %reduce_sum3A_282 : vector<1xf32> to vector<1x1x1xf32>
    %reduce_sum3A_284 = vector.extract %reduce_sum3A_283[0, 0, 0] : f32 from vector<1x1x1xf32>
    %add3A_285 = arith.addf %add3A_258, %reduce_sum3A_284 : f32
    %jit3A_286 = arith.constant -1.000000e+30 : f32
    %broadcast_in_dim3A_287 = vector.broadcast %jit3A_286 : f32 to vector<36x128xf32>
    %select_n3A_288 = arith.select %eq3A_274, %broadcast_in_dim3A_287, %select_n3A_261 : vector<36x128xi1>, vector<36x128xf32>
    %reduce_max3A_289 = arith.constant dense<0xFF800000> : vector<128xf32>
    %reduce_max3A_290 = vector.multi_reduction <maximumf>, %select_n3A_288, %reduce_max3A_289 [0] : vector<36x128xf32> to vector<128xf32>
    %broadcast_in_dim3A_291 = vector.shape_cast %reduce_max3A_290 : vector<128xf32> to vector<1x128xf32>
    %eq3A_292 = vector.broadcast %broadcast_in_dim3A_291 : vector<1x128xf32> to vector<36x128xf32>
    %eq3A_293 = arith.cmpf oeq, %select_n3A_288, %eq3A_292 : vector<36x128xf32>
    %jit3A_294 = arith.constant 36 : i32
    %broadcast_in_dim3A_295 = vector.broadcast %jit3A_294 : i32 to vector<36x128xi32>
    %select_n3A_296 = arith.select %eq3A_293, %iota3A, %broadcast_in_dim3A_295 : vector<36x128xi1>, vector<36x128xi32>
    %reduce_min3A_297 = arith.constant dense<2147483647> : vector<128xi32>
    %reduce_min3A_298 = vector.multi_reduction <minsi>, %select_n3A_296, %reduce_min3A_297 [0] : vector<36x128xi32> to vector<128xi32>
    %broadcast_in_dim3A_299 = vector.shape_cast %reduce_min3A_298 : vector<128xi32> to vector<1x128xi32>
    %eq3A_300 = vector.broadcast %broadcast_in_dim3A_299 : vector<1x128xi32> to vector<36x128xi32>
    %eq3A_301 = arith.cmpi eq, %iota3A, %eq3A_300 : vector<36x128xi32>
    %broadcast_in_dim3A_302 = vector.shape_cast %broadcast_in_dim3A_206 : vector<36x1xf32> to vector<36x1xf32>
    %broadcast_in_dim3A_303 = vector.broadcast %broadcast_in_dim3A_302 : vector<36x1xf32> to vector<36x128xf32>
    %jit3A_304 = arith.constant 0.000000e+00 : f32
    %broadcast_in_dim3A_305 = vector.broadcast %jit3A_304 : f32 to vector<36x128xf32>
    %select_n3A_306 = arith.select %eq3A_301, %broadcast_in_dim3A_303, %broadcast_in_dim3A_305 : vector<36x128xi1>, vector<36x128xf32>
    %reduce_sum3A_307 = vector.shape_cast %select_n3A_306 : vector<36x128xf32> to vector<1x36x128xf32>
    %reduce_sum3A_308 = arith.constant dense<0.000000e+00> : vector<1xf32>
    %reduce_sum3A_309 = vector.multi_reduction <add>, %reduce_sum3A_307, %reduce_sum3A_308 [1, 2] : vector<1x36x128xf32> to vector<1xf32>
    %reduce_sum3A_310 = vector.shape_cast %reduce_sum3A_309 : vector<1xf32> to vector<1x1x1xf32>
    %reduce_sum3A_311 = vector.extract %reduce_sum3A_310[0, 0, 0] : f32 from vector<1x1x1xf32>
    %add3A_312 = arith.addf %add3A_285, %reduce_sum3A_311 : f32
    %jit3A_313 = arith.constant -1.000000e+30 : f32
    %broadcast_in_dim3A_314 = vector.broadcast %jit3A_313 : f32 to vector<36x128xf32>
    %select_n3A_315 = arith.select %eq3A_301, %broadcast_in_dim3A_314, %select_n3A_288 : vector<36x128xi1>, vector<36x128xf32>
    %reduce_max3A_316 = arith.constant dense<0xFF800000> : vector<128xf32>
    %reduce_max3A_317 = vector.multi_reduction <maximumf>, %select_n3A_315, %reduce_max3A_316 [0] : vector<36x128xf32> to vector<128xf32>
    %broadcast_in_dim3A_318 = vector.shape_cast %reduce_max3A_317 : vector<128xf32> to vector<1x128xf32>
    %eq3A_319 = vector.broadcast %broadcast_in_dim3A_318 : vector<1x128xf32> to vector<36x128xf32>
    %eq3A_320 = arith.cmpf oeq, %select_n3A_315, %eq3A_319 : vector<36x128xf32>
    %jit3A_321 = arith.constant 36 : i32
    %broadcast_in_dim3A_322 = vector.broadcast %jit3A_321 : i32 to vector<36x128xi32>
    %select_n3A_323 = arith.select %eq3A_320, %iota3A, %broadcast_in_dim3A_322 : vector<36x128xi1>, vector<36x128xi32>
    %reduce_min3A_324 = arith.constant dense<2147483647> : vector<128xi32>
    %reduce_min3A_325 = vector.multi_reduction <minsi>, %select_n3A_323, %reduce_min3A_324 [0] : vector<36x128xi32> to vector<128xi32>
    %broadcast_in_dim3A_326 = vector.shape_cast %reduce_min3A_325 : vector<128xi32> to vector<1x128xi32>
    %eq3A_327 = vector.broadcast %broadcast_in_dim3A_326 : vector<1x128xi32> to vector<36x128xi32>
    %eq3A_328 = arith.cmpi eq, %iota3A, %eq3A_327 : vector<36x128xi32>
    %broadcast_in_dim3A_329 = vector.shape_cast %broadcast_in_dim3A_206 : vector<36x1xf32> to vector<36x1xf32>
    %broadcast_in_dim3A_330 = vector.broadcast %broadcast_in_dim3A_329 : vector<36x1xf32> to vector<36x128xf32>
    %jit3A_331 = arith.constant 0.000000e+00 : f32
    %broadcast_in_dim3A_332 = vector.broadcast %jit3A_331 : f32 to vector<36x128xf32>
    %select_n3A_333 = arith.select %eq3A_328, %broadcast_in_dim3A_330, %broadcast_in_dim3A_332 : vector<36x128xi1>, vector<36x128xf32>
    %reduce_sum3A_334 = vector.shape_cast %select_n3A_333 : vector<36x128xf32> to vector<1x36x128xf32>
    %reduce_sum3A_335 = arith.constant dense<0.000000e+00> : vector<1xf32>
    %reduce_sum3A_336 = vector.multi_reduction <add>, %reduce_sum3A_334, %reduce_sum3A_335 [1, 2] : vector<1x36x128xf32> to vector<1xf32>
    %reduce_sum3A_337 = vector.shape_cast %reduce_sum3A_336 : vector<1xf32> to vector<1x1x1xf32>
    %reduce_sum3A_338 = vector.extract %reduce_sum3A_337[0, 0, 0] : f32 from vector<1x1x1xf32>
    %add3A_339 = arith.addf %add3A_312, %reduce_sum3A_338 : f32
    %div3A_340 = arith.constant 8.192000e+04 : f32
    %div3A_341 = arith.divf %add3A_339, %div3A_340 : f32
    %sub3A_342 = arith.constant 1.000000e+00 : f32
    %sub3A_343 = arith.subf %sub3A_342, %div3A_341 : f32
    %concatenate3A_344 = tpu.concatenate %broadcast_in_dim3A_217, %broadcast_in_dim3A_217, %broadcast_in_dim3A_217, %broadcast_in_dim3A_217, %broadcast_in_dim3A_217, %broadcast_in_dim3A_217, %broadcast_in_dim3A_217, %broadcast_in_dim3A_217, %broadcast_in_dim3A_217, %broadcast_in_dim3A_217, %broadcast_in_dim3A_245, %broadcast_in_dim3A_245, %broadcast_in_dim3A_245, %broadcast_in_dim3A_245, %broadcast_in_dim3A_245, %broadcast_in_dim3A_245, %broadcast_in_dim3A_245, %broadcast_in_dim3A_245, %broadcast_in_dim3A_245, %broadcast_in_dim3A_245, %broadcast_in_dim3A_272, %broadcast_in_dim3A_272, %broadcast_in_dim3A_272, %broadcast_in_dim3A_272, %broadcast_in_dim3A_272, %broadcast_in_dim3A_272, %broadcast_in_dim3A_272, %broadcast_in_dim3A_272, %broadcast_in_dim3A_272, %broadcast_in_dim3A_272, %broadcast_in_dim3A_299, %broadcast_in_dim3A_299, %broadcast_in_dim3A_299, %broadcast_in_dim3A_299, %broadcast_in_dim3A_299, %broadcast_in_dim3A_299, %broadcast_in_dim3A_299, %broadcast_in_dim3A_299, %broadcast_in_dim3A_299, %broadcast_in_dim3A_299, %broadcast_in_dim3A_326, %broadcast_in_dim3A_326, %broadcast_in_dim3A_326, %broadcast_in_dim3A_326, %broadcast_in_dim3A_326, %broadcast_in_dim3A_326, %broadcast_in_dim3A_326, %broadcast_in_dim3A_326, %broadcast_in_dim3A_326, %broadcast_in_dim3A_326 in 0 : vector<1x128xi32>, vector<1x128xi32>, vector<1x128xi32>, vector<1x128xi32>, vector<1x128xi32>, vector<1x128xi32>, vector<1x128xi32>, vector<1x128xi32>, vector<1x128xi32>, vector<1x128xi32>, vector<1x128xi32>, vector<1x128xi32>, vector<1x128xi32>, vector<1x128xi32>, vector<1x128xi32>, vector<1x128xi32>, vector<1x128xi32>, vector<1x128xi32>, vector<1x128xi32>, vector<1x128xi32>, vector<1x128xi32>, vector<1x128xi32>, vector<1x128xi32>, vector<1x128xi32>, vector<1x128xi32>, vector<1x128xi32>, vector<1x128xi32>, vector<1x128xi32>, vector<1x128xi32>, vector<1x128xi32>, vector<1x128xi32>, vector<1x128xi32>, vector<1x128xi32>, vector<1x128xi32>, vector<1x128xi32>, vector<1x128xi32>, vector<1x128xi32>, vector<1x128xi32>, vector<1x128xi32>, vector<1x128xi32>, vector<1x128xi32>, vector<1x128xi32>, vector<1x128xi32>, vector<1x128xi32>, vector<1x128xi32>, vector<1x128xi32>, vector<1x128xi32>, vector<1x128xi32>, vector<1x128xi32>, vector<1x128xi32> -> vector<50x128xi32>
    %broadcast_in_dim3A_345 = arith.constant 0 : i32
    %broadcast_in_dim3A_346 = vector.broadcast %broadcast_in_dim3A_345 : i32 to vector<14x128xi32>
    %add3A_347 = arith.addi %mul3A_23, %concatenate3A_344 : vector<50x128xi32>
    %concatenate3A_348 = tpu.concatenate %add3A_347, %broadcast_in_dim3A_346 in 0 : vector<50x128xi32>, vector<14x128xi32> -> vector<64x128xi32>
    %swap3A_349 = arith.constant 0 : index
    %swap3A_350 = arith.constant 0 : index
    %swap3A_351 = vector.load %arg7[%swap3A_349, %swap3A_350] : memref<64x128xi32, #tpu.memory_space<vmem>>, vector<64x128xi32>
    tpu.vector_store %arg7[%swap3A_349, %swap3A_350], %concatenate3A_348 {strides = array<i32>} : memref<64x128xi32, #tpu.memory_space<vmem>>, vector<64x128xi32>,
    %add3A_352 = arith.addi %mul3A_23, %concatenate3A_344 : vector<50x128xi32>
    %add3A_353 = arith.constant 360 : i32
    %add3A_354 = vector.broadcast %add3A_353 : i32 to vector<50x128xi32>
    %add3A_355 = arith.addi %add3A_352, %add3A_354 : vector<50x128xi32>
    %concatenate3A_356 = tpu.concatenate %add3A_355, %broadcast_in_dim3A_346 in 0 : vector<50x128xi32>, vector<14x128xi32> -> vector<64x128xi32>
    %swap3A_357 = arith.constant 0 : index
    %swap3A_358 = arith.constant 0 : index
    %swap3A_359 = vector.load %arg8[%swap3A_357, %swap3A_358] : memref<64x128xi32, #tpu.memory_space<vmem>>, vector<64x128xi32>
    tpu.vector_store %arg8[%swap3A_357, %swap3A_358], %concatenate3A_356 {strides = array<i32>} : memref<64x128xi32, #tpu.memory_space<vmem>>, vector<64x128xi32>,
    %add3A_360 = arith.addf %sub3A_174, %sub3A_343 : f32
    %div3A_361 = arith.constant 3.000000e+00 : f32
    %div3A_362 = arith.divf %add3A_360, %div3A_361 : f32
    %broadcast_in_dim3A_363 = vector.broadcast %div3A_362 : f32 to vector<1x1xf32>
    %swap3A_364 = arith.constant 0 : index
    %swap3A_365 = arith.constant 0 : index
    %swap3A_366 = vector.load %arg9[%swap3A_364, %swap3A_365] : memref<1x1xf32, #tpu.memory_space<vmem>>, vector<1x1xf32>
    tpu.vector_store %arg9[%swap3A_364, %swap3A_365], %broadcast_in_dim3A_363 {strides = array<i32>} : memref<1x1xf32, #tpu.memory_space<vmem>>, vector<1x1xf32>,
    %get3A_367 = arith.constant 0 : index
    %get3A_368 = arith.constant 0 : index
    %get3A_369 = vector.load %arg3[%get3A_367, %get3A_368] : memref<6x768xf32, #tpu.memory_space<vmem>>, vector<3x768xf32>
    %broadcast_in_dim3A_370 = vector.shape_cast %get3A_369 : vector<3x768xf32> to vector<3x1x768xf32>
    %broadcast_in_dim3A_371 = vector.shape_cast %broadcast_in_dim3A_370 : vector<3x1x768xf32> to vector<3x1x768xf32>
    %broadcast_in_dim3A_372 = vector.broadcast %broadcast_in_dim3A_371 : vector<3x1x768xf32> to vector<3x128x768xf32>
    %swap3A_373 = arith.constant 0 : index
    %swap3A_374 = arith.constant 0 : index
    %swap3A_375 = arith.constant 0 : index
    %swap3A_376 = vector.load %arg10[%swap3A_373, %swap3A_374, %swap3A_375] : memref<3x128x768xf32, #tpu.memory_space<vmem>>, vector<3x128x768xf32>
    tpu.vector_store %arg10[%swap3A_373, %swap3A_374, %swap3A_375], %broadcast_in_dim3A_372 {strides = array<i32>} : memref<3x128x768xf32, #tpu.memory_space<vmem>>, vector<3x128x768xf32>,
    %get3A_377 = arith.constant 3 : index
    %get3A_378 = arith.constant 0 : index
    %get3A_379 = vector.load %arg3[%get3A_377, %get3A_378] : memref<6x768xf32, #tpu.memory_space<vmem>>, vector<3x768xf32>
    %broadcast_in_dim3A_380 = vector.shape_cast %get3A_379 : vector<3x768xf32> to vector<3x1x768xf32>
    %broadcast_in_dim3A_381 = vector.shape_cast %broadcast_in_dim3A_380 : vector<3x1x768xf32> to vector<3x1x768xf32>
    %broadcast_in_dim3A_382 = vector.broadcast %broadcast_in_dim3A_381 : vector<3x1x768xf32> to vector<3x128x768xf32>
    %swap3A_383 = arith.constant 0 : index
    %swap3A_384 = arith.constant 0 : index
    %swap3A_385 = arith.constant 0 : index
    %swap3A_386 = vector.load %arg11[%swap3A_383, %swap3A_384, %swap3A_385] : memref<3x128x768xf32, #tpu.memory_space<vmem>>, vector<3x128x768xf32>
    tpu.vector_store %arg11[%swap3A_383, %swap3A_384, %swap3A_385], %broadcast_in_dim3A_382 {strides = array<i32>} : memref<3x128x768xf32, #tpu.memory_space<vmem>>, vector<3x128x768xf32>,
    %get3A_387 = arith.constant 0 : index
    %get3A_388 = arith.constant 0 : index
    %get3A_389 = vector.load %arg4[%get3A_387, %get3A_388] : memref<6x768xf32, #tpu.memory_space<vmem>>, vector<3x768xf32>
    %broadcast_in_dim3A_390 = vector.shape_cast %get3A_389 : vector<3x768xf32> to vector<3x1x768xf32>
    %broadcast_in_dim3A_391 = vector.shape_cast %broadcast_in_dim3A_390 : vector<3x1x768xf32> to vector<3x1x768xf32>
    %broadcast_in_dim3A_392 = vector.broadcast %broadcast_in_dim3A_391 : vector<3x1x768xf32> to vector<3x128x768xf32>
    %swap3A_393 = arith.constant 0 : index
    %swap3A_394 = arith.constant 0 : index
    %swap3A_395 = arith.constant 0 : index
    %swap3A_396 = vector.load %arg12[%swap3A_393, %swap3A_394, %swap3A_395] : memref<3x128x768xf32, #tpu.memory_space<vmem>>, vector<3x128x768xf32>
    tpu.vector_store %arg12[%swap3A_393, %swap3A_394, %swap3A_395], %broadcast_in_dim3A_392 {strides = array<i32>} : memref<3x128x768xf32, #tpu.memory_space<vmem>>, vector<3x128x768xf32>,
    %get3A_397 = arith.constant 3 : index
    %get3A_398 = arith.constant 0 : index
    %get3A_399 = vector.load %arg4[%get3A_397, %get3A_398] : memref<6x768xf32, #tpu.memory_space<vmem>>, vector<3x768xf32>
    %broadcast_in_dim3A_400 = vector.shape_cast %get3A_399 : vector<3x768xf32> to vector<3x1x768xf32>
    %broadcast_in_dim3A_401 = vector.shape_cast %broadcast_in_dim3A_400 : vector<3x1x768xf32> to vector<3x1x768xf32>
    %broadcast_in_dim3A_402 = vector.broadcast %broadcast_in_dim3A_401 : vector<3x1x768xf32> to vector<3x128x768xf32>
    %swap3A_403 = arith.constant 0 : index
    %swap3A_404 = arith.constant 0 : index
    %swap3A_405 = arith.constant 0 : index
    %swap3A_406 = vector.load %arg13[%swap3A_403, %swap3A_404, %swap3A_405] : memref<3x128x768xf32, #tpu.memory_space<vmem>>, vector<3x128x768xf32>
    tpu.vector_store %arg13[%swap3A_403, %swap3A_404, %swap3A_405], %broadcast_in_dim3A_402 {strides = array<i32>} : memref<3x128x768xf32, #tpu.memory_space<vmem>>, vector<3x128x768xf32>,
    return
  }
}

</mosaic_0001>

<sc_bundles>
// kernel: kernel.4.cloned.1.call-start
scs
__scs_entry_jumppad:
0x0: {  	(pc) =	sbr.rel $0x88, $3  }
0x1: {  	(tag) =	ssettag $0x0;
	lr =	simm.s32 $0x1  }
0x2: {  	[smem:$0x3F9A] =	sst lr;
	_ =	strace $0xD0000000  }
0x3: {  	_ = 	snop  }
0x4: {  	_ = 	snop  }
0x5: {  	_ = 	snop  }
0x6: {  	_ = 	snop  }
0x7: {  	_ = 	snop  }
__scs_overlays_trampoline_lowered:
0x8: {  	[smem:$0x3FA9] =	sst s0  }
0x9: {  	[smem:$0x3FAA] =	sst s1  }
0xa: {  	[smem:$0x3FAB] =	sst s2  }
0xb: {  	[smem:$0x3FAC] =	sst s3  }
0xc: {  	[smem:$0x3FAD] =	sst s4  }
0xd: {  	[smem:$0x3FAE] =	sst s5  }
0xe: {  	[smem:$0x3FAF] =	sst s6  }
0xf: {  	[smem:$0x3FB0] =	sst s7  }
0x10: {  	[smem:$0x3FB1] =	sst s8  }
0x11: {  	[smem:$0x3FB2] =	sst s9;
	s0 =	simm.s32 @!p0 $0x0  }
0x12: {  	s1 =	sld [smem:$0x3F98];
	s0 =	simm.s32 @p0 $0x1  }
0x13: {  	[smem:$0x3FB3] =	sst s0;
	s0 =	simm.s32 @!p1 $0x0  }
0x14: {  	s2 =	sld [smem:$0x3F97];
	s0 =	simm.s32 @p1 $0x1  }
0x15: {  	[smem:$0x3FB4] =	sst s0;
	s0 =	simm.s32 @!p2 $0x0  }
0x16: {  	s3 =	sld [smem:$0x3FDB];
	s0 =	simm.s32 @p2 $0x1  }
0x17: {  	s4 =	simm.s32 $0x1BF5;
	[smem:$0x3FB6] =	sst s0  }
0x18: {  	s0 =	sld [smem:$0x3F99];
	_ =	swait.ge [sflag:s4], $0x0  }
0x19: {  	s7 =	sld [smem:$0x3F9A]  }
0x1a: {  	s8 =	sadd.s32 $0xFFFFE003, lr  }
0x1b: {  	s9 =	sadd.s32 $0xFFFFFEF7, lr;
	s5 =	simm.s32 $0xFFFFFFFF;
	p2 =	slt.u32 s8, $0xFFFFF086  }
0x1c: {  	p1 =	slt.u32 s9, $0xF7A;
	s5 =	simm.s32 @!p2 $0x0  }
0x1d: {  	s5 =	simm.s32 @p1 $0x1;
	p0 =	seq.s32 s7, s2  }
0x1e: {  	s7 =	smul.u32 @!p0 $0xF7A, s2;
	p2 =	seq.s32 @!p0 s5, $0x0  }
0x1f: {  	s9 =	smul.u32 $0xF7A, s1;
	s8 =	simm.s32 @!p0 $0x1BF5;
	p2 =	por !p2, p0  }
0x20: {  	[sflag:s8] =	ssyncset.s32 @!p0 $0xFFFFF086;
	s6 =	sadd.s32 @!p0 s3, s7;
	s7 =	simm.s32 @!p0 $0x108  }
0x21: {  	s3 =	sadd.s32 s3, s9;
	s6 =	sadd.s32 @!p0 $0x88, s6;
	s7 =	simm.s32 @p2 $0x1082  }
0x22: {  	[simem:s7], [sflag:s8] =	dma.local @!p0 [hbm:s6], $0xF7A  }
0x23: {  	s9 =	sor.u32 $0xD0000000, s2;
	s6 =	simm.s32 $0x108;
	_ =	swait.ge @!p0 [sflag:s8], $0x0  }
0x24: {  	s3 =	sadd.s32 $0x88, s3;
	s6 =	simm.s32 @!p1 $0x1082;
	[sflag:s4] =	ssyncset.s32 $0xFFFFF086  }
0x25: {  	[simem:s6], [sflag:s4] =	dma.local [hbm:s3], $0xF7A  }
0x26: {  	[smem:$0x3F9A] =	sst s1;
	(tag) =	ssettag s2;
	_ =	strace s9  }
0x27: {  	s1 =	sld [smem:$0x3FAA]  }
0x28: {  	s2 =	sld [smem:$0x3FAB]  }
0x29: {  	s4 =	sld [smem:$0x3FAD]  }
0x2a: {  	p0 =	seq.s32 s5, $0x0;
	s5 =	sld [smem:$0x3FAE]  }
0x2b: {  	s6 =	sld [smem:$0x3FAF]  }
0x2c: {  	s7 =	sld [smem:$0x3FB0]  }
0x2d: {  	s3 =	simm.s32 $0x108;
	s8 =	sld [smem:$0x3FB1]  }
0x2e: {  	s3 =	simm.s32 @!p0 $0x1082;
	s9 =	sld [smem:$0x3FB2]  }
0x2f: {  	lr =	sadd.s32 s0, s3;
	s0 =	sld [smem:$0x3FA9]  }
0x30: {  	s3 =	sld [smem:$0x3FAC]  }
0x31: {  	[smem:$0x3FB5] =	sst s10  }
0x32: {  	s10 =	sld [smem:$0x3FB3];
	_ =	sdelay $0x3  }
0x33: {  	p0 =	seq.s32 s10, $0x1;
	s10 =	sld [smem:$0x3FB5];
	_ =	sdelay $0x3  }
0x34: {  	[smem:$0x3FB5] =	sst s10  }
0x35: {  	s10 =	sld [smem:$0x3FB4];
	_ =	sdelay $0x3  }
0x36: {  	p1 =	seq.s32 s10, $0x1;
	s10 =	sld [smem:$0x3FB5];
	_ =	sdelay $0x3  }
0x37: {  	[smem:$0x3FB5] =	sst s10  }
0x38: {  	s10 =	sld [smem:$0x3FB6]  }
0x39: {  	_ = 	snop;
	(pc) =	sbr.ind lr, $3  }
0x3a: {  	_ = 	snop  }
0x3b: {  	_ = 	snop  }
0x3c: {  	p2 =	seq.s32 s10, $0x1;
	s10 =	sld [smem:$0x3FB5]  }
0x3d: {  	_ =	shalt  }
0x3e: {  	_ =	shalt  }
0x3f: {  	_ =	shalt  }
0x40: {  	_ =	shalt  }
0x41: {  	_ =	shalt  }
0x42: {  	_ =	shalt  }
0x43: {  	_ =	shalt  }
0x44: {  	_ =	shalt  }
0x45: {  	_ =	shalt  }
0x46: {  	_ =	shalt  }
0x47: {  	_ =	shalt  }
0x48: {  	_ =	shalt  }
0x49: {  	_ =	shalt  }
0x4a: {  	_ =	shalt  }
0x4b: {  	_ =	shalt  }
0x4c: {  	_ =	shalt  }
0x4d: {  	_ =	shalt  }
0x4e: {  	_ =	shalt  }
0x4f: {  	_ =	shalt  }
0x50: {  	_ =	shalt  }
0x51: {  	_ =	shalt  }
0x52: {  	_ =	shalt  }
0x53: {  	_ =	shalt  }
0x54: {  	_ =	shalt  }
0x55: {  	_ =	shalt  }
0x56: {  	_ =	shalt  }
0x57: {  	_ =	shalt  }
0x58: {  	_ =	shalt  }
0x59: {  	_ =	shalt  }
0x5a: {  	_ =	shalt  }
0x5b: {  	_ =	shalt  }
0x5c: {  	_ =	shalt  }
0x5d: {  	_ =	shalt  }
0x5e: {  	_ =	shalt  }
0x5f: {  	_ =	shalt  }
0x60: {  	_ =	shalt  }
0x61: {  	_ =	shalt  }
0x62: {  	_ =	shalt  }
0x63: {  	_ =	shalt  }
0x64: {  	_ =	shalt  }
0x65: {  	_ =	shalt  }
0x66: {  	_ =	shalt  }
0x67: {  	_ =	shalt  }
0x68: {  	_ =	shalt  }
0x69: {  	_ =	shalt  }
0x6a: {  	_ =	shalt  }
0x6b: {  	_ =	shalt  }
0x6c: {  	_ =	shalt  }
0x6d: {  	_ =	shalt  }
0x6e: {  	_ =	shalt  }
0x6f: {  	_ =	shalt  }
0x70: {  	_ =	shalt  }
0x71: {  	_ =	shalt  }
0x72: {  	_ =	shalt  }
0x73: {  	_ =	shalt  }
0x74: {  	_ =	shalt  }
0x75: {  	_ =	shalt  }
0x76: {  	_ =	shalt  }
0x77: {  	_ =	shalt  }
0x78: {  	_ =	shalt  }
0x79: {  	_ =	shalt  }
0x7a: {  	_ =	shalt  }
0x7b: {  	_ =	shalt  }
0x7c: {  	_ =	shalt  }
0x7d: {  	_ =	shalt  }
0x7e: {  	_ =	shalt  }
0x7f: {  	_ =	shalt  }
0x80: {  	_ =	shalt  }
0x81: {  	_ =	shalt  }
0x82: {  	_ =	shalt  }
0x83: {  	_ =	shalt  }
0x84: {  	_ =	shalt  }
0x85: {  	_ =	shalt  }
0x86: {  	_ =	shalt  }
0x87: {  	_ =	shalt  }
.Lfunc_end0:
.L_simem_size_0:
called_computation_lowered:
.L_overlay_start_0:
0x88: {  	s2 =	sld [smem:$0x3FD9]  }
0x89: {  	s3 =	sld [smem:$0x3FFE];
	_ =	sdelay $0x1  }
0x8a: {  	s1 =	srdreg.scid  }
0x8b: {  	s0 =	sand.u32 $0x1, s1  }
0x8c: {  	s14 =	sshll.u32 s0, $0xA;
	s2 =	sadd.s32 s3, s2  }
0x8d: {  	s2 =	sadd.s32 s2, s14  }
0x8e: {  	[smem:$0x3FC1] =	sst s2  }
0x8f: {  	_ = 	snop  }
0x90: {  	s2 =	sld [smem:$0x3FD0];
	_ =	sdelay $0x2  }
0x91: {  	s15 =	simm.s32 $0xA;
	s4 =	simm.s32 $0x10  }
0x92: {  	[smem:s4], [sflag:s15] =	dma.local [hbm:s2], $0x1  }
0x93: {  	_ =	swait.eq [sflag:s15], $0x1  }
0x94: {  	s16 =	sld [smem:$0x14]  }
0x95: {  	s17 =	sld [smem:$0x15];
	[sflag:s15] =	ssyncset.done $0x0  }
0x96: {  	s5 =	sld [smem:$0x16];
	[sflag:s15] =	ssyncadd.s32 $0xFFFFFFFF  }
0x97: {  	s18 =	sld [smem:$0x17];
	(tm) =	ssettm $0x1  }
0x98: {  	s6 =	sld [smem:$0x3FFB];
	_ =	sdelay $0x3  }
0x99: {  	_ =	strace s6  }
0x9a: {  	s6 =	sld [smem:$0x3FFC];
	_ =	sdelay $0x3  }
0x9b: {  	_ =	strace s6  }
0x9c: {  	s6 =	sld [smem:$0x3FFD];
	_ =	sdelay $0x3  }
0x9d: {  	_ =	strace s6  }
0x9e: {  	_ =	strace $0x8FFFFFFF  }
0x9f: {  	s19 =	sld [smem:$0x3FDB];
	_ =	sdelay $0x1  }
0xa0: {  	s7 =	simm.s32 $_scs_section_size  }
0xa1: {  	s8 =	simm.s32 $_size__tile_overlayer_lowered;
	s9 =	simm.s32 $_tile_overlayer_lowered  }
0xa2: {  	s22 =	simm.s32 $0x1BFF;
	s21 =	sshll.u32 s9, $0x1;
	s6 =	sadd.s32 s7, s19  }
0xa3: {  	s10 =	simm.s32 $0x0;
	s20 =	sshll.u32 s8, $0x1;
	s8 =	sadd.s32 s21, s6  }
0xa4: {  	[timem:s10], [sflag:s22] =	dma.local [hbm:s8], s20  }
0xa5: {  	_ =	swait.ge [sflag:s22], s20  }
0xa6: {  	s7 =	ssub.s32 $0x0, s20;
	[sflag:s22] =	ssyncset.done $0x0  }
0xa7: {  	[sflag:s22] =	ssyncadd.s32 s7;
	_ =	sdelay $0x1  }
0xa8: {  	s23 =	simm.s32 $0x1B8B  }
0xa9: {  	_ =	swait.ge [sflag:s23], $0x1  }
0xaa: {  	[sflag:s23] =	ssyncset.done $0x0  }
0xab: {  	s25 =	simm.s32 $0x1B8E;
	s24 =	sld [smem:$0x3FFE];
	[sflag:s23] =	ssyncadd.s32 $0xFFFFFFFF  }
0xac: {  	s26 =	simm.s32 $execute0_lowered;
	[smem:$0x3FD2] =	sst s25  }
0xad: {  	s8 =	sshll.u32 s26, $0x1;
	_ =	strace $0x80000046;
	[dreg:$0x1] =	wrdreg $0xFFFFFFFF  }
0xae: {  	s28 =	simm.s32 $_size_execute0_lowered;
	s6 =	sadd.s32 s6, s8;
	[dreg:$0x0] =	wrdreg $0x0  }
0xaf: {  	s8 =	sshll.u32 s28, $0x1;
	[dreg:$0x2] =	wrdreg s6  }
0xb0: {  	[dreg:$0x3] =	wrdreg s8  }
0xb1: {  	[dreg:$0x4] =	wrdreg $0xC0  }
0xb2: {  	_ =	task [dreg:s10], $0x5FFFF  }
0xb3: {  	[dreg:$0x1] =	wrdreg $0xFFFFFFFF  }
0xb4: {  	[dreg:$0x0] =	wrdreg $0x60  }
0xb5: {  	[dreg:$0x2] =	wrdreg s24  }
0xb6: {  	[dreg:$0x3] =	wrdreg s16  }
0xb7: {  	[dreg:$0x4] =	wrdreg s17  }
0xb8: {  	[dreg:$0x5] =	wrdreg s5  }
0xb9: {  	[dreg:$0x6] =	wrdreg s18  }
0xba: {  	[dreg:$0x7] =	wrdreg $0x9  }
0xbb: {  	_ =	task.clear_ibuf [dreg:s10], $0x8FFFF;
	_ =	strace $0x90000046  }
0xbc: {  	s29 =	simm.s32 $0x9;
	_ =	strace $0x80000048  }
0xbd: {  	_ =	swait.ge [sflag:s29], $0x1  }
0xbe: {  	[sflag:s29] =	ssyncadd.s32 $0xFFFFFFFF  }
0xbf: {  	_ =	strace $0x90000048  }
0xc0: {  	_ =	sfence  }
0xc1: {  	s30 =	sld [smem:$0x0];
	_ =	sdelay $0x2  }
0xc2: {  	s31 =	sshll.u32 s1, $0xD;
	s1 =	sshrl.u32 s1, $0x2  }
0xc3: {  	s3 =	sand.u32 $0x4000, s31;
	s1 =	sadd.s32 s1, s30  }
0xc4: {  	s0 =	sor.u32 s3, s0;
	s1 =	sshll.u32 s1, $0x11  }
0xc5: {  	s0 =	sor.u32 s1, s0  }
0xc6: {  	s0 =	sadd.s32 $0x8F2B, s0  }
0xc7: {  	[sflag:s0] =	ssyncadd.remote.s32 $0x1  }
0xc8: {  	_ =	sfence.sel $0xFFFF  }
0xc9: {  	[dreg:$0x0] =	wrdreg $0xFFFFFFFF;
	(pc) =	sbr.abs _section_cstart, $3  }
0xca: {  	[dreg:$0x1] =	wrdreg $0xFFFFFFFF  }
0xcb: {  	_ =	task.clear_ibuf [dreg:s10], $0x2FFFF;
	_ =	strace $0x9FFFFFFF  }
0xcc: {  	(tm) =	ssettm $0x7FFFFFFF  }
0xcd: {  	_ =	shalt  }
tec
execute0_lowered:
.L_overlay_start_1:
0x0: {  	(tag) =	ssettag $0x1  }
0x1: {  	s0 =	rddreg [dreg:$0x0]  }
0x2: {  	s1 =	rddreg [dreg:$0x1]  }
0x3: {  	s4 =	rddreg [dreg:$0x2]  }
0x4: {  	s5 =	rddreg [dreg:$0x3]  }
0x5: {  	s6 =	rddreg [dreg:$0x4]  }
0x6: {  	s15 =	stileid.u32;
	s3 =	srdreg.scid  }
0x7: {  	s7 =	sshll.u32 s15, $0x1;
	s8 =	sand.u32 $0x1, s3;
	s3 =	sadd.s32 $0x1E00, s0  }
0x8: {  	s9 =	sadd.s32 $0x12C00, s0;
	s11 =	sadd.s32 $0x23A00, s0;
	s15 =	sshrl.u32 s15, $0x2  }
0x9: {  	s12 =	sadd.s32 $0x23E00, s0;
	s26 =	sand.u32 $0x6, s7;
	p0 =	sgt.s32 s15, $0x1  }
0xa: {  	s13 =	sadd.s32 $0x24200, s0;
	s7 =	sor.u32 s8, s26;
	p1 =	seq.s32 @p0 s15, $0x2  }
0xb: {  	s0 =	sadd.s32 $0x24600, s0;
	s10 =	smul.u32 $0x320, s7;
	p1 =	por !p1, !p0  }
0xc: {  	s13 =	smov.u32 @p1 s0;
	s5 =	smov.u32 @p1 s6;
	p1 =	seq.s32 @!p0 s15, $0x0  }
0xd: {  	s8 =	ssub.s32 $0x2, s8;
	s10 =	sshrl.u32 s10, $0x3;
	p1 =	por !p1, p0  }
0xe: {  	s14 =	sshrl.u32 s8, $0x1;
	s16 =	smul.u32 $0x300, s10;
	s1 =	smov.u32 @p1 s4  }
0xf: {  	s2 =	simm.s32 $0x0;
	s8 =	ssub.s32 s8, s14;
	s1 =	smov.u32 @p0 s5  }
0x10: {  	s14 =	sadd.s32 $0x1E00, s16;
	s17 =	sadd.s32 $0x3C00, s16;
	s18 =	sadd.s32 $0x5A00, s16  }
0x11: {  	s19 =	sadd.s32 $0x7800, s16;
	s28 =	sadd.s32 $0x9600, s16;
	s29 =	sadd.s32 $0xB400, s16  }
0x12: {  	s30 =	sadd.s32 $0xD200, s16;
	s20 =	sadd.s32 $0xF000, s16;
	s16 =	sadd.s32 $0x10E00, s16  }
0x13: {  	[smem:$0x7FF] =	sst s2;
	s5 =	sadd.s32 s1, s16  }
0x14: {  	_ =	strace $0x80000047;
	s21 =	sadd.s32 s1, s20;
	[dreg:$0x6] =	wrdreg s5  }
0x15: {  	s22 =	sadd.s32 s1, s30;
	[dreg:$0x7] =	wrdreg s21  }
0x16: {  	s31 =	simm.s32 $0x1;
	s23 =	sadd.s32 s1, s29;
	[dreg:$0x8] =	wrdreg s22  }
0x17: {  	s3 =	smov.u32 @p0 s9;
	s0 =	sadd.s32 s1, s28;
	[dreg:$0x9] =	wrdreg s23  }
0x18: {  	s7 =	smul.u32 $0x12C00, s7;
	s24 =	sadd.s32 s1, s19;
	[dreg:$0xa] =	wrdreg s0  }
0x19: {  	s15 =	sadd.s32 $0x200, s3;
	s25 =	sadd.s32 s1, s18;
	[dreg:$0xb] =	wrdreg s24  }
0x1a: {  	s11 =	smov.u32 @p1 s12;
	s26 =	sadd.s32 s1, s17;
	[dreg:$0xc] =	wrdreg s25  }
0x1b: {  	s4 =	smax.u32 s8, $0x1;
	s28 =	sadd.s32 s1, s14;
	[dreg:$0xd] =	wrdreg s26  }
0x1c: {  	s11 =	smov.u32 @p0 s13;
	s29 =	sadd.s32 s1, s7;
	[dreg:$0xe] =	wrdreg s28  }
0x1d: {  	v2 =	vlaneseq.u32;
	s16 =	sadd.s32 $0x100, s3;
	s30 =	sadd.s32 s11, s10;
	[dreg:$0xf] =	wrdreg s29  }
0x1e: {  	vm0 =	vmmov $0xffff;
	v1 =	vshrl.u32 v2, $0x3;
	s1 =	simm.s32 $0x2;
	s7 =	simm.s32 $0x380;
	[dreg:$0x10] =	wrdreg s30  }
0x1f: {  	v0 =	vand.u32 $0x7, v2;
	v2 =	vor.u32 $0x8, v2;
	v1 =	vmul.u32 $0x8, v1;
	s24 =	simm.s32 $0xF380;
	s0 =	simm.s32 $0x3;
	s5 =	simm.s32 $0x4  }
.LBB2_1:
0x20: {  	s6 =	rddreg [dreg:$0x10];
	s28 =	simm.s32 $0x5  }
0x21: {  	[tilespmem:s2], [sflag:$0x5] =	stream.linear.gather [hbm4b:s6+s2], $0x320, $0x38;
	[tilespmem:$0x1E380] =	vst v63  }
0x22: {  	_ =	swait.ge [sflag:s28], $0x320  }
0x23: {  	[sflag:s28] =	ssyncset.done $0x0  }
0x24: {  	[sflag:s28] =	ssyncadd.s32 $0xFFFFFCE0  }
0x25: {  	v3 =	vld [tilespmem:$0x0];
	_ =	sdelay $0x4  }
0x26: {  	v4 =	vshrl.u32 v3, $0x3  }
0x27: {  	v4 =	vmul.u32 $0x30, v4  }
0x28: {  	v3 =	vand.u32 $0x7, v3  }
0x29: {  	v3 =	vor.u32 v3, v4  }
0x2a: {  	v4 =	vperm.xlane v3, v0;
	_ =	sdelay $0x1  }
0x2b: {  	v4 =	vadd.s32 v1, v4;
	_ =	sdelay $0x3  }
0x2c: {  	v3 =	vperm.xlane v3, v2  }
0x2d: {  	[tilespmem:s7], [sflag:$0x1] =	stream.indirect_vreg.gather [hbm4b:s3+s2], $0x80, v4, vm0, $0xb8;
	[tilespmem:$0x1E380] =	vst v63  }
0x2e: {  	s29 =	simm.s32 $0xB80;
	v3 =	vadd.s32 v1, v3  }
0x2f: {  	[tilespmem:s29], [sflag:$0x1] =	stream.indirect_vreg.gather [hbm4b:s16+s2], $0x80, v4, vm0, $0xb8;
	[tilespmem:$0x1E380] =	vst v63  }
0x30: {  	s30 =	simm.s32 $0x1380  }
0x31: {  	[tilespmem:s30], [sflag:$0x1] =	stream.indirect_vreg.gather [hbm4b:s15+s2], $0x80, v4, vm0, $0xb8;
	[tilespmem:$0x1E380] =	vst v63  }
0x32: {  	s8 =	simm.s32 $0x1B80  }
0x33: {  	[tilespmem:s8], [sflag:$0x1] =	stream.indirect_vreg.gather [hbm4b:s3+s2], $0x80, v3, vm0, $0xb8;
	[tilespmem:$0x1E380] =	vst v63  }
0x34: {  	s9 =	simm.s32 $0x2380  }
0x35: {  	[tilespmem:s9], [sflag:$0x1] =	stream.indirect_vreg.gather [hbm4b:s16+s2], $0x80, v3, vm0, $0xb8;
	[tilespmem:$0x1E380] =	vst v63  }
0x36: {  	s10 =	simm.s32 $0x2B80  }
0x37: {  	[tilespmem:s10], [sflag:$0x1] =	stream.indirect_vreg.gather [hbm4b:s15+s2], $0x80, v3, vm0, $0xb8;
	[tilespmem:$0x1E380] =	vst v63  }
0x38: {  	v3 =	vld [tilespmem:$0x10];
	_ =	sdelay $0x4  }
0x39: {  	v15 =	vshrl.u32 v3, $0x3  }
0x3a: {  	v4 =	vmul.u32 $0x30, v15  }
0x3b: {  	v3 =	vand.u32 $0x7, v3  }
0x3c: {  	v3 =	vor.u32 v3, v4  }
0x3d: {  	v4 =	vperm.xlane v3, v0;
	_ =	sdelay $0x1  }
0x3e: {  	v4 =	vadd.s32 v1, v4;
	_ =	sdelay $0x3  }
0x3f: {  	s11 =	simm.s32 $0x3380;
	v3 =	vperm.xlane v3, v2  }
0x40: {  	[tilespmem:s11], [sflag:$0x1] =	stream.indirect_vreg.gather [hbm4b:s3+s2], $0x80, v4, vm0, $0xb8;
	[tilespmem:$0x1E380] =	vst v63  }
0x41: {  	s12 =	simm.s32 $0x3B80;
	v3 =	vadd.s32 v1, v3  }
0x42: {  	[tilespmem:s12], [sflag:$0x1] =	stream.indirect_vreg.gather [hbm4b:s16+s2], $0x80, v4, vm0, $0xb8;
	[tilespmem:$0x1E380] =	vst v63  }
0x43: {  	s13 =	simm.s32 $0x4380  }
0x44: {  	[tilespmem:s13], [sflag:$0x1] =	stream.indirect_vreg.gather [hbm4b:s15+s2], $0x80, v4, vm0, $0xb8;
	[tilespmem:$0x1E380] =	vst v63  }
0x45: {  	s14 =	simm.s32 $0x4B80  }
0x46: {  	[tilespmem:s14], [sflag:$0x1] =	stream.indirect_vreg.gather [hbm4b:s3+s2], $0x80, v3, vm0, $0xb8;
	[tilespmem:$0x1E380] =	vst v63  }
0x47: {  	s17 =	simm.s32 $0x5380  }
0x48: {  	[tilespmem:s17], [sflag:$0x1] =	stream.indirect_vreg.gather [hbm4b:s16+s2], $0x80, v3, vm0, $0xb8;
	[tilespmem:$0x1E380] =	vst v63  }
0x49: {  	s18 =	simm.s32 $0x5B80  }
0x4a: {  	[tilespmem:s18], [sflag:$0x1] =	stream.indirect_vreg.gather [hbm4b:s15+s2], $0x80, v3, vm0, $0xb8;
	[tilespmem:$0x1E380] =	vst v63  }
0x4b: {  	v3 =	vld [tilespmem:$0x20];
	_ =	sdelay $0x4  }
0x4c: {  	v16 =	vshrl.u32 v3, $0x3  }
0x4d: {  	v4 =	vmul.u32 $0x30, v16  }
0x4e: {  	v3 =	vand.u32 $0x7, v3  }
0x4f: {  	v3 =	vor.u32 v3, v4  }
0x50: {  	v4 =	vperm.xlane v3, v0;
	_ =	sdelay $0x1  }
0x51: {  	v4 =	vadd.s32 v1, v4;
	_ =	sdelay $0x3  }
0x52: {  	s19 =	simm.s32 $0x6380;
	v3 =	vperm.xlane v3, v2  }
0x53: {  	[tilespmem:s19], [sflag:$0x1] =	stream.indirect_vreg.gather [hbm4b:s3+s2], $0x80, v4, vm0, $0xb8;
	[tilespmem:$0x1E380] =	vst v63  }
0x54: {  	s20 =	simm.s32 $0x6B80;
	v3 =	vadd.s32 v1, v3  }
0x55: {  	[tilespmem:s20], [sflag:$0x1] =	stream.indirect_vreg.gather [hbm4b:s16+s2], $0x80, v4, vm0, $0xb8;
	[tilespmem:$0x1E380] =	vst v63  }
0x56: {  	s21 =	simm.s32 $0x7380  }
0x57: {  	[tilespmem:s21], [sflag:$0x1] =	stream.indirect_vreg.gather [hbm4b:s15+s2], $0x80, v4, vm0, $0xb8;
	[tilespmem:$0x1E380] =	vst v63  }
0x58: {  	s22 =	simm.s32 $0x7B80  }
0x59: {  	[tilespmem:s22], [sflag:$0x1] =	stream.indirect_vreg.gather [hbm4b:s3+s2], $0x80, v3, vm0, $0xb8;
	[tilespmem:$0x1E380] =	vst v63  }
0x5a: {  	s23 =	simm.s32 $0x8380  }
0x5b: {  	[tilespmem:s23], [sflag:$0x1] =	stream.indirect_vreg.gather [hbm4b:s16+s2], $0x80, v3, vm0, $0xb8;
	[tilespmem:$0x1E380] =	vst v63  }
0x5c: {  	s25 =	simm.s32 $0x8B80  }
0x5d: {  	[tilespmem:s25], [sflag:$0x1] =	stream.indirect_vreg.gather [hbm4b:s15+s2], $0x80, v3, vm0, $0xb8;
	[tilespmem:$0x1E380] =	vst v63  }
0x5e: {  	v3 =	vld [tilespmem:$0x30];
	_ =	sdelay $0x4  }
0x5f: {  	v17 =	vshrl.u32 v3, $0x3  }
0x60: {  	v4 =	vmul.u32 $0x30, v17  }
0x61: {  	v3 =	vand.u32 $0x7, v3  }
0x62: {  	v3 =	vor.u32 v3, v4  }
0x63: {  	v4 =	vperm.xlane v3, v0;
	_ =	sdelay $0x1  }
0x64: {  	v4 =	vadd.s32 v1, v4;
	_ =	sdelay $0x3  }
0x65: {  	s26 =	simm.s32 $0x9380;
	v3 =	vperm.xlane v3, v2  }
0x66: {  	[tilespmem:s26], [sflag:$0x1] =	stream.indirect_vreg.gather [hbm4b:s3+s2], $0x80, v4, vm0, $0xb8;
	[tilespmem:$0x1E380] =	vst v63  }
0x67: {  	s28 =	simm.s32 $0x9B80;
	v3 =	vadd.s32 v1, v3  }
0x68: {  	[tilespmem:s28], [sflag:$0x1] =	stream.indirect_vreg.gather [hbm4b:s16+s2], $0x80, v4, vm0, $0xb8;
	[tilespmem:$0x1E380] =	vst v63  }
0x69: {  	s29 =	simm.s32 $0xA380  }
0x6a: {  	[tilespmem:s29], [sflag:$0x1] =	stream.indirect_vreg.gather [hbm4b:s15+s2], $0x80, v4, vm0, $0xb8;
	[tilespmem:$0x1E380] =	vst v63  }
0x6b: {  	s30 =	simm.s32 $0xAB80  }
0x6c: {  	[tilespmem:s30], [sflag:$0x1] =	stream.indirect_vreg.gather [hbm4b:s3+s2], $0x80, v3, vm0, $0xb8;
	[tilespmem:$0x1E380] =	vst v63  }
0x6d: {  	s14 =	simm.s32 $0xB380  }
0x6e: {  	[tilespmem:s14], [sflag:$0x1] =	stream.indirect_vreg.gather [hbm4b:s16+s2], $0x80, v3, vm0, $0xb8;
	[tilespmem:$0x1E380] =	vst v63  }
0x6f: {  	s17 =	simm.s32 $0xBB80  }
0x70: {  	[tilespmem:s17], [sflag:$0x1] =	stream.indirect_vreg.gather [hbm4b:s15+s2], $0x80, v3, vm0, $0xb8;
	[tilespmem:$0x1E380] =	vst v63  }
0x71: {  	v3 =	vld [tilespmem:$0x40];
	_ =	sdelay $0x4  }
0x72: {  	v18 =	vshrl.u32 v3, $0x3  }
0x73: {  	v4 =	vmul.u32 $0x30, v18  }
0x74: {  	v3 =	vand.u32 $0x7, v3  }
0x75: {  	v3 =	vor.u32 v3, v4  }
0x76: {  	v4 =	vperm.xlane v3, v0;
	_ =	sdelay $0x1  }
0x77: {  	v4 =	vadd.s32 v1, v4;
	_ =	sdelay $0x3  }
0x78: {  	s18 =	simm.s32 $0xC380;
	v3 =	vperm.xlane v3, v2  }
0x79: {  	[tilespmem:s18], [sflag:$0x1] =	stream.indirect_vreg.gather [hbm4b:s3+s2], $0x80, v4, vm0, $0xb8;
	[tilespmem:$0x1E380] =	vst v63  }
0x7a: {  	s26 =	simm.s32 $0xCB80;
	v3 =	vadd.s32 v1, v3  }
0x7b: {  	[tilespmem:s26], [sflag:$0x1] =	stream.indirect_vreg.gather [hbm4b:s16+s2], $0x80, v4, vm0, $0xb8;
	[tilespmem:$0x1E380] =	vst v63  }
0x7c: {  	s28 =	simm.s32 $0xD380  }
0x7d: {  	[tilespmem:s28], [sflag:$0x1] =	stream.indirect_vreg.gather [hbm4b:s15+s2], $0x80, v4, vm0, $0xb8;
	[tilespmem:$0x1E380] =	vst v63  }
0x7e: {  	s29 =	simm.s32 $0xDB80  }
0x7f: {  	[tilespmem:s29], [sflag:$0x1] =	stream.indirect_vreg.gather [hbm4b:s3+s2], $0x80, v3, vm0, $0xb8;
	[tilespmem:$0x1E380] =	vst v63  }
0x80: {  	s30 =	simm.s32 $0xE380  }
0x81: {  	[tilespmem:s30], [sflag:$0x1] =	stream.indirect_vreg.gather [hbm4b:s16+s2], $0x80, v3, vm0, $0xb8;
	[tilespmem:$0x1E380] =	vst v63  }
0x82: {  	s18 =	simm.s32 $0xEB80  }
0x83: {  	[tilespmem:s18], [sflag:$0x1] =	stream.indirect_vreg.gather [hbm4b:s15+s2], $0x80, v3, vm0, $0xb8;
	[tilespmem:$0x1E380] =	vst v63  }
0x84: {  	v3 =	vld [tilespmem:$0x50];
	_ =	sdelay $0x4  }
0x85: {  	v19 =	vshrl.u32 v3, $0x3  }
0x86: {  	v4 =	vmul.u32 $0x30, v19  }
0x87: {  	v3 =	vand.u32 $0x7, v3  }
0x88: {  	v3 =	vor.u32 v3, v4  }
0x89: {  	v4 =	vperm.xlane v3, v0;
	_ =	sdelay $0x1  }
0x8a: {  	v4 =	vadd.s32 v1, v4;
	_ =	sdelay $0x3  }
0x8b: {  	v3 =	vperm.xlane v3, v2  }
0x8c: {  	[tilespmem:s24], [sflag:$0x2] =	stream.indirect_vreg.gather [hbm4b:s3+s2], $0x80, v4, vm0, $0xb8;
	[tilespmem:$0x1E380] =	vst v63  }
0x8d: {  	s6 =	simm.s32 $0xFB80;
	v3 =	vadd.s32 v1, v3  }
0x8e: {  	[tilespmem:s6], [sflag:$0x2] =	stream.indirect_vreg.gather [hbm4b:s16+s2], $0x80, v4, vm0, $0xb8;
	[tilespmem:$0x1E380] =	vst v63  }
0x8f: {  	s6 =	simm.s32 $0x10380  }
0x90: {  	[tilespmem:s6], [sflag:$0x2] =	stream.indirect_vreg.gather [hbm4b:s15+s2], $0x80, v4, vm0, $0xb8;
	[tilespmem:$0x1E380] =	vst v63  }
0x91: {  	s6 =	simm.s32 $0x10B80  }
0x92: {  	[tilespmem:s6], [sflag:$0x2] =	stream.indirect_vreg.gather [hbm4b:s3+s2], $0x80, v3, vm0, $0xb8;
	[tilespmem:$0x1E380] =	vst v63  }
0x93: {  	s6 =	simm.s32 $0x11380  }
0x94: {  	[tilespmem:s6], [sflag:$0x2] =	stream.indirect_vreg.gather [hbm4b:s16+s2], $0x80, v3, vm0, $0xb8;
	[tilespmem:$0x1E380] =	vst v63  }
0x95: {  	s6 =	simm.s32 $0x11B80  }
0x96: {  	[tilespmem:s6], [sflag:$0x2] =	stream.indirect_vreg.gather [hbm4b:s15+s2], $0x80, v3, vm0, $0xb8;
	[tilespmem:$0x1E380] =	vst v63  }
0x97: {  	v3 =	vld [tilespmem:$0x60];
	_ =	sdelay $0x4  }
0x98: {  	v20 =	vshrl.u32 v3, $0x3  }
0x99: {  	v4 =	vmul.u32 $0x30, v20  }
0x9a: {  	v3 =	vand.u32 $0x7, v3  }
0x9b: {  	v3 =	vor.u32 v3, v4  }
0x9c: {  	v4 =	vperm.xlane v3, v0;
	_ =	sdelay $0x1  }
0x9d: {  	v4 =	vadd.s32 v1, v4;
	_ =	sdelay $0x3  }
0x9e: {  	s6 =	simm.s32 $0x12380;
	v3 =	vperm.xlane v3, v2  }
0x9f: {  	[tilespmem:s6], [sflag:$0x2] =	stream.indirect_vreg.gather [hbm4b:s3+s2], $0x80, v4, vm0, $0xb8;
	[tilespmem:$0x1E380] =	vst v63  }
0xa0: {  	v3 =	vadd.s32 v1, v3;
	s6 =	simm.s32 $0x12B80  }
0xa1: {  	[tilespmem:s6], [sflag:$0x2] =	stream.indirect_vreg.gather [hbm4b:s16+s2], $0x80, v4, vm0, $0xb8;
	[tilespmem:$0x1E380] =	vst v63  }
0xa2: {  	s6 =	simm.s32 $0x13380  }
0xa3: {  	[tilespmem:s6], [sflag:$0x2] =	stream.indirect_vreg.gather [hbm4b:s15+s2], $0x80, v4, vm0, $0xb8;
	[tilespmem:$0x1E380] =	vst v63  }
0xa4: {  	s6 =	simm.s32 $0x13B80  }
0xa5: {  	[tilespmem:s6], [sflag:$0x2] =	stream.indirect_vreg.gather [hbm4b:s3+s2], $0x80, v3, vm0, $0xb8;
	[tilespmem:$0x1E380] =	vst v63  }
0xa6: {  	s6 =	simm.s32 $0x14380  }
0xa7: {  	[tilespmem:s6], [sflag:$0x2] =	stream.indirect_vreg.gather [hbm4b:s16+s2], $0x80, v3, vm0, $0xb8;
	[tilespmem:$0x1E380] =	vst v63  }
0xa8: {  	s6 =	simm.s32 $0x14B80  }
0xa9: {  	[tilespmem:s6], [sflag:$0x2] =	stream.indirect_vreg.gather [hbm4b:s15+s2], $0x80, v3, vm0, $0xb8;
	[tilespmem:$0x1E380] =	vst v63  }
0xaa: {  	v3 =	vld [tilespmem:$0x70];
	_ =	sdelay $0x4  }
0xab: {  	v21 =	vshrl.u32 v3, $0x3  }
0xac: {  	v4 =	vmul.u32 $0x30, v21  }
0xad: {  	v3 =	vand.u32 $0x7, v3  }
0xae: {  	v3 =	vor.u32 v3, v4  }
0xaf: {  	v4 =	vperm.xlane v3, v0;
	_ =	sdelay $0x1  }
0xb0: {  	v4 =	vadd.s32 v1, v4;
	_ =	sdelay $0x3  }
0xb1: {  	s6 =	simm.s32 $0x15380;
	v3 =	vperm.xlane v3, v2  }
0xb2: {  	[tilespmem:s6], [sflag:$0x2] =	stream.indirect_vreg.gather [hbm4b:s3+s2], $0x80, v4, vm0, $0xb8;
	[tilespmem:$0x1E380] =	vst v63  }
0xb3: {  	v3 =	vadd.s32 v1, v3;
	s6 =	simm.s32 $0x15B80  }
0xb4: {  	[tilespmem:s6], [sflag:$0x2] =	stream.indirect_vreg.gather [hbm4b:s16+s2], $0x80, v4, vm0, $0xb8;
	[tilespmem:$0x1E380] =	vst v63  }
0xb5: {  	s6 =	simm.s32 $0x16380  }
0xb6: {  	[tilespmem:s6], [sflag:$0x2] =	stream.indirect_vreg.gather [hbm4b:s15+s2], $0x80, v4, vm0, $0xb8;
	[tilespmem:$0x1E380] =	vst v63  }
0xb7: {  	s6 =	simm.s32 $0x16B80  }
0xb8: {  	[tilespmem:s6], [sflag:$0x2] =	stream.indirect_vreg.gather [hbm4b:s3+s2], $0x80, v3, vm0, $0xb8;
	[tilespmem:$0x1E380] =	vst v63  }
0xb9: {  	s6 =	simm.s32 $0x17380  }
0xba: {  	[tilespmem:s6], [sflag:$0x2] =	stream.indirect_vreg.gather [hbm4b:s16+s2], $0x80, v3, vm0, $0xb8;
	[tilespmem:$0x1E380] =	vst v63  }
0xbb: {  	s6 =	simm.s32 $0x17B80  }
0xbc: {  	[tilespmem:s6], [sflag:$0x2] =	stream.indirect_vreg.gather [hbm4b:s15+s2], $0x80, v3, vm0, $0xb8;
	[tilespmem:$0x1E380] =	vst v63  }
0xbd: {  	v3 =	vld [tilespmem:$0x80];
	_ =	sdelay $0x4  }
0xbe: {  	v22 =	vshrl.u32 v3, $0x3  }
0xbf: {  	v4 =	vmul.u32 $0x30, v22  }
0xc0: {  	v3 =	vand.u32 $0x7, v3  }
0xc1: {  	v3 =	vor.u32 v3, v4  }
0xc2: {  	v4 =	vperm.xlane v3, v0;
	_ =	sdelay $0x1  }
0xc3: {  	v4 =	vadd.s32 v1, v4;
	_ =	sdelay $0x3  }
0xc4: {  	s6 =	simm.s32 $0x18380;
	v3 =	vperm.xlane v3, v2  }
0xc5: {  	[tilespmem:s6], [sflag:$0x2] =	stream.indirect_vreg.gather [hbm4b:s3+s2], $0x80, v4, vm0, $0xb8;
	[tilespmem:$0x1E380] =	vst v63  }
0xc6: {  	v3 =	vadd.s32 v1, v3;
	s6 =	simm.s32 $0x18B80  }
0xc7: {  	[tilespmem:s6], [sflag:$0x2] =	stream.indirect_vreg.gather [hbm4b:s16+s2], $0x80, v4, vm0, $0xb8;
	[tilespmem:$0x1E380] =	vst v63  }
0xc8: {  	s6 =	simm.s32 $0x19380  }
0xc9: {  	[tilespmem:s6], [sflag:$0x2] =	stream.indirect_vreg.gather [hbm4b:s15+s2], $0x80, v4, vm0, $0xb8;
	[tilespmem:$0x1E380] =	vst v63  }
0xca: {  	s6 =	simm.s32 $0x19B80  }
0xcb: {  	[tilespmem:s6], [sflag:$0x2] =	stream.indirect_vreg.gather [hbm4b:s3+s2], $0x80, v3, vm0, $0xb8;
	[tilespmem:$0x1E380] =	vst v63  }
0xcc: {  	s6 =	simm.s32 $0x1A380  }
0xcd: {  	[tilespmem:s6], [sflag:$0x2] =	stream.indirect_vreg.gather [hbm4b:s16+s2], $0x80, v3, vm0, $0xb8;
	[tilespmem:$0x1E380] =	vst v63  }
0xce: {  	s6 =	simm.s32 $0x1AB80  }
0xcf: {  	[tilespmem:s6], [sflag:$0x2] =	stream.indirect_vreg.gather [hbm4b:s15+s2], $0x80, v3, vm0, $0xb8;
	[tilespmem:$0x1E380] =	vst v63  }
0xd0: {  	v3 =	vld [tilespmem:$0x90];
	_ =	sdelay $0x4  }
0xd1: {  	v23 =	vshrl.u32 v3, $0x3  }
0xd2: {  	v4 =	vmul.u32 $0x30, v23  }
0xd3: {  	v3 =	vand.u32 $0x7, v3  }
0xd4: {  	v3 =	vor.u32 v3, v4  }
0xd5: {  	v4 =	vperm.xlane v3, v0;
	_ =	sdelay $0x1  }
0xd6: {  	v4 =	vadd.s32 v1, v4;
	_ =	sdelay $0x3  }
0xd7: {  	s6 =	simm.s32 $0x1B380;
	v3 =	vperm.xlane v3, v2  }
0xd8: {  	[tilespmem:s6], [sflag:$0x2] =	stream.indirect_vreg.gather [hbm4b:s3+s2], $0x80, v4, vm0, $0xb8;
	[tilespmem:$0x1E380] =	vst v63  }
0xd9: {  	v3 =	vadd.s32 v1, v3;
	s6 =	simm.s32 $0x1BB80  }
0xda: {  	[tilespmem:s6], [sflag:$0x2] =	stream.indirect_vreg.gather [hbm4b:s16+s2], $0x80, v4, vm0, $0xb8;
	[tilespmem:$0x1E380] =	vst v63  }
0xdb: {  	s6 =	simm.s32 $0x1C380  }
0xdc: {  	[tilespmem:s6], [sflag:$0x2] =	stream.indirect_vreg.gather [hbm4b:s15+s2], $0x80, v4, vm0, $0xb8;
	[tilespmem:$0x1E380] =	vst v63  }
0xdd: {  	s6 =	simm.s32 $0x1CB80  }
0xde: {  	[tilespmem:s6], [sflag:$0x2] =	stream.indirect_vreg.gather [hbm4b:s3+s2], $0x80, v3, vm0, $0xb8;
	[tilespmem:$0x1E380] =	vst v63  }
0xdf: {  	s6 =	simm.s32 $0x1D380  }
0xe0: {  	[tilespmem:s6], [sflag:$0x2] =	stream.indirect_vreg.gather [hbm4b:s16+s2], $0x80, v3, vm0, $0xb8;
	[tilespmem:$0x1E380] =	vst v63  }
0xe1: {  	s6 =	simm.s32 $0x1DB80  }
0xe2: {  	[tilespmem:s6], [sflag:$0x2] =	stream.indirect_vreg.gather [hbm4b:s15+s2], $0x80, v3, vm0, $0xb8;
	[tilespmem:$0x1E380] =	vst v63  }
0xe3: {  	_ =	swait.ge [sflag:s31], $0xF000  }
0xe4: {  	[sflag:s31] =	ssyncset.done $0x0  }
0xe5: {  	s6 =	rddreg [dreg:$0xf];
	[sflag:s31] =	ssyncadd.s32 $0xFFFF1000  }
0xe6: {  	[hbm4b:s6+s2] =	stream.linear.scatter [tilespmem:s7], [sflag:$0x3], $0xF000, $0x38;
	[tilespmem:$0x1E380] =	vst v63  }
0xe7: {  	_ =	swait.ge [sflag:s0], $0xF000  }
0xe8: {  	[sflag:s0] =	ssyncset.done $0x0  }
0xe9: {  	[sflag:s0] =	ssyncadd.s32 $0xFFFF1000  }
0xea: {  	v3 =	vld [tilespmem:$0xA0];
	_ =	sdelay $0x4  }
0xeb: {  	v24 =	vshrl.u32 v3, $0x3  }
0xec: {  	v4 =	vmul.u32 $0x30, v24  }
0xed: {  	v3 =	vand.u32 $0x7, v3  }
0xee: {  	v3 =	vor.u32 v3, v4  }
0xef: {  	v4 =	vperm.xlane v3, v0;
	_ =	sdelay $0x1  }
0xf0: {  	v4 =	vadd.s32 v1, v4;
	_ =	sdelay $0x3  }
0xf1: {  	v3 =	vperm.xlane v3, v2  }
0xf2: {  	[tilespmem:s7], [sflag:$0x1] =	stream.indirect_vreg.gather [hbm4b:s3+s2], $0x80, v4, vm0, $0xb8;
	[tilespmem:$0x1E380] =	vst v63  }
0xf3: {  	s6 =	simm.s32 $0xB80;
	v3 =	vadd.s32 v1, v3  }
0xf4: {  	[tilespmem:s6], [sflag:$0x1] =	stream.indirect_vreg.gather [hbm4b:s16+s2], $0x80, v4, vm0, $0xb8;
	[tilespmem:$0x1E380] =	vst v63  }
0xf5: {  	s6 =	simm.s32 $0x1380  }
0xf6: {  	[tilespmem:s6], [sflag:$0x1] =	stream.indirect_vreg.gather [hbm4b:s15+s2], $0x80, v4, vm0, $0xb8;
	[tilespmem:$0x1E380] =	vst v63  }
0xf7: {  	s6 =	simm.s32 $0x1B80  }
0xf8: {  	[tilespmem:s6], [sflag:$0x1] =	stream.indirect_vreg.gather [hbm4b:s3+s2], $0x80, v3, vm0, $0xb8;
	[tilespmem:$0x1E380] =	vst v63  }
0xf9: {  	s6 =	simm.s32 $0x2380  }
0xfa: {  	[tilespmem:s6], [sflag:$0x1] =	stream.indirect_vreg.gather [hbm4b:s16+s2], $0x80, v3, vm0, $0xb8;
	[tilespmem:$0x1E380] =	vst v63  }
0xfb: {  	s8 =	simm.s32 $0x2B80  }
0xfc: {  	[tilespmem:s8], [sflag:$0x1] =	stream.indirect_vreg.gather [hbm4b:s15+s2], $0x80, v3, vm0, $0xb8;
	[tilespmem:$0x1E380] =	vst v63  }
0xfd: {  	v3 =	vld [tilespmem:$0xB0];
	_ =	sdelay $0x4  }
0xfe: {  	v25 =	vshrl.u32 v3, $0x3  }
0xff: {  	v4 =	vmul.u32 $0x30, v25  }
0x100: {  	v3 =	vand.u32 $0x7, v3  }
0x101: {  	v3 =	vor.u32 v3, v4  }
0x102: {  	v4 =	vperm.xlane v3, v0;
	_ =	sdelay $0x1  }
0x103: {  	v4 =	vadd.s32 v1, v4;
	_ =	sdelay $0x3  }
0x104: {  	s9 =	simm.s32 $0x3380;
	v3 =	vperm.xlane v3, v2  }
0x105: {  	[tilespmem:s9], [sflag:$0x1] =	stream.indirect_vreg.gather [hbm4b:s3+s2], $0x80, v4, vm0, $0xb8;
	[tilespmem:$0x1E380] =	vst v63  }
0x106: {  	s8 =	simm.s32 $0x3B80;
	v3 =	vadd.s32 v1, v3  }
0x107: {  	[tilespmem:s8], [sflag:$0x1] =	stream.indirect_vreg.gather [hbm4b:s16+s2], $0x80, v4, vm0, $0xb8;
	[tilespmem:$0x1E380] =	vst v63  }
0x108: {  	s9 =	simm.s32 $0x4380  }
0x109: {  	[tilespmem:s9], [sflag:$0x1] =	stream.indirect_vreg.gather [hbm4b:s15+s2], $0x80, v4, vm0, $0xb8;
	[tilespmem:$0x1E380] =	vst v63  }
0x10a: {  	s8 =	simm.s32 $0x4B80  }
0x10b: {  	[tilespmem:s8], [sflag:$0x1] =	stream.indirect_vreg.gather [hbm4b:s3+s2], $0x80, v3, vm0, $0xb8;
	[tilespmem:$0x1E380] =	vst v63  }
0x10c: {  	s9 =	simm.s32 $0x5380  }
0x10d: {  	[tilespmem:s9], [sflag:$0x1] =	stream.indirect_vreg.gather [hbm4b:s16+s2], $0x80, v3, vm0, $0xb8;
	[tilespmem:$0x1E380] =	vst v63  }
0x10e: {  	s10 =	simm.s32 $0x5B80  }
0x10f: {  	[tilespmem:s10], [sflag:$0x1] =	stream.indirect_vreg.gather [hbm4b:s15+s2], $0x80, v3, vm0, $0xb8;
	[tilespmem:$0x1E380] =	vst v63  }
0x110: {  	v3 =	vld [tilespmem:$0xC0];
	_ =	sdelay $0x4  }
0x111: {  	v26 =	vshrl.u32 v3, $0x3  }
0x112: {  	v4 =	vmul.u32 $0x30, v26  }
0x113: {  	v3 =	vand.u32 $0x7, v3  }
0x114: {  	v3 =	vor.u32 v3, v4  }
0x115: {  	v4 =	vperm.xlane v3, v0;
	_ =	sdelay $0x1  }
0x116: {  	v4 =	vadd.s32 v1, v4;
	_ =	sdelay $0x3  }
0x117: {  	s11 =	simm.s32 $0x6380;
	v3 =	vperm.xlane v3, v2  }
0x118: {  	[tilespmem:s11], [sflag:$0x1] =	stream.indirect_vreg.gather [hbm4b:s3+s2], $0x80, v4, vm0, $0xb8;
	[tilespmem:$0x1E380] =	vst v63  }
0x119: {  	v3 =	vadd.s32 v1, v3;
	s11 =	simm.s32 $0x6B80  }
0x11a: {  	[tilespmem:s11], [sflag:$0x1] =	stream.indirect_vreg.gather [hbm4b:s16+s2], $0x80, v4, vm0, $0xb8;
	[tilespmem:$0x1E380] =	vst v63  }
0x11b: {  	s8 =	simm.s32 $0x7380  }
0x11c: {  	[tilespmem:s8], [sflag:$0x1] =	stream.indirect_vreg.gather [hbm4b:s15+s2], $0x80, v4, vm0, $0xb8;
	[tilespmem:$0x1E380] =	vst v63  }
0x11d: {  	s19 =	simm.s32 $0x7B80  }
0x11e: {  	[tilespmem:s19], [sflag:$0x1] =	stream.indirect_vreg.gather [hbm4b:s3+s2], $0x80, v3, vm0, $0xb8;
	[tilespmem:$0x1E380] =	vst v63  }
0x11f: {  	s20 =	simm.s32 $0x8380  }
0x120: {  	[tilespmem:s20], [sflag:$0x1] =	stream.indirect_vreg.gather [hbm4b:s16+s2], $0x80, v3, vm0, $0xb8;
	[tilespmem:$0x1E380] =	vst v63  }
0x121: {  	s12 =	simm.s32 $0x8B80  }
0x122: {  	[tilespmem:s12], [sflag:$0x1] =	stream.indirect_vreg.gather [hbm4b:s15+s2], $0x80, v3, vm0, $0xb8;
	[tilespmem:$0x1E380] =	vst v63  }
0x123: {  	v3 =	vld [tilespmem:$0xD0];
	_ =	sdelay $0x4  }
0x124: {  	v27 =	vshrl.u32 v3, $0x3  }
0x125: {  	v4 =	vmul.u32 $0x30, v27  }
0x126: {  	v3 =	vand.u32 $0x7, v3  }
0x127: {  	v3 =	vor.u32 v3, v4  }
0x128: {  	v4 =	vperm.xlane v3, v0;
	_ =	sdelay $0x1  }
0x129: {  	v4 =	vadd.s32 v1, v4;
	_ =	sdelay $0x3  }
0x12a: {  	s13 =	simm.s32 $0x9380;
	v3 =	vperm.xlane v3, v2  }
0x12b: {  	[tilespmem:s13], [sflag:$0x1] =	stream.indirect_vreg.gather [hbm4b:s3+s2], $0x80, v4, vm0, $0xb8;
	[tilespmem:$0x1E380] =	vst v63  }
0x12c: {  	s21 =	simm.s32 $0x9B80;
	v3 =	vadd.s32 v1, v3  }
0x12d: {  	[tilespmem:s21], [sflag:$0x1] =	stream.indirect_vreg.gather [hbm4b:s16+s2], $0x80, v4, vm0, $0xb8;
	[tilespmem:$0x1E380] =	vst v63  }
0x12e: {  	s22 =	simm.s32 $0xA380  }
0x12f: {  	[tilespmem:s22], [sflag:$0x1] =	stream.indirect_vreg.gather [hbm4b:s15+s2], $0x80, v4, vm0, $0xb8;
	[tilespmem:$0x1E380] =	vst v63  }
0x130: {  	s23 =	simm.s32 $0xAB80  }
0x131: {  	[tilespmem:s23], [sflag:$0x1] =	stream.indirect_vreg.gather [hbm4b:s3+s2], $0x80, v3, vm0, $0xb8;
	[tilespmem:$0x1E380] =	vst v63  }
0x132: {  	s25 =	simm.s32 $0xB380  }
0x133: {  	[tilespmem:s25], [sflag:$0x1] =	stream.indirect_vreg.gather [hbm4b:s16+s2], $0x80, v3, vm0, $0xb8;
	[tilespmem:$0x1E380] =	vst v63  }
0x134: {  	s14 =	simm.s32 $0xBB80  }
0x135: {  	[tilespmem:s14], [sflag:$0x1] =	stream.indirect_vreg.gather [hbm4b:s15+s2], $0x80, v3, vm0, $0xb8;
	[tilespmem:$0x1E380] =	vst v63  }
0x136: {  	v3 =	vld [tilespmem:$0xE0];
	_ =	sdelay $0x4  }
0x137: {  	v28 =	vshrl.u32 v3, $0x3  }
0x138: {  	v4 =	vmul.u32 $0x30, v28  }
0x139: {  	v3 =	vand.u32 $0x7, v3  }
0x13a: {  	v3 =	vor.u32 v3, v4  }
0x13b: {  	v4 =	vperm.xlane v3, v0;
	_ =	sdelay $0x1  }
0x13c: {  	v4 =	vadd.s32 v1, v4;
	_ =	sdelay $0x3  }
0x13d: {  	s17 =	simm.s32 $0xC380;
	v3 =	vperm.xlane v3, v2  }
0x13e: {  	[tilespmem:s17], [sflag:$0x1] =	stream.indirect_vreg.gather [hbm4b:s3+s2], $0x80, v4, vm0, $0xb8;
	[tilespmem:$0x1E380] =	vst v63  }
0x13f: {  	s26 =	simm.s32 $0xCB80;
	v3 =	vadd.s32 v1, v3  }
0x140: {  	[tilespmem:s26], [sflag:$0x1] =	stream.indirect_vreg.gather [hbm4b:s16+s2], $0x80, v4, vm0, $0xb8;
	[tilespmem:$0x1E380] =	vst v63  }
0x141: {  	s28 =	simm.s32 $0xD380  }
0x142: {  	[tilespmem:s28], [sflag:$0x1] =	stream.indirect_vreg.gather [hbm4b:s15+s2], $0x80, v4, vm0, $0xb8;
	[tilespmem:$0x1E380] =	vst v63  }
0x143: {  	s29 =	simm.s32 $0xDB80  }
0x144: {  	[tilespmem:s29], [sflag:$0x1] =	stream.indirect_vreg.gather [hbm4b:s3+s2], $0x80, v3, vm0, $0xb8;
	[tilespmem:$0x1E380] =	vst v63  }
0x145: {  	s30 =	simm.s32 $0xE380  }
0x146: {  	[tilespmem:s30], [sflag:$0x1] =	stream.indirect_vreg.gather [hbm4b:s16+s2], $0x80, v3, vm0, $0xb8;
	[tilespmem:$0x1E380] =	vst v63  }
0x147: {  	s18 =	simm.s32 $0xEB80  }
0x148: {  	[tilespmem:s18], [sflag:$0x1] =	stream.indirect_vreg.gather [hbm4b:s15+s2], $0x80, v3, vm0, $0xb8;
	[tilespmem:$0x1E380] =	vst v63  }
0x149: {  	_ =	swait.ge [sflag:s1], $0xF000  }
0x14a: {  	[sflag:s1] =	ssyncset.done $0x0  }
0x14b: {  	s9 =	rddreg [dreg:$0xe];
	[sflag:s1] =	ssyncadd.s32 $0xFFFF1000  }
0x14c: {  	[hbm4b:s9+s2] =	stream.linear.scatter [tilespmem:s24], [sflag:$0x4], $0xF000, $0x38;
	[tilespmem:$0x1E380] =	vst v63  }
0x14d: {  	_ =	swait.ge [sflag:s5], $0xF000  }
0x14e: {  	[sflag:s5] =	ssyncset.done $0x0  }
0x14f: {  	[sflag:s5] =	ssyncadd.s32 $0xFFFF1000  }
0x150: {  	v3 =	vld [tilespmem:$0xF0];
	_ =	sdelay $0x4  }
0x151: {  	v29 =	vshrl.u32 v3, $0x3  }
0x152: {  	v4 =	vmul.u32 $0x30, v29  }
0x153: {  	v3 =	vand.u32 $0x7, v3  }
0x154: {  	v3 =	vor.u32 v3, v4  }
0x155: {  	v4 =	vperm.xlane v3, v0;
	_ =	sdelay $0x1  }
0x156: {  	v4 =	vadd.s32 v1, v4;
	_ =	sdelay $0x3  }
0x157: {  	v3 =	vperm.xlane v3, v2  }
0x158: {  	[tilespmem:s24], [sflag:$0x2] =	stream.indirect_vreg.gather [hbm4b:s3+s2], $0x80, v4, vm0, $0xb8;
	[tilespmem:$0x1E380] =	vst v63  }
0x159: {  	s10 =	simm.s32 $0xFB80;
	v3 =	vadd.s32 v1, v3  }
0x15a: {  	[tilespmem:s10], [sflag:$0x2] =	stream.indirect_vreg.gather [hbm4b:s16+s2], $0x80, v4, vm0, $0xb8;
	[tilespmem:$0x1E380] =	vst v63  }
0x15b: {  	s11 =	simm.s32 $0x10380  }
0x15c: {  	[tilespmem:s11], [sflag:$0x2] =	stream.indirect_vreg.gather [hbm4b:s15+s2], $0x80, v4, vm0, $0xb8;
	[tilespmem:$0x1E380] =	vst v63  }
0x15d: {  	s12 =	simm.s32 $0x10B80  }
0x15e: {  	[tilespmem:s12], [sflag:$0x2] =	stream.indirect_vreg.gather [hbm4b:s3+s2], $0x80, v3, vm0, $0xb8;
	[tilespmem:$0x1E380] =	vst v63  }
0x15f: {  	s13 =	simm.s32 $0x11380  }
0x160: {  	[tilespmem:s13], [sflag:$0x2] =	stream.indirect_vreg.gather [hbm4b:s16+s2], $0x80, v3, vm0, $0xb8;
	[tilespmem:$0x1E380] =	vst v63  }
0x161: {  	s14 =	simm.s32 $0x11B80  }
0x162: {  	[tilespmem:s14], [sflag:$0x2] =	stream.indirect_vreg.gather [hbm4b:s15+s2], $0x80, v3, vm0, $0xb8;
	[tilespmem:$0x1E380] =	vst v63  }
0x163: {  	v3 =	vld [tilespmem:$0x100];
	_ =	sdelay $0x4  }
0x164: {  	v30 =	vshrl.u32 v3, $0x3  }
0x165: {  	v4 =	vmul.u32 $0x30, v30  }
0x166: {  	v3 =	vand.u32 $0x7, v3  }
0x167: {  	v3 =	vor.u32 v3, v4  }
0x168: {  	v4 =	vperm.xlane v3, v0;
	_ =	sdelay $0x1  }
0x169: {  	v4 =	vadd.s32 v1, v4;
	_ =	sdelay $0x3  }
0x16a: {  	s17 =	simm.s32 $0x12380;
	v3 =	vperm.xlane v3, v2  }
0x16b: {  	[tilespmem:s17], [sflag:$0x2] =	stream.indirect_vreg.gather [hbm4b:s3+s2], $0x80, v4, vm0, $0xb8;
	[tilespmem:$0x1E380] =	vst v63  }
0x16c: {  	s18 =	simm.s32 $0x12B80;
	v3 =	vadd.s32 v1, v3  }
0x16d: {  	[tilespmem:s18], [sflag:$0x2] =	stream.indirect_vreg.gather [hbm4b:s16+s2], $0x80, v4, vm0, $0xb8;
	[tilespmem:$0x1E380] =	vst v63  }
0x16e: {  	s19 =	simm.s32 $0x13380  }
0x16f: {  	[tilespmem:s19], [sflag:$0x2] =	stream.indirect_vreg.gather [hbm4b:s15+s2], $0x80, v4, vm0, $0xb8;
	[tilespmem:$0x1E380] =	vst v63  }
0x170: {  	s20 =	simm.s32 $0x13B80  }
0x171: {  	[tilespmem:s20], [sflag:$0x2] =	stream.indirect_vreg.gather [hbm4b:s3+s2], $0x80, v3, vm0, $0xb8;
	[tilespmem:$0x1E380] =	vst v63  }
0x172: {  	s21 =	simm.s32 $0x14380  }
0x173: {  	[tilespmem:s21], [sflag:$0x2] =	stream.indirect_vreg.gather [hbm4b:s16+s2], $0x80, v3, vm0, $0xb8;
	[tilespmem:$0x1E380] =	vst v63  }
0x174: {  	s22 =	simm.s32 $0x14B80  }
0x175: {  	[tilespmem:s22], [sflag:$0x2] =	stream.indirect_vreg.gather [hbm4b:s15+s2], $0x80, v3, vm0, $0xb8;
	[tilespmem:$0x1E380] =	vst v63  }
0x176: {  	v3 =	vld [tilespmem:$0x110];
	_ =	sdelay $0x4  }
0x177: {  	v31 =	vshrl.u32 v3, $0x3  }
0x178: {  	v4 =	vmul.u32 $0x30, v31  }
0x179: {  	v3 =	vand.u32 $0x7, v3  }
0x17a: {  	v3 =	vor.u32 v3, v4  }
0x17b: {  	v4 =	vperm.xlane v3, v0;
	_ =	sdelay $0x1  }
0x17c: {  	v4 =	vadd.s32 v1, v4;
	_ =	sdelay $0x3  }
0x17d: {  	s23 =	simm.s32 $0x15380;
	v3 =	vperm.xlane v3, v2  }
0x17e: {  	[tilespmem:s23], [sflag:$0x2] =	stream.indirect_vreg.gather [hbm4b:s3+s2], $0x80, v4, vm0, $0xb8;
	[tilespmem:$0x1E380] =	vst v63  }
0x17f: {  	s25 =	simm.s32 $0x15B80;
	v3 =	vadd.s32 v1, v3  }
0x180: {  	[tilespmem:s25], [sflag:$0x2] =	stream.indirect_vreg.gather [hbm4b:s16+s2], $0x80, v4, vm0, $0xb8;
	[tilespmem:$0x1E380] =	vst v63  }
0x181: {  	s26 =	simm.s32 $0x16380  }
0x182: {  	[tilespmem:s26], [sflag:$0x2] =	stream.indirect_vreg.gather [hbm4b:s15+s2], $0x80, v4, vm0, $0xb8;
	[tilespmem:$0x1E380] =	vst v63  }
0x183: {  	s28 =	simm.s32 $0x16B80  }
0x184: {  	[tilespmem:s28], [sflag:$0x2] =	stream.indirect_vreg.gather [hbm4b:s3+s2], $0x80, v3, vm0, $0xb8;
	[tilespmem:$0x1E380] =	vst v63  }
0x185: {  	s29 =	simm.s32 $0x17380  }
0x186: {  	[tilespmem:s29], [sflag:$0x2] =	stream.indirect_vreg.gather [hbm4b:s16+s2], $0x80, v3, vm0, $0xb8;
	[tilespmem:$0x1E380] =	vst v63  }
0x187: {  	s30 =	simm.s32 $0x17B80  }
0x188: {  	[tilespmem:s30], [sflag:$0x2] =	stream.indirect_vreg.gather [hbm4b:s15+s2], $0x80, v3, vm0, $0xb8;
	[tilespmem:$0x1E380] =	vst v63  }
0x189: {  	v3 =	vld [tilespmem:$0x120];
	_ =	sdelay $0x4  }
0x18a: {  	v32 =	vshrl.u32 v3, $0x3  }
0x18b: {  	v4 =	vmul.u32 $0x30, v32  }
0x18c: {  	v3 =	vand.u32 $0x7, v3  }
0x18d: {  	v3 =	vor.u32 v3, v4  }
0x18e: {  	v4 =	vperm.xlane v3, v0;
	_ =	sdelay $0x1  }
0x18f: {  	v4 =	vadd.s32 v1, v4;
	_ =	sdelay $0x3  }
0x190: {  	s22 =	simm.s32 $0x18380;
	v3 =	vperm.xlane v3, v2  }
0x191: {  	[tilespmem:s22], [sflag:$0x2] =	stream.indirect_vreg.gather [hbm4b:s3+s2], $0x80, v4, vm0, $0xb8;
	[tilespmem:$0x1E380] =	vst v63  }
0x192: {  	s23 =	simm.s32 $0x18B80;
	v3 =	vadd.s32 v1, v3  }
0x193: {  	[tilespmem:s23], [sflag:$0x2] =	stream.indirect_vreg.gather [hbm4b:s16+s2], $0x80, v4, vm0, $0xb8;
	[tilespmem:$0x1E380] =	vst v63  }
0x194: {  	s25 =	simm.s32 $0x19380  }
0x195: {  	[tilespmem:s25], [sflag:$0x2] =	stream.indirect_vreg.gather [hbm4b:s15+s2], $0x80, v4, vm0, $0xb8;
	[tilespmem:$0x1E380] =	vst v63  }
0x196: {  	s26 =	simm.s32 $0x19B80  }
0x197: {  	[tilespmem:s26], [sflag:$0x2] =	stream.indirect_vreg.gather [hbm4b:s3+s2], $0x80, v3, vm0, $0xb8;
	[tilespmem:$0x1E380] =	vst v63  }
0x198: {  	s28 =	simm.s32 $0x1A380  }
0x199: {  	[tilespmem:s28], [sflag:$0x2] =	stream.indirect_vreg.gather [hbm4b:s16+s2], $0x80, v3, vm0, $0xb8;
	[tilespmem:$0x1E380] =	vst v63  }
0x19a: {  	s29 =	simm.s32 $0x1AB80  }
0x19b: {  	[tilespmem:s29], [sflag:$0x2] =	stream.indirect_vreg.gather [hbm4b:s15+s2], $0x80, v3, vm0, $0xb8;
	[tilespmem:$0x1E380] =	vst v63  }
0x19c: {  	v3 =	vld [tilespmem:$0x130];
	_ =	sdelay $0x4  }
0x19d: {  	v33 =	vshrl.u32 v3, $0x3  }
0x19e: {  	v4 =	vmul.u32 $0x30, v33  }
0x19f: {  	v3 =	vand.u32 $0x7, v3  }
0x1a0: {  	v3 =	vor.u32 v3, v4  }
0x1a1: {  	v4 =	vperm.xlane v3, v0;
	_ =	sdelay $0x1  }
0x1a2: {  	v4 =	vadd.s32 v1, v4;
	_ =	sdelay $0x3  }
0x1a3: {  	s30 =	simm.s32 $0x1B380;
	v3 =	vperm.xlane v3, v2  }
0x1a4: {  	[tilespmem:s30], [sflag:$0x2] =	stream.indirect_vreg.gather [hbm4b:s3+s2], $0x80, v4, vm0, $0xb8;
	[tilespmem:$0x1E380] =	vst v63  }
0x1a5: {  	s28 =	simm.s32 $0x1BB80;
	v3 =	vadd.s32 v1, v3  }
0x1a6: {  	[tilespmem:s28], [sflag:$0x2] =	stream.indirect_vreg.gather [hbm4b:s16+s2], $0x80, v4, vm0, $0xb8;
	[tilespmem:$0x1E380] =	vst v63  }
0x1a7: {  	s29 =	simm.s32 $0x1C380  }
0x1a8: {  	[tilespmem:s29], [sflag:$0x2] =	stream.indirect_vreg.gather [hbm4b:s15+s2], $0x80, v4, vm0, $0xb8;
	[tilespmem:$0x1E380] =	vst v63  }
0x1a9: {  	s30 =	simm.s32 $0x1CB80  }
0x1aa: {  	[tilespmem:s30], [sflag:$0x2] =	stream.indirect_vreg.gather [hbm4b:s3+s2], $0x80, v3, vm0, $0xb8;
	[tilespmem:$0x1E380] =	vst v63  }
0x1ab: {  	s6 =	simm.s32 $0x1D380  }
0x1ac: {  	[tilespmem:s6], [sflag:$0x2] =	stream.indirect_vreg.gather [hbm4b:s16+s2], $0x80, v3, vm0, $0xb8;
	[tilespmem:$0x1E380] =	vst v63  }
0x1ad: {  	s6 =	simm.s32 $0x1DB80  }
0x1ae: {  	[tilespmem:s6], [sflag:$0x2] =	stream.indirect_vreg.gather [hbm4b:s15+s2], $0x80, v3, vm0, $0xb8;
	[tilespmem:$0x1E380] =	vst v63  }
0x1af: {  	_ =	swait.ge [sflag:s31], $0xF000  }
0x1b0: {  	[sflag:s31] =	ssyncset.done $0x0  }
0x1b1: {  	s6 =	rddreg [dreg:$0xd];
	[sflag:s31] =	ssyncadd.s32 $0xFFFF1000  }
0x1b2: {  	[hbm4b:s6+s2] =	stream.linear.scatter [tilespmem:s7], [sflag:$0x3], $0xF000, $0x38;
	[tilespmem:$0x1E380] =	vst v63  }
0x1b3: {  	_ =	swait.ge [sflag:s0], $0xF000  }
0x1b4: {  	[sflag:s0] =	ssyncset.done $0x0  }
0x1b5: {  	[sflag:s0] =	ssyncadd.s32 $0xFFFF1000  }
0x1b6: {  	v3 =	vld [tilespmem:$0x140];
	_ =	sdelay $0x4  }
0x1b7: {  	v34 =	vshrl.u32 v3, $0x3  }
0x1b8: {  	v4 =	vmul.u32 $0x30, v34  }
0x1b9: {  	v3 =	vand.u32 $0x7, v3  }
0x1ba: {  	v3 =	vor.u32 v3, v4  }
0x1bb: {  	v4 =	vperm.xlane v3, v0;
	_ =	sdelay $0x1  }
0x1bc: {  	v4 =	vadd.s32 v1, v4;
	_ =	sdelay $0x3  }
0x1bd: {  	v3 =	vperm.xlane v3, v2  }
0x1be: {  	[tilespmem:s7], [sflag:$0x1] =	stream.indirect_vreg.gather [hbm4b:s3+s2], $0x80, v4, vm0, $0xb8;
	[tilespmem:$0x1E380] =	vst v63  }
0x1bf: {  	s6 =	simm.s32 $0xB80;
	v3 =	vadd.s32 v1, v3  }
0x1c0: {  	[tilespmem:s6], [sflag:$0x1] =	stream.indirect_vreg.gather [hbm4b:s16+s2], $0x80, v4, vm0, $0xb8;
	[tilespmem:$0x1E380] =	vst v63  }
0x1c1: {  	s6 =	simm.s32 $0x1380  }
0x1c2: {  	[tilespmem:s6], [sflag:$0x1] =	stream.indirect_vreg.gather [hbm4b:s15+s2], $0x80, v4, vm0, $0xb8;
	[tilespmem:$0x1E380] =	vst v63  }
0x1c3: {  	s6 =	simm.s32 $0x1B80  }
0x1c4: {  	[tilespmem:s6], [sflag:$0x1] =	stream.indirect_vreg.gather [hbm4b:s3+s2], $0x80, v3, vm0, $0xb8;
	[tilespmem:$0x1E380] =	vst v63  }
0x1c5: {  	s6 =	simm.s32 $0x2380  }
0x1c6: {  	[tilespmem:s6], [sflag:$0x1] =	stream.indirect_vreg.gather [hbm4b:s16+s2], $0x80, v3, vm0, $0xb8;
	[tilespmem:$0x1E380] =	vst v63  }
0x1c7: {  	s6 =	simm.s32 $0x2B80  }
0x1c8: {  	[tilespmem:s6], [sflag:$0x1] =	stream.indirect_vreg.gather [hbm4b:s15+s2], $0x80, v3, vm0, $0xb8;
	[tilespmem:$0x1E380] =	vst v63  }
0x1c9: {  	v3 =	vld [tilespmem:$0x150];
	_ =	sdelay $0x4  }
0x1ca: {  	v35 =	vshrl.u32 v3, $0x3  }
0x1cb: {  	v4 =	vmul.u32 $0x30, v35  }
0x1cc: {  	v3 =	vand.u32 $0x7, v3  }
0x1cd: {  	v3 =	vor.u32 v3, v4  }
0x1ce: {  	v4 =	vperm.xlane v3, v0;
	_ =	sdelay $0x1  }
0x1cf: {  	v4 =	vadd.s32 v1, v4;
	_ =	sdelay $0x3  }
0x1d0: {  	s6 =	simm.s32 $0x3380;
	v3 =	vperm.xlane v3, v2  }
0x1d1: {  	[tilespmem:s6], [sflag:$0x1] =	stream.indirect_vreg.gather [hbm4b:s3+s2], $0x80, v4, vm0, $0xb8;
	[tilespmem:$0x1E380] =	vst v63  }
0x1d2: {  	v3 =	vadd.s32 v1, v3;
	s6 =	simm.s32 $0x3B80  }
0x1d3: {  	[tilespmem:s6], [sflag:$0x1] =	stream.indirect_vreg.gather [hbm4b:s16+s2], $0x80, v4, vm0, $0xb8;
	[tilespmem:$0x1E380] =	vst v63  }
0x1d4: {  	s6 =	simm.s32 $0x4380  }
0x1d5: {  	[tilespmem:s6], [sflag:$0x1] =	stream.indirect_vreg.gather [hbm4b:s15+s2], $0x80, v4, vm0, $0xb8;
	[tilespmem:$0x1E380] =	vst v63  }
0x1d6: {  	s6 =	simm.s32 $0x4B80  }
0x1d7: {  	[tilespmem:s6], [sflag:$0x1] =	stream.indirect_vreg.gather [hbm4b:s3+s2], $0x80, v3, vm0, $0xb8;
	[tilespmem:$0x1E380] =	vst v63  }
0x1d8: {  	s6 =	simm.s32 $0x5380  }
0x1d9: {  	[tilespmem:s6], [sflag:$0x1] =	stream.indirect_vreg.gather [hbm4b:s16+s2], $0x80, v3, vm0, $0xb8;
	[tilespmem:$0x1E380] =	vst v63  }
0x1da: {  	s6 =	simm.s32 $0x5B80  }
0x1db: {  	[tilespmem:s6], [sflag:$0x1] =	stream.indirect_vreg.gather [hbm4b:s15+s2], $0x80, v3, vm0, $0xb8;
	[tilespmem:$0x1E380] =	vst v63  }
0x1dc: {  	v3 =	vld [tilespmem:$0x160];
	_ =	sdelay $0x4  }
0x1dd: {  	v36 =	vshrl.u32 v3, $0x3  }
0x1de: {  	v4 =	vmul.u32 $0x30, v36  }
0x1df: {  	v3 =	vand.u32 $0x7, v3  }
0x1e0: {  	v3 =	vor.u32 v3, v4  }
0x1e1: {  	v4 =	vperm.xlane v3, v0;
	_ =	sdelay $0x1  }
0x1e2: {  	v4 =	vadd.s32 v1, v4;
	_ =	sdelay $0x3  }
0x1e3: {  	s6 =	simm.s32 $0x6380;
	v3 =	vperm.xlane v3, v2  }
0x1e4: {  	[tilespmem:s6], [sflag:$0x1] =	stream.indirect_vreg.gather [hbm4b:s3+s2], $0x80, v4, vm0, $0xb8;
	[tilespmem:$0x1E380] =	vst v63  }
0x1e5: {  	v3 =	vadd.s32 v1, v3;
	s6 =	simm.s32 $0x6B80  }
0x1e6: {  	[tilespmem:s6], [sflag:$0x1] =	stream.indirect_vreg.gather [hbm4b:s16+s2], $0x80, v4, vm0, $0xb8;
	[tilespmem:$0x1E380] =	vst v63  }
0x1e7: {  	s6 =	simm.s32 $0x7380  }
0x1e8: {  	[tilespmem:s6], [sflag:$0x1] =	stream.indirect_vreg.gather [hbm4b:s15+s2], $0x80, v4, vm0, $0xb8;
	[tilespmem:$0x1E380] =	vst v63  }
0x1e9: {  	s6 =	simm.s32 $0x7B80  }
0x1ea: {  	[tilespmem:s6], [sflag:$0x1] =	stream.indirect_vreg.gather [hbm4b:s3+s2], $0x80, v3, vm0, $0xb8;
	[tilespmem:$0x1E380] =	vst v63  }
0x1eb: {  	s6 =	simm.s32 $0x8380  }
0x1ec: {  	[tilespmem:s6], [sflag:$0x1] =	stream.indirect_vreg.gather [hbm4b:s16+s2], $0x80, v3, vm0, $0xb8;
	[tilespmem:$0x1E380] =	vst v63  }
0x1ed: {  	s6 =	simm.s32 $0x8B80  }
0x1ee: {  	[tilespmem:s6], [sflag:$0x1] =	stream.indirect_vreg.gather [hbm4b:s15+s2], $0x80, v3, vm0, $0xb8;
	[tilespmem:$0x1E380] =	vst v63  }
0x1ef: {  	v3 =	vld [tilespmem:$0x170];
	_ =	sdelay $0x4  }
0x1f0: {  	v37 =	vshrl.u32 v3, $0x3  }
0x1f1: {  	v4 =	vmul.u32 $0x30, v37  }
0x1f2: {  	v3 =	vand.u32 $0x7, v3  }
0x1f3: {  	v3 =	vor.u32 v3, v4  }
0x1f4: {  	v4 =	vperm.xlane v3, v0;
	_ =	sdelay $0x1  }
0x1f5: {  	v4 =	vadd.s32 v1, v4;
	_ =	sdelay $0x3  }
0x1f6: {  	s6 =	simm.s32 $0x9380;
	v3 =	vperm.xlane v3, v2  }
0x1f7: {  	[tilespmem:s6], [sflag:$0x1] =	stream.indirect_vreg.gather [hbm4b:s3+s2], $0x80, v4, vm0, $0xb8;
	[tilespmem:$0x1E380] =	vst v63  }
0x1f8: {  	v3 =	vadd.s32 v1, v3;
	s6 =	simm.s32 $0x9B80  }
0x1f9: {  	[tilespmem:s6], [sflag:$0x1] =	stream.indirect_vreg.gather [hbm4b:s16+s2], $0x80, v4, vm0, $0xb8;
	[tilespmem:$0x1E380] =	vst v63  }
0x1fa: {  	s6 =	simm.s32 $0xA380  }
0x1fb: {  	[tilespmem:s6], [sflag:$0x1] =	stream.indirect_vreg.gather [hbm4b:s15+s2], $0x80, v4, vm0, $0xb8;
	[tilespmem:$0x1E380] =	vst v63  }
0x1fc: {  	s6 =	simm.s32 $0xAB80  }
0x1fd: {  	[tilespmem:s6], [sflag:$0x1] =	stream.indirect_vreg.gather [hbm4b:s3+s2], $0x80, v3, vm0, $0xb8;
	[tilespmem:$0x1E380] =	vst v63  }
0x1fe: {  	s6 =	simm.s32 $0xB380  }
0x1ff: {  	[tilespmem:s6], [sflag:$0x1] =	stream.indirect_vreg.gather [hbm4b:s16+s2], $0x80, v3, vm0, $0xb8;
	[tilespmem:$0x1E380] =	vst v63  }
0x200: {  	s6 =	simm.s32 $0xBB80  }
0x201: {  	[tilespmem:s6], [sflag:$0x1] =	stream.indirect_vreg.gather [hbm4b:s15+s2], $0x80, v3, vm0, $0xb8;
	[tilespmem:$0x1E380] =	vst v63  }
0x202: {  	v3 =	vld [tilespmem:$0x180];
	_ =	sdelay $0x4  }
0x203: {  	v38 =	vshrl.u32 v3, $0x3  }
0x204: {  	v4 =	vmul.u32 $0x30, v38  }
0x205: {  	v3 =	vand.u32 $0x7, v3  }
0x206: {  	v3 =	vor.u32 v3, v4  }
0x207: {  	v4 =	vperm.xlane v3, v0;
	_ =	sdelay $0x1  }
0x208: {  	v4 =	vadd.s32 v1, v4;
	_ =	sdelay $0x3  }
0x209: {  	s6 =	simm.s32 $0xC380;
	v3 =	vperm.xlane v3, v2  }
0x20a: {  	[tilespmem:s6], [sflag:$0x1] =	stream.indirect_vreg.gather [hbm4b:s3+s2], $0x80, v4, vm0, $0xb8;
	[tilespmem:$0x1E380] =	vst v63  }
0x20b: {  	v3 =	vadd.s32 v1, v3;
	s6 =	simm.s32 $0xCB80  }
0x20c: {  	[tilespmem:s6], [sflag:$0x1] =	stream.indirect_vreg.gather [hbm4b:s16+s2], $0x80, v4, vm0, $0xb8;
	[tilespmem:$0x1E380] =	vst v63  }
0x20d: {  	s6 =	simm.s32 $0xD380  }
0x20e: {  	[tilespmem:s6], [sflag:$0x1] =	stream.indirect_vreg.gather [hbm4b:s15+s2], $0x80, v4, vm0, $0xb8;
	[tilespmem:$0x1E380] =	vst v63  }
0x20f: {  	s6 =	simm.s32 $0xDB80  }
0x210: {  	[tilespmem:s6], [sflag:$0x1] =	stream.indirect_vreg.gather [hbm4b:s3+s2], $0x80, v3, vm0, $0xb8;
	[tilespmem:$0x1E380] =	vst v63  }
0x211: {  	s6 =	simm.s32 $0xE380  }
0x212: {  	[tilespmem:s6], [sflag:$0x1] =	stream.indirect_vreg.gather [hbm4b:s16+s2], $0x80, v3, vm0, $0xb8;
	[tilespmem:$0x1E380] =	vst v63  }
0x213: {  	s6 =	simm.s32 $0xEB80  }
0x214: {  	[tilespmem:s6], [sflag:$0x1] =	stream.indirect_vreg.gather [hbm4b:s15+s2], $0x80, v3, vm0, $0xb8;
	[tilespmem:$0x1E380] =	vst v63  }
0x215: {  	_ =	swait.ge [sflag:s1], $0xF000  }
0x216: {  	[sflag:s1] =	ssyncset.done $0x0  }
0x217: {  	s6 =	rddreg [dreg:$0xc];
	[sflag:s1] =	ssyncadd.s32 $0xFFFF1000  }
0x218: {  	[hbm4b:s6+s2] =	stream.linear.scatter [tilespmem:s24], [sflag:$0x4], $0xF000, $0x38;
	[tilespmem:$0x1E380] =	vst v63  }
0x219: {  	_ =	swait.ge [sflag:s5], $0xF000  }
0x21a: {  	[sflag:s5] =	ssyncset.done $0x0  }
0x21b: {  	[sflag:s5] =	ssyncadd.s32 $0xFFFF1000  }
0x21c: {  	v3 =	vld [tilespmem:$0x190];
	_ =	sdelay $0x4  }
0x21d: {  	v39 =	vshrl.u32 v3, $0x3  }
0x21e: {  	v4 =	vmul.u32 $0x30, v39  }
0x21f: {  	v3 =	vand.u32 $0x7, v3  }
0x220: {  	v3 =	vor.u32 v3, v4  }
0x221: {  	v4 =	vperm.xlane v3, v0;
	_ =	sdelay $0x1  }
0x222: {  	v4 =	vadd.s32 v1, v4;
	_ =	sdelay $0x3  }
0x223: {  	v3 =	vperm.xlane v3, v2  }
0x224: {  	[tilespmem:s24], [sflag:$0x2] =	stream.indirect_vreg.gather [hbm4b:s3+s2], $0x80, v4, vm0, $0xb8;
	[tilespmem:$0x1E380] =	vst v63  }
0x225: {  	s8 =	simm.s32 $0xFB80;
	v3 =	vadd.s32 v1, v3  }
0x226: {  	[tilespmem:s8], [sflag:$0x2] =	stream.indirect_vreg.gather [hbm4b:s16+s2], $0x80, v4, vm0, $0xb8;
	[tilespmem:$0x1E380] =	vst v63  }
0x227: {  	s9 =	simm.s32 $0x10380  }
0x228: {  	[tilespmem:s9], [sflag:$0x2] =	stream.indirect_vreg.gather [hbm4b:s15+s2], $0x80, v4, vm0, $0xb8;
	[tilespmem:$0x1E380] =	vst v63  }
0x229: {  	s10 =	simm.s32 $0x10B80  }
0x22a: {  	[tilespmem:s10], [sflag:$0x2] =	stream.indirect_vreg.gather [hbm4b:s3+s2], $0x80, v3, vm0, $0xb8;
	[tilespmem:$0x1E380] =	vst v63  }
0x22b: {  	s11 =	simm.s32 $0x11380  }
0x22c: {  	[tilespmem:s11], [sflag:$0x2] =	stream.indirect_vreg.gather [hbm4b:s16+s2], $0x80, v3, vm0, $0xb8;
	[tilespmem:$0x1E380] =	vst v63  }
0x22d: {  	s10 =	simm.s32 $0x11B80  }
0x22e: {  	[tilespmem:s10], [sflag:$0x2] =	stream.indirect_vreg.gather [hbm4b:s15+s2], $0x80, v3, vm0, $0xb8;
	[tilespmem:$0x1E380] =	vst v63  }
0x22f: {  	v3 =	vld [tilespmem:$0x1A0];
	_ =	sdelay $0x4  }
0x230: {  	v40 =	vshrl.u32 v3, $0x3  }
0x231: {  	v4 =	vmul.u32 $0x30, v40  }
0x232: {  	v3 =	vand.u32 $0x7, v3  }
0x233: {  	v3 =	vor.u32 v3, v4  }
0x234: {  	v4 =	vperm.xlane v3, v0;
	_ =	sdelay $0x1  }
0x235: {  	v4 =	vadd.s32 v1, v4;
	_ =	sdelay $0x3  }
0x236: {  	s11 =	simm.s32 $0x12380;
	v3 =	vperm.xlane v3, v2  }
0x237: {  	[tilespmem:s11], [sflag:$0x2] =	stream.indirect_vreg.gather [hbm4b:s3+s2], $0x80, v4, vm0, $0xb8;
	[tilespmem:$0x1E380] =	vst v63  }
0x238: {  	s12 =	simm.s32 $0x12B80;
	v3 =	vadd.s32 v1, v3  }
0x239: {  	[tilespmem:s12], [sflag:$0x2] =	stream.indirect_vreg.gather [hbm4b:s16+s2], $0x80, v4, vm0, $0xb8;
	[tilespmem:$0x1E380] =	vst v63  }
0x23a: {  	s13 =	simm.s32 $0x13380  }
0x23b: {  	[tilespmem:s13], [sflag:$0x2] =	stream.indirect_vreg.gather [hbm4b:s15+s2], $0x80, v4, vm0, $0xb8;
	[tilespmem:$0x1E380] =	vst v63  }
0x23c: {  	s14 =	simm.s32 $0x13B80  }
0x23d: {  	[tilespmem:s14], [sflag:$0x2] =	stream.indirect_vreg.gather [hbm4b:s3+s2], $0x80, v3, vm0, $0xb8;
	[tilespmem:$0x1E380] =	vst v63  }
0x23e: {  	s17 =	simm.s32 $0x14380  }
0x23f: {  	[tilespmem:s17], [sflag:$0x2] =	stream.indirect_vreg.gather [hbm4b:s16+s2], $0x80, v3, vm0, $0xb8;
	[tilespmem:$0x1E380] =	vst v63  }
0x240: {  	s14 =	simm.s32 $0x14B80  }
0x241: {  	[tilespmem:s14], [sflag:$0x2] =	stream.indirect_vreg.gather [hbm4b:s15+s2], $0x80, v3, vm0, $0xb8;
	[tilespmem:$0x1E380] =	vst v63  }
0x242: {  	v3 =	vld [tilespmem:$0x1B0];
	_ =	sdelay $0x4  }
0x243: {  	v41 =	vshrl.u32 v3, $0x3  }
0x244: {  	v4 =	vmul.u32 $0x30, v41  }
0x245: {  	v3 =	vand.u32 $0x7, v3  }
0x246: {  	v3 =	vor.u32 v3, v4  }
0x247: {  	v4 =	vperm.xlane v3, v0;
	_ =	sdelay $0x1  }
0x248: {  	v4 =	vadd.s32 v1, v4;
	_ =	sdelay $0x3  }
0x249: {  	s17 =	simm.s32 $0x15380;
	v3 =	vperm.xlane v3, v2  }
0x24a: {  	[tilespmem:s17], [sflag:$0x2] =	stream.indirect_vreg.gather [hbm4b:s3+s2], $0x80, v4, vm0, $0xb8;
	[tilespmem:$0x1E380] =	vst v63  }
0x24b: {  	s18 =	simm.s32 $0x15B80;
	v3 =	vadd.s32 v1, v3  }
0x24c: {  	[tilespmem:s18], [sflag:$0x2] =	stream.indirect_vreg.gather [hbm4b:s16+s2], $0x80, v4, vm0, $0xb8;
	[tilespmem:$0x1E380] =	vst v63  }
0x24d: {  	s19 =	simm.s32 $0x16380  }
0x24e: {  	[tilespmem:s19], [sflag:$0x2] =	stream.indirect_vreg.gather [hbm4b:s15+s2], $0x80, v4, vm0, $0xb8;
	[tilespmem:$0x1E380] =	vst v63  }
0x24f: {  	s20 =	simm.s32 $0x16B80  }
0x250: {  	[tilespmem:s20], [sflag:$0x2] =	stream.indirect_vreg.gather [hbm4b:s3+s2], $0x80, v3, vm0, $0xb8;
	[tilespmem:$0x1E380] =	vst v63  }
0x251: {  	s21 =	simm.s32 $0x17380  }
0x252: {  	[tilespmem:s21], [sflag:$0x2] =	stream.indirect_vreg.gather [hbm4b:s16+s2], $0x80, v3, vm0, $0xb8;
	[tilespmem:$0x1E380] =	vst v63  }
0x253: {  	s8 =	simm.s32 $0x17B80  }
0x254: {  	[tilespmem:s8], [sflag:$0x2] =	stream.indirect_vreg.gather [hbm4b:s15+s2], $0x80, v3, vm0, $0xb8;
	[tilespmem:$0x1E380] =	vst v63  }
0x255: {  	v3 =	vld [tilespmem:$0x1C0];
	_ =	sdelay $0x4  }
0x256: {  	v42 =	vshrl.u32 v3, $0x3  }
0x257: {  	v4 =	vmul.u32 $0x30, v42  }
0x258: {  	v3 =	vand.u32 $0x7, v3  }
0x259: {  	v3 =	vor.u32 v3, v4  }
0x25a: {  	v4 =	vperm.xlane v3, v0;
	_ =	sdelay $0x1  }
0x25b: {  	v4 =	vadd.s32 v1, v4;
	_ =	sdelay $0x3  }
0x25c: {  	s9 =	simm.s32 $0x18380;
	v3 =	vperm.xlane v3, v2  }
0x25d: {  	[tilespmem:s9], [sflag:$0x2] =	stream.indirect_vreg.gather [hbm4b:s3+s2], $0x80, v4, vm0, $0xb8;
	[tilespmem:$0x1E380] =	vst v63  }
0x25e: {  	s22 =	simm.s32 $0x18B80;
	v3 =	vadd.s32 v1, v3  }
0x25f: {  	[tilespmem:s22], [sflag:$0x2] =	stream.indirect_vreg.gather [hbm4b:s16+s2], $0x80, v4, vm0, $0xb8;
	[tilespmem:$0x1E380] =	vst v63  }
0x260: {  	s23 =	simm.s32 $0x19380  }
0x261: {  	[tilespmem:s23], [sflag:$0x2] =	stream.indirect_vreg.gather [hbm4b:s15+s2], $0x80, v4, vm0, $0xb8;
	[tilespmem:$0x1E380] =	vst v63  }
0x262: {  	s25 =	simm.s32 $0x19B80  }
0x263: {  	[tilespmem:s25], [sflag:$0x2] =	stream.indirect_vreg.gather [hbm4b:s3+s2], $0x80, v3, vm0, $0xb8;
	[tilespmem:$0x1E380] =	vst v63  }
0x264: {  	s26 =	simm.s32 $0x1A380  }
0x265: {  	[tilespmem:s26], [sflag:$0x2] =	stream.indirect_vreg.gather [hbm4b:s16+s2], $0x80, v3, vm0, $0xb8;
	[tilespmem:$0x1E380] =	vst v63  }
0x266: {  	s10 =	simm.s32 $0x1AB80  }
0x267: {  	[tilespmem:s10], [sflag:$0x2] =	stream.indirect_vreg.gather [hbm4b:s15+s2], $0x80, v3, vm0, $0xb8;
	[tilespmem:$0x1E380] =	vst v63  }
0x268: {  	v3 =	vld [tilespmem:$0x1D0];
	_ =	sdelay $0x4  }
0x269: {  	v43 =	vshrl.u32 v3, $0x3  }
0x26a: {  	v4 =	vmul.u32 $0x30, v43  }
0x26b: {  	v3 =	vand.u32 $0x7, v3  }
0x26c: {  	v3 =	vor.u32 v3, v4  }
0x26d: {  	v4 =	vperm.xlane v3, v0;
	_ =	sdelay $0x1  }
0x26e: {  	v4 =	vadd.s32 v1, v4;
	_ =	sdelay $0x3  }
0x26f: {  	s11 =	simm.s32 $0x1B380;
	v3 =	vperm.xlane v3, v2  }
0x270: {  	[tilespmem:s11], [sflag:$0x2] =	stream.indirect_vreg.gather [hbm4b:s3+s2], $0x80, v4, vm0, $0xb8;
	[tilespmem:$0x1E380] =	vst v63  }
0x271: {  	s28 =	simm.s32 $0x1BB80;
	v3 =	vadd.s32 v1, v3  }
0x272: {  	[tilespmem:s28], [sflag:$0x2] =	stream.indirect_vreg.gather [hbm4b:s16+s2], $0x80, v4, vm0, $0xb8;
	[tilespmem:$0x1E380] =	vst v63  }
0x273: {  	s29 =	simm.s32 $0x1C380  }
0x274: {  	[tilespmem:s29], [sflag:$0x2] =	stream.indirect_vreg.gather [hbm4b:s15+s2], $0x80, v4, vm0, $0xb8;
	[tilespmem:$0x1E380] =	vst v63  }
0x275: {  	s30 =	simm.s32 $0x1CB80  }
0x276: {  	[tilespmem:s30], [sflag:$0x2] =	stream.indirect_vreg.gather [hbm4b:s3+s2], $0x80, v3, vm0, $0xb8;
	[tilespmem:$0x1E380] =	vst v63  }
0x277: {  	s12 =	simm.s32 $0x1D380  }
0x278: {  	[tilespmem:s12], [sflag:$0x2] =	stream.indirect_vreg.gather [hbm4b:s16+s2], $0x80, v3, vm0, $0xb8;
	[tilespmem:$0x1E380] =	vst v63  }
0x279: {  	s13 =	simm.s32 $0x1DB80  }
0x27a: {  	[tilespmem:s13], [sflag:$0x2] =	stream.indirect_vreg.gather [hbm4b:s15+s2], $0x80, v3, vm0, $0xb8;
	[tilespmem:$0x1E380] =	vst v63  }
0x27b: {  	_ =	swait.ge [sflag:s31], $0xF000  }
0x27c: {  	[sflag:s31] =	ssyncset.done $0x0  }
0x27d: {  	s14 =	rddreg [dreg:$0xb];
	[sflag:s31] =	ssyncadd.s32 $0xFFFF1000  }
0x27e: {  	[hbm4b:s14+s2] =	stream.linear.scatter [tilespmem:s7], [sflag:$0x3], $0xF000, $0x38;
	[tilespmem:$0x1E380] =	vst v63  }
0x27f: {  	_ =	swait.ge [sflag:s0], $0xF000  }
0x280: {  	[sflag:s0] =	ssyncset.done $0x0  }
0x281: {  	[sflag:s0] =	ssyncadd.s32 $0xFFFF1000  }
0x282: {  	v3 =	vld [tilespmem:$0x1E0];
	_ =	sdelay $0x4  }
0x283: {  	v44 =	vshrl.u32 v3, $0x3  }
0x284: {  	v4 =	vmul.u32 $0x30, v44  }
0x285: {  	v3 =	vand.u32 $0x7, v3  }
0x286: {  	v3 =	vor.u32 v3, v4  }
0x287: {  	v4 =	vperm.xlane v3, v0;
	_ =	sdelay $0x1  }
0x288: {  	v4 =	vadd.s32 v1, v4;
	_ =	sdelay $0x3  }
0x289: {  	v3 =	vperm.xlane v3, v2  }
0x28a: {  	[tilespmem:s7], [sflag:$0x1] =	stream.indirect_vreg.gather [hbm4b:s3+s2], $0x80, v4, vm0, $0xb8;
	[tilespmem:$0x1E380] =	vst v63  }
0x28b: {  	s17 =	simm.s32 $0xB80;
	v3 =	vadd.s32 v1, v3  }
0x28c: {  	[tilespmem:s17], [sflag:$0x1] =	stream.indirect_vreg.gather [hbm4b:s16+s2], $0x80, v4, vm0, $0xb8;
	[tilespmem:$0x1E380] =	vst v63  }
0x28d: {  	s18 =	simm.s32 $0x1380  }
0x28e: {  	[tilespmem:s18], [sflag:$0x1] =	stream.indirect_vreg.gather [hbm4b:s15+s2], $0x80, v4, vm0, $0xb8;
	[tilespmem:$0x1E380] =	vst v63  }
0x28f: {  	s19 =	simm.s32 $0x1B80  }
0x290: {  	[tilespmem:s19], [sflag:$0x1] =	stream.indirect_vreg.gather [hbm4b:s3+s2], $0x80, v3, vm0, $0xb8;
	[tilespmem:$0x1E380] =	vst v63  }
0x291: {  	s20 =	simm.s32 $0x2380  }
0x292: {  	[tilespmem:s20], [sflag:$0x1] =	stream.indirect_vreg.gather [hbm4b:s16+s2], $0x80, v3, vm0, $0xb8;
	[tilespmem:$0x1E380] =	vst v63  }
0x293: {  	s21 =	simm.s32 $0x2B80  }
0x294: {  	[tilespmem:s21], [sflag:$0x1] =	stream.indirect_vreg.gather [hbm4b:s15+s2], $0x80, v3, vm0, $0xb8;
	[tilespmem:$0x1E380] =	vst v63  }
0x295: {  	v3 =	vld [tilespmem:$0x1F0];
	_ =	sdelay $0x4  }
0x296: {  	v45 =	vshrl.u32 v3, $0x3  }
0x297: {  	v4 =	vmul.u32 $0x30, v45  }
0x298: {  	v3 =	vand.u32 $0x7, v3  }
0x299: {  	v3 =	vor.u32 v3, v4  }
0x29a: {  	v4 =	vperm.xlane v3, v0;
	_ =	sdelay $0x1  }
0x29b: {  	v4 =	vadd.s32 v1, v4;
	_ =	sdelay $0x3  }
0x29c: {  	s22 =	simm.s32 $0x3380;
	v3 =	vperm.xlane v3, v2  }
0x29d: {  	[tilespmem:s22], [sflag:$0x1] =	stream.indirect_vreg.gather [hbm4b:s3+s2], $0x80, v4, vm0, $0xb8;
	[tilespmem:$0x1E380] =	vst v63  }
0x29e: {  	s23 =	simm.s32 $0x3B80;
	v3 =	vadd.s32 v1, v3  }
0x29f: {  	[tilespmem:s23], [sflag:$0x1] =	stream.indirect_vreg.gather [hbm4b:s16+s2], $0x80, v4, vm0, $0xb8;
	[tilespmem:$0x1E380] =	vst v63  }
0x2a0: {  	s25 =	simm.s32 $0x4380  }
0x2a1: {  	[tilespmem:s25], [sflag:$0x1] =	stream.indirect_vreg.gather [hbm4b:s15+s2], $0x80, v4, vm0, $0xb8;
	[tilespmem:$0x1E380] =	vst v63  }
0x2a2: {  	s26 =	simm.s32 $0x4B80  }
0x2a3: {  	[tilespmem:s26], [sflag:$0x1] =	stream.indirect_vreg.gather [hbm4b:s3+s2], $0x80, v3, vm0, $0xb8;
	[tilespmem:$0x1E380] =	vst v63  }
0x2a4: {  	s28 =	simm.s32 $0x5380  }
0x2a5: {  	[tilespmem:s28], [sflag:$0x1] =	stream.indirect_vreg.gather [hbm4b:s16+s2], $0x80, v3, vm0, $0xb8;
	[tilespmem:$0x1E380] =	vst v63  }
0x2a6: {  	s29 =	simm.s32 $0x5B80  }
0x2a7: {  	[tilespmem:s29], [sflag:$0x1] =	stream.indirect_vreg.gather [hbm4b:s15+s2], $0x80, v3, vm0, $0xb8;
	[tilespmem:$0x1E380] =	vst v63  }
0x2a8: {  	v3 =	vld [tilespmem:$0x200];
	_ =	sdelay $0x4  }
0x2a9: {  	v46 =	vshrl.u32 v3, $0x3  }
0x2aa: {  	v4 =	vmul.u32 $0x30, v46  }
0x2ab: {  	v3 =	vand.u32 $0x7, v3  }
0x2ac: {  	v3 =	vor.u32 v3, v4  }
0x2ad: {  	v4 =	vperm.xlane v3, v0;
	_ =	sdelay $0x1  }
0x2ae: {  	v4 =	vadd.s32 v1, v4;
	_ =	sdelay $0x3  }
0x2af: {  	s30 =	simm.s32 $0x6380;
	v3 =	vperm.xlane v3, v2  }
0x2b0: {  	[tilespmem:s30], [sflag:$0x1] =	stream.indirect_vreg.gather [hbm4b:s3+s2], $0x80, v4, vm0, $0xb8;
	[tilespmem:$0x1E380] =	vst v63  }
0x2b1: {  	s9 =	simm.s32 $0x6B80;
	v3 =	vadd.s32 v1, v3  }
0x2b2: {  	[tilespmem:s9], [sflag:$0x1] =	stream.indirect_vreg.gather [hbm4b:s16+s2], $0x80, v4, vm0, $0xb8;
	[tilespmem:$0x1E380] =	vst v63  }
0x2b3: {  	s10 =	simm.s32 $0x7380  }
0x2b4: {  	[tilespmem:s10], [sflag:$0x1] =	stream.indirect_vreg.gather [hbm4b:s15+s2], $0x80, v4, vm0, $0xb8;
	[tilespmem:$0x1E380] =	vst v63  }
0x2b5: {  	s11 =	simm.s32 $0x7B80  }
0x2b6: {  	[tilespmem:s11], [sflag:$0x1] =	stream.indirect_vreg.gather [hbm4b:s3+s2], $0x80, v3, vm0, $0xb8;
	[tilespmem:$0x1E380] =	vst v63  }
0x2b7: {  	s12 =	simm.s32 $0x8380  }
0x2b8: {  	[tilespmem:s12], [sflag:$0x1] =	stream.indirect_vreg.gather [hbm4b:s16+s2], $0x80, v3, vm0, $0xb8;
	[tilespmem:$0x1E380] =	vst v63  }
0x2b9: {  	s13 =	simm.s32 $0x8B80  }
0x2ba: {  	[tilespmem:s13], [sflag:$0x1] =	stream.indirect_vreg.gather [hbm4b:s15+s2], $0x80, v3, vm0, $0xb8;
	[tilespmem:$0x1E380] =	vst v63  }
0x2bb: {  	v3 =	vld [tilespmem:$0x210];
	_ =	sdelay $0x4  }
0x2bc: {  	v47 =	vshrl.u32 v3, $0x3  }
0x2bd: {  	v4 =	vmul.u32 $0x30, v47  }
0x2be: {  	v3 =	vand.u32 $0x7, v3  }
0x2bf: {  	v3 =	vor.u32 v3, v4  }
0x2c0: {  	v4 =	vperm.xlane v3, v0;
	_ =	sdelay $0x1  }
0x2c1: {  	v4 =	vadd.s32 v1, v4;
	_ =	sdelay $0x3  }
0x2c2: {  	s14 =	simm.s32 $0x9380;
	v3 =	vperm.xlane v3, v2  }
0x2c3: {  	[tilespmem:s14], [sflag:$0x1] =	stream.indirect_vreg.gather [hbm4b:s3+s2], $0x80, v4, vm0, $0xb8;
	[tilespmem:$0x1E380] =	vst v63  }
0x2c4: {  	s17 =	simm.s32 $0x9B80;
	v3 =	vadd.s32 v1, v3  }
0x2c5: {  	[tilespmem:s17], [sflag:$0x1] =	stream.indirect_vreg.gather [hbm4b:s16+s2], $0x80, v4, vm0, $0xb8;
	[tilespmem:$0x1E380] =	vst v63  }
0x2c6: {  	s18 =	simm.s32 $0xA380  }
0x2c7: {  	[tilespmem:s18], [sflag:$0x1] =	stream.indirect_vreg.gather [hbm4b:s15+s2], $0x80, v4, vm0, $0xb8;
	[tilespmem:$0x1E380] =	vst v63  }
0x2c8: {  	s19 =	simm.s32 $0xAB80  }
0x2c9: {  	[tilespmem:s19], [sflag:$0x1] =	stream.indirect_vreg.gather [hbm4b:s3+s2], $0x80, v3, vm0, $0xb8;
	[tilespmem:$0x1E380] =	vst v63  }
0x2ca: {  	s20 =	simm.s32 $0xB380  }
0x2cb: {  	[tilespmem:s20], [sflag:$0x1] =	stream.indirect_vreg.gather [hbm4b:s16+s2], $0x80, v3, vm0, $0xb8;
	[tilespmem:$0x1E380] =	vst v63  }
0x2cc: {  	s21 =	simm.s32 $0xBB80  }
0x2cd: {  	[tilespmem:s21], [sflag:$0x1] =	stream.indirect_vreg.gather [hbm4b:s15+s2], $0x80, v3, vm0, $0xb8;
	[tilespmem:$0x1E380] =	vst v63  }
0x2ce: {  	v3 =	vld [tilespmem:$0x220];
	_ =	sdelay $0x4  }
0x2cf: {  	v48 =	vshrl.u32 v3, $0x3  }
0x2d0: {  	v4 =	vmul.u32 $0x30, v48  }
0x2d1: {  	v3 =	vand.u32 $0x7, v3  }
0x2d2: {  	v3 =	vor.u32 v3, v4  }
0x2d3: {  	v4 =	vperm.xlane v3, v0;
	_ =	sdelay $0x1  }
0x2d4: {  	v4 =	vadd.s32 v1, v4;
	_ =	sdelay $0x3  }
0x2d5: {  	s22 =	simm.s32 $0xC380;
	v3 =	vperm.xlane v3, v2  }
0x2d6: {  	[tilespmem:s22], [sflag:$0x1] =	stream.indirect_vreg.gather [hbm4b:s3+s2], $0x80, v4, vm0, $0xb8;
	[tilespmem:$0x1E380] =	vst v63  }
0x2d7: {  	s23 =	simm.s32 $0xCB80;
	v3 =	vadd.s32 v1, v3  }
0x2d8: {  	[tilespmem:s23], [sflag:$0x1] =	stream.indirect_vreg.gather [hbm4b:s16+s2], $0x80, v4, vm0, $0xb8;
	[tilespmem:$0x1E380] =	vst v63  }
0x2d9: {  	s25 =	simm.s32 $0xD380  }
0x2da: {  	[tilespmem:s25], [sflag:$0x1] =	stream.indirect_vreg.gather [hbm4b:s15+s2], $0x80, v4, vm0, $0xb8;
	[tilespmem:$0x1E380] =	vst v63  }
0x2db: {  	s26 =	simm.s32 $0xDB80  }
0x2dc: {  	[tilespmem:s26], [sflag:$0x1] =	stream.indirect_vreg.gather [hbm4b:s3+s2], $0x80, v3, vm0, $0xb8;
	[tilespmem:$0x1E380] =	vst v63  }
0x2dd: {  	s28 =	simm.s32 $0xE380  }
0x2de: {  	[tilespmem:s28], [sflag:$0x1] =	stream.indirect_vreg.gather [hbm4b:s16+s2], $0x80, v3, vm0, $0xb8;
	[tilespmem:$0x1E380] =	vst v63  }
0x2df: {  	s29 =	simm.s32 $0xEB80  }
0x2e0: {  	[tilespmem:s29], [sflag:$0x1] =	stream.indirect_vreg.gather [hbm4b:s15+s2], $0x80, v3, vm0, $0xb8;
	[tilespmem:$0x1E380] =	vst v63  }
0x2e1: {  	_ =	swait.ge [sflag:s1], $0xF000  }
0x2e2: {  	[sflag:s1] =	ssyncset.done $0x0  }
0x2e3: {  	s30 =	rddreg [dreg:$0xa];
	[sflag:s1] =	ssyncadd.s32 $0xFFFF1000  }
0x2e4: {  	[hbm4b:s30+s2] =	stream.linear.scatter [tilespmem:s24], [sflag:$0x4], $0xF000, $0x38;
	[tilespmem:$0x1E380] =	vst v63  }
0x2e5: {  	_ =	swait.ge [sflag:s5], $0xF000  }
0x2e6: {  	[sflag:s5] =	ssyncset.done $0x0  }
0x2e7: {  	[sflag:s5] =	ssyncadd.s32 $0xFFFF1000  }
0x2e8: {  	v3 =	vld [tilespmem:$0x230];
	_ =	sdelay $0x4  }
0x2e9: {  	v49 =	vshrl.u32 v3, $0x3  }
0x2ea: {  	v4 =	vmul.u32 $0x30, v49  }
0x2eb: {  	v3 =	vand.u32 $0x7, v3  }
0x2ec: {  	v3 =	vor.u32 v3, v4  }
0x2ed: {  	v4 =	vperm.xlane v3, v0;
	_ =	sdelay $0x1  }
0x2ee: {  	v4 =	vadd.s32 v1, v4;
	_ =	sdelay $0x3  }
0x2ef: {  	v3 =	vperm.xlane v3, v2  }
0x2f0: {  	[tilespmem:s24], [sflag:$0x2] =	stream.indirect_vreg.gather [hbm4b:s3+s2], $0x80, v4, vm0, $0xb8;
	[tilespmem:$0x1E380] =	vst v63  }
0x2f1: {  	s9 =	simm.s32 $0xFB80;
	v3 =	vadd.s32 v1, v3  }
0x2f2: {  	[tilespmem:s9], [sflag:$0x2] =	stream.indirect_vreg.gather [hbm4b:s16+s2], $0x80, v4, vm0, $0xb8;
	[tilespmem:$0x1E380] =	vst v63  }
0x2f3: {  	s10 =	simm.s32 $0x10380  }
0x2f4: {  	[tilespmem:s10], [sflag:$0x2] =	stream.indirect_vreg.gather [hbm4b:s15+s2], $0x80, v4, vm0, $0xb8;
	[tilespmem:$0x1E380] =	vst v63  }
0x2f5: {  	s11 =	simm.s32 $0x10B80  }
0x2f6: {  	[tilespmem:s11], [sflag:$0x2] =	stream.indirect_vreg.gather [hbm4b:s3+s2], $0x80, v3, vm0, $0xb8;
	[tilespmem:$0x1E380] =	vst v63  }
0x2f7: {  	s12 =	simm.s32 $0x11380  }
0x2f8: {  	[tilespmem:s12], [sflag:$0x2] =	stream.indirect_vreg.gather [hbm4b:s16+s2], $0x80, v3, vm0, $0xb8;
	[tilespmem:$0x1E380] =	vst v63  }
0x2f9: {  	s13 =	simm.s32 $0x11B80  }
0x2fa: {  	[tilespmem:s13], [sflag:$0x2] =	stream.indirect_vreg.gather [hbm4b:s15+s2], $0x80, v3, vm0, $0xb8;
	[tilespmem:$0x1E380] =	vst v63  }
0x2fb: {  	v3 =	vld [tilespmem:$0x240];
	_ =	sdelay $0x4  }
0x2fc: {  	v50 =	vshrl.u32 v3, $0x3  }
0x2fd: {  	v4 =	vmul.u32 $0x30, v50  }
0x2fe: {  	v3 =	vand.u32 $0x7, v3  }
0x2ff: {  	v3 =	vor.u32 v3, v4  }
0x300: {  	v4 =	vperm.xlane v3, v0;
	_ =	sdelay $0x1  }
0x301: {  	v4 =	vadd.s32 v1, v4;
	_ =	sdelay $0x3  }
0x302: {  	s14 =	simm.s32 $0x12380;
	v3 =	vperm.xlane v3, v2  }
0x303: {  	[tilespmem:s14], [sflag:$0x2] =	stream.indirect_vreg.gather [hbm4b:s3+s2], $0x80, v4, vm0, $0xb8;
	[tilespmem:$0x1E380] =	vst v63  }
0x304: {  	s17 =	simm.s32 $0x12B80;
	v3 =	vadd.s32 v1, v3  }
0x305: {  	[tilespmem:s17], [sflag:$0x2] =	stream.indirect_vreg.gather [hbm4b:s16+s2], $0x80, v4, vm0, $0xb8;
	[tilespmem:$0x1E380] =	vst v63  }
0x306: {  	s18 =	simm.s32 $0x13380  }
0x307: {  	[tilespmem:s18], [sflag:$0x2] =	stream.indirect_vreg.gather [hbm4b:s15+s2], $0x80, v4, vm0, $0xb8;
	[tilespmem:$0x1E380] =	vst v63  }
0x308: {  	s19 =	simm.s32 $0x13B80  }
0x309: {  	[tilespmem:s19], [sflag:$0x2] =	stream.indirect_vreg.gather [hbm4b:s3+s2], $0x80, v3, vm0, $0xb8;
	[tilespmem:$0x1E380] =	vst v63  }
0x30a: {  	s20 =	simm.s32 $0x14380  }
0x30b: {  	[tilespmem:s20], [sflag:$0x2] =	stream.indirect_vreg.gather [hbm4b:s16+s2], $0x80, v3, vm0, $0xb8;
	[tilespmem:$0x1E380] =	vst v63  }
0x30c: {  	s21 =	simm.s32 $0x14B80  }
0x30d: {  	[tilespmem:s21], [sflag:$0x2] =	stream.indirect_vreg.gather [hbm4b:s15+s2], $0x80, v3, vm0, $0xb8;
	[tilespmem:$0x1E380] =	vst v63  }
0x30e: {  	v3 =	vld [tilespmem:$0x250];
	_ =	sdelay $0x4  }
0x30f: {  	v51 =	vshrl.u32 v3, $0x3  }
0x310: {  	v4 =	vmul.u32 $0x30, v51  }
0x311: {  	v3 =	vand.u32 $0x7, v3  }
0x312: {  	v3 =	vor.u32 v3, v4  }
0x313: {  	v4 =	vperm.xlane v3, v0;
	_ =	sdelay $0x1  }
0x314: {  	v4 =	vadd.s32 v1, v4;
	_ =	sdelay $0x3  }
0x315: {  	s22 =	simm.s32 $0x15380;
	v3 =	vperm.xlane v3, v2  }
0x316: {  	[tilespmem:s22], [sflag:$0x2] =	stream.indirect_vreg.gather [hbm4b:s3+s2], $0x80, v4, vm0, $0xb8;
	[tilespmem:$0x1E380] =	vst v63  }
0x317: {  	s23 =	simm.s32 $0x15B80;
	v3 =	vadd.s32 v1, v3  }
0x318: {  	[tilespmem:s23], [sflag:$0x2] =	stream.indirect_vreg.gather [hbm4b:s16+s2], $0x80, v4, vm0, $0xb8;
	[tilespmem:$0x1E380] =	vst v63  }
0x319: {  	s25 =	simm.s32 $0x16380  }
0x31a: {  	[tilespmem:s25], [sflag:$0x2] =	stream.indirect_vreg.gather [hbm4b:s15+s2], $0x80, v4, vm0, $0xb8;
	[tilespmem:$0x1E380] =	vst v63  }
0x31b: {  	s26 =	simm.s32 $0x16B80  }
0x31c: {  	[tilespmem:s26], [sflag:$0x2] =	stream.indirect_vreg.gather [hbm4b:s3+s2], $0x80, v3, vm0, $0xb8;
	[tilespmem:$0x1E380] =	vst v63  }
0x31d: {  	s28 =	simm.s32 $0x17380  }
0x31e: {  	[tilespmem:s28], [sflag:$0x2] =	stream.indirect_vreg.gather [hbm4b:s16+s2], $0x80, v3, vm0, $0xb8;
	[tilespmem:$0x1E380] =	vst v63  }
0x31f: {  	s29 =	simm.s32 $0x17B80  }
0x320: {  	[tilespmem:s29], [sflag:$0x2] =	stream.indirect_vreg.gather [hbm4b:s15+s2], $0x80, v3, vm0, $0xb8;
	[tilespmem:$0x1E380] =	vst v63  }
0x321: {  	v3 =	vld [tilespmem:$0x260];
	_ =	sdelay $0x4  }
0x322: {  	v52 =	vshrl.u32 v3, $0x3  }
0x323: {  	v4 =	vmul.u32 $0x30, v52  }
0x324: {  	v3 =	vand.u32 $0x7, v3  }
0x325: {  	v3 =	vor.u32 v3, v4  }
0x326: {  	v4 =	vperm.xlane v3, v0;
	_ =	sdelay $0x1  }
0x327: {  	v4 =	vadd.s32 v1, v4;
	_ =	sdelay $0x3  }
0x328: {  	s30 =	simm.s32 $0x18380;
	v3 =	vperm.xlane v3, v2  }
0x329: {  	[tilespmem:s30], [sflag:$0x2] =	stream.indirect_vreg.gather [hbm4b:s3+s2], $0x80, v4, vm0, $0xb8;
	[tilespmem:$0x1E380] =	vst v63  }
0x32a: {  	s23 =	simm.s32 $0x18B80;
	v3 =	vadd.s32 v1, v3  }
0x32b: {  	[tilespmem:s23], [sflag:$0x2] =	stream.indirect_vreg.gather [hbm4b:s16+s2], $0x80, v4, vm0, $0xb8;
	[tilespmem:$0x1E380] =	vst v63  }
0x32c: {  	s25 =	simm.s32 $0x19380  }
0x32d: {  	[tilespmem:s25], [sflag:$0x2] =	stream.indirect_vreg.gather [hbm4b:s15+s2], $0x80, v4, vm0, $0xb8;
	[tilespmem:$0x1E380] =	vst v63  }
0x32e: {  	s26 =	simm.s32 $0x19B80  }
0x32f: {  	[tilespmem:s26], [sflag:$0x2] =	stream.indirect_vreg.gather [hbm4b:s3+s2], $0x80, v3, vm0, $0xb8;
	[tilespmem:$0x1E380] =	vst v63  }
0x330: {  	s28 =	simm.s32 $0x1A380  }
0x331: {  	[tilespmem:s28], [sflag:$0x2] =	stream.indirect_vreg.gather [hbm4b:s16+s2], $0x80, v3, vm0, $0xb8;
	[tilespmem:$0x1E380] =	vst v63  }
0x332: {  	s29 =	simm.s32 $0x1AB80  }
0x333: {  	[tilespmem:s29], [sflag:$0x2] =	stream.indirect_vreg.gather [hbm4b:s15+s2], $0x80, v3, vm0, $0xb8;
	[tilespmem:$0x1E380] =	vst v63  }
0x334: {  	v3 =	vld [tilespmem:$0x270];
	_ =	sdelay $0x4  }
0x335: {  	v53 =	vshrl.u32 v3, $0x3  }
0x336: {  	v4 =	vmul.u32 $0x30, v53  }
0x337: {  	v3 =	vand.u32 $0x7, v3  }
0x338: {  	v3 =	vor.u32 v3, v4  }
0x339: {  	v4 =	vperm.xlane v3, v0;
	_ =	sdelay $0x1  }
0x33a: {  	v4 =	vadd.s32 v1, v4;
	_ =	sdelay $0x3  }
0x33b: {  	s30 =	simm.s32 $0x1B380;
	v3 =	vperm.xlane v3, v2  }
0x33c: {  	[tilespmem:s30], [sflag:$0x2] =	stream.indirect_vreg.gather [hbm4b:s3+s2], $0x80, v4, vm0, $0xb8;
	[tilespmem:$0x1E380] =	vst v63  }
0x33d: {  	s29 =	simm.s32 $0x1BB80;
	v3 =	vadd.s32 v1, v3  }
0x33e: {  	[tilespmem:s29], [sflag:$0x2] =	stream.indirect_vreg.gather [hbm4b:s16+s2], $0x80, v4, vm0, $0xb8;
	[tilespmem:$0x1E380] =	vst v63  }
0x33f: {  	s30 =	simm.s32 $0x1C380  }
0x340: {  	[tilespmem:s30], [sflag:$0x2] =	stream.indirect_vreg.gather [hbm4b:s15+s2], $0x80, v4, vm0, $0xb8;
	[tilespmem:$0x1E380] =	vst v63  }
0x341: {  	s6 =	simm.s32 $0x1CB80  }
0x342: {  	[tilespmem:s6], [sflag:$0x2] =	stream.indirect_vreg.gather [hbm4b:s3+s2], $0x80, v3, vm0, $0xb8;
	[tilespmem:$0x1E380] =	vst v63  }
0x343: {  	s8 =	simm.s32 $0x1D380  }
0x344: {  	[tilespmem:s8], [sflag:$0x2] =	stream.indirect_vreg.gather [hbm4b:s16+s2], $0x80, v3, vm0, $0xb8;
	[tilespmem:$0x1E380] =	vst v63  }
0x345: {  	s6 =	simm.s32 $0x1DB80  }
0x346: {  	[tilespmem:s6], [sflag:$0x2] =	stream.indirect_vreg.gather [hbm4b:s15+s2], $0x80, v3, vm0, $0xb8;
	[tilespmem:$0x1E380] =	vst v63  }
0x347: {  	_ =	swait.ge [sflag:s31], $0xF000  }
0x348: {  	[sflag:s31] =	ssyncset.done $0x0  }
0x349: {  	s6 =	rddreg [dreg:$0x9];
	[sflag:s31] =	ssyncadd.s32 $0xFFFF1000  }
0x34a: {  	[hbm4b:s6+s2] =	stream.linear.scatter [tilespmem:s7], [sflag:$0x3], $0xF000, $0x38;
	[tilespmem:$0x1E380] =	vst v63  }
0x34b: {  	_ =	swait.ge [sflag:s0], $0xF000  }
0x34c: {  	[sflag:s0] =	ssyncset.done $0x0  }
0x34d: {  	[sflag:s0] =	ssyncadd.s32 $0xFFFF1000  }
0x34e: {  	v3 =	vld [tilespmem:$0x280];
	_ =	sdelay $0x4  }
0x34f: {  	v54 =	vshrl.u32 v3, $0x3  }
0x350: {  	v4 =	vmul.u32 $0x30, v54  }
0x351: {  	v3 =	vand.u32 $0x7, v3  }
0x352: {  	v3 =	vor.u32 v3, v4  }
0x353: {  	v4 =	vperm.xlane v3, v0;
	_ =	sdelay $0x1  }
0x354: {  	v4 =	vadd.s32 v1, v4;
	_ =	sdelay $0x3  }
0x355: {  	v3 =	vperm.xlane v3, v2  }
0x356: {  	[tilespmem:s7], [sflag:$0x1] =	stream.indirect_vreg.gather [hbm4b:s3+s2], $0x80, v4, vm0, $0xb8;
	[tilespmem:$0x1E380] =	vst v63  }
0x357: {  	s6 =	simm.s32 $0xB80;
	v3 =	vadd.s32 v1, v3  }
0x358: {  	[tilespmem:s6], [sflag:$0x1] =	stream.indirect_vreg.gather [hbm4b:s16+s2], $0x80, v4, vm0, $0xb8;
	[tilespmem:$0x1E380] =	vst v63  }
0x359: {  	s6 =	simm.s32 $0x1380  }
0x35a: {  	[tilespmem:s6], [sflag:$0x1] =	stream.indirect_vreg.gather [hbm4b:s15+s2], $0x80, v4, vm0, $0xb8;
	[tilespmem:$0x1E380] =	vst v63  }
0x35b: {  	s6 =	simm.s32 $0x1B80  }
0x35c: {  	[tilespmem:s6], [sflag:$0x1] =	stream.indirect_vreg.gather [hbm4b:s3+s2], $0x80, v3, vm0, $0xb8;
	[tilespmem:$0x1E380] =	vst v63  }
0x35d: {  	s6 =	simm.s32 $0x2380  }
0x35e: {  	[tilespmem:s6], [sflag:$0x1] =	stream.indirect_vreg.gather [hbm4b:s16+s2], $0x80, v3, vm0, $0xb8;
	[tilespmem:$0x1E380] =	vst v63  }
0x35f: {  	s6 =	simm.s32 $0x2B80  }
0x360: {  	[tilespmem:s6], [sflag:$0x1] =	stream.indirect_vreg.gather [hbm4b:s15+s2], $0x80, v3, vm0, $0xb8;
	[tilespmem:$0x1E380] =	vst v63  }
0x361: {  	v3 =	vld [tilespmem:$0x290];
	_ =	sdelay $0x4  }
0x362: {  	v55 =	vshrl.u32 v3, $0x3  }
0x363: {  	v4 =	vmul.u32 $0x30, v55  }
0x364: {  	v3 =	vand.u32 $0x7, v3  }
0x365: {  	v3 =	vor.u32 v3, v4  }
0x366: {  	v4 =	vperm.xlane v3, v0;
	_ =	sdelay $0x1  }
0x367: {  	v4 =	vadd.s32 v1, v4;
	_ =	sdelay $0x3  }
0x368: {  	s6 =	simm.s32 $0x3380;
	v3 =	vperm.xlane v3, v2  }
0x369: {  	[tilespmem:s6], [sflag:$0x1] =	stream.indirect_vreg.gather [hbm4b:s3+s2], $0x80, v4, vm0, $0xb8;
	[tilespmem:$0x1E380] =	vst v63  }
0x36a: {  	v3 =	vadd.s32 v1, v3;
	s6 =	simm.s32 $0x3B80  }
0x36b: {  	[tilespmem:s6], [sflag:$0x1] =	stream.indirect_vreg.gather [hbm4b:s16+s2], $0x80, v4, vm0, $0xb8;
	[tilespmem:$0x1E380] =	vst v63  }
0x36c: {  	s6 =	simm.s32 $0x4380  }
0x36d: {  	[tilespmem:s6], [sflag:$0x1] =	stream.indirect_vreg.gather [hbm4b:s15+s2], $0x80, v4, vm0, $0xb8;
	[tilespmem:$0x1E380] =	vst v63  }
0x36e: {  	s6 =	simm.s32 $0x4B80  }
0x36f: {  	[tilespmem:s6], [sflag:$0x1] =	stream.indirect_vreg.gather [hbm4b:s3+s2], $0x80, v3, vm0, $0xb8;
	[tilespmem:$0x1E380] =	vst v63  }
0x370: {  	s6 =	simm.s32 $0x5380  }
0x371: {  	[tilespmem:s6], [sflag:$0x1] =	stream.indirect_vreg.gather [hbm4b:s16+s2], $0x80, v3, vm0, $0xb8;
	[tilespmem:$0x1E380] =	vst v63  }
0x372: {  	s6 =	simm.s32 $0x5B80  }
0x373: {  	[tilespmem:s6], [sflag:$0x1] =	stream.indirect_vreg.gather [hbm4b:s15+s2], $0x80, v3, vm0, $0xb8;
	[tilespmem:$0x1E380] =	vst v63  }
0x374: {  	v3 =	vld [tilespmem:$0x2A0];
	_ =	sdelay $0x4  }
0x375: {  	v56 =	vshrl.u32 v3, $0x3  }
0x376: {  	v4 =	vmul.u32 $0x30, v56  }
0x377: {  	v3 =	vand.u32 $0x7, v3  }
0x378: {  	v3 =	vor.u32 v3, v4  }
0x379: {  	v4 =	vperm.xlane v3, v0;
	_ =	sdelay $0x1  }
0x37a: {  	v4 =	vadd.s32 v1, v4;
	_ =	sdelay $0x3  }
0x37b: {  	s6 =	simm.s32 $0x6380;
	v3 =	vperm.xlane v3, v2  }
0x37c: {  	[tilespmem:s6], [sflag:$0x1] =	stream.indirect_vreg.gather [hbm4b:s3+s2], $0x80, v4, vm0, $0xb8;
	[tilespmem:$0x1E380] =	vst v63  }
0x37d: {  	v3 =	vadd.s32 v1, v3;
	s6 =	simm.s32 $0x6B80  }
0x37e: {  	[tilespmem:s6], [sflag:$0x1] =	stream.indirect_vreg.gather [hbm4b:s16+s2], $0x80, v4, vm0, $0xb8;
	[tilespmem:$0x1E380] =	vst v63  }
0x37f: {  	s6 =	simm.s32 $0x7380  }
0x380: {  	[tilespmem:s6], [sflag:$0x1] =	stream.indirect_vreg.gather [hbm4b:s15+s2], $0x80, v4, vm0, $0xb8;
	[tilespmem:$0x1E380] =	vst v63  }
0x381: {  	s6 =	simm.s32 $0x7B80  }
0x382: {  	[tilespmem:s6], [sflag:$0x1] =	stream.indirect_vreg.gather [hbm4b:s3+s2], $0x80, v3, vm0, $0xb8;
	[tilespmem:$0x1E380] =	vst v63  }
0x383: {  	s6 =	simm.s32 $0x8380  }
0x384: {  	[tilespmem:s6], [sflag:$0x1] =	stream.indirect_vreg.gather [hbm4b:s16+s2], $0x80, v3, vm0, $0xb8;
	[tilespmem:$0x1E380] =	vst v63  }
0x385: {  	s6 =	simm.s32 $0x8B80  }
0x386: {  	[tilespmem:s6], [sflag:$0x1] =	stream.indirect_vreg.gather [hbm4b:s15+s2], $0x80, v3, vm0, $0xb8;
	[tilespmem:$0x1E380] =	vst v63  }
0x387: {  	v3 =	vld [tilespmem:$0x2B0];
	_ =	sdelay $0x4  }
0x388: {  	v57 =	vshrl.u32 v3, $0x3  }
0x389: {  	v4 =	vmul.u32 $0x30, v57  }
0x38a: {  	v3 =	vand.u32 $0x7, v3  }
0x38b: {  	v3 =	vor.u32 v3, v4  }
0x38c: {  	v4 =	vperm.xlane v3, v0;
	_ =	sdelay $0x1  }
0x38d: {  	v4 =	vadd.s32 v1, v4;
	_ =	sdelay $0x3  }
0x38e: {  	s6 =	simm.s32 $0x9380;
	v3 =	vperm.xlane v3, v2  }
0x38f: {  	[tilespmem:s6], [sflag:$0x1] =	stream.indirect_vreg.gather [hbm4b:s3+s2], $0x80, v4, vm0, $0xb8;
	[tilespmem:$0x1E380] =	vst v63  }
0x390: {  	v3 =	vadd.s32 v1, v3;
	s6 =	simm.s32 $0x9B80  }
0x391: {  	[tilespmem:s6], [sflag:$0x1] =	stream.indirect_vreg.gather [hbm4b:s16+s2], $0x80, v4, vm0, $0xb8;
	[tilespmem:$0x1E380] =	vst v63  }
0x392: {  	s6 =	simm.s32 $0xA380  }
0x393: {  	[tilespmem:s6], [sflag:$0x1] =	stream.indirect_vreg.gather [hbm4b:s15+s2], $0x80, v4, vm0, $0xb8;
	[tilespmem:$0x1E380] =	vst v63  }
0x394: {  	s6 =	simm.s32 $0xAB80  }
0x395: {  	[tilespmem:s6], [sflag:$0x1] =	stream.indirect_vreg.gather [hbm4b:s3+s2], $0x80, v3, vm0, $0xb8;
	[tilespmem:$0x1E380] =	vst v63  }
0x396: {  	s6 =	simm.s32 $0xB380  }
0x397: {  	[tilespmem:s6], [sflag:$0x1] =	stream.indirect_vreg.gather [hbm4b:s16+s2], $0x80, v3, vm0, $0xb8;
	[tilespmem:$0x1E380] =	vst v63  }
0x398: {  	s6 =	simm.s32 $0xBB80  }
0x399: {  	[tilespmem:s6], [sflag:$0x1] =	stream.indirect_vreg.gather [hbm4b:s15+s2], $0x80, v3, vm0, $0xb8;
	[tilespmem:$0x1E380] =	vst v63  }
0x39a: {  	v3 =	vld [tilespmem:$0x2C0];
	_ =	sdelay $0x4  }
0x39b: {  	v58 =	vshrl.u32 v3, $0x3  }
0x39c: {  	v4 =	vmul.u32 $0x30, v58  }
0x39d: {  	v3 =	vand.u32 $0x7, v3  }
0x39e: {  	v3 =	vor.u32 v3, v4  }
0x39f: {  	v4 =	vperm.xlane v3, v0;
	_ =	sdelay $0x1  }
0x3a0: {  	v4 =	vadd.s32 v1, v4;
	_ =	sdelay $0x3  }
0x3a1: {  	s6 =	simm.s32 $0xC380;
	v3 =	vperm.xlane v3, v2  }
0x3a2: {  	[tilespmem:s6], [sflag:$0x1] =	stream.indirect_vreg.gather [hbm4b:s3+s2], $0x80, v4, vm0, $0xb8;
	[tilespmem:$0x1E380] =	vst v63  }
0x3a3: {  	v3 =	vadd.s32 v1, v3;
	s6 =	simm.s32 $0xCB80  }
0x3a4: {  	[tilespmem:s6], [sflag:$0x1] =	stream.indirect_vreg.gather [hbm4b:s16+s2], $0x80, v4, vm0, $0xb8;
	[tilespmem:$0x1E380] =	vst v63  }
0x3a5: {  	s6 =	simm.s32 $0xD380  }
0x3a6: {  	[tilespmem:s6], [sflag:$0x1] =	stream.indirect_vreg.gather [hbm4b:s15+s2], $0x80, v4, vm0, $0xb8;
	[tilespmem:$0x1E380] =	vst v63  }
0x3a7: {  	s6 =	simm.s32 $0xDB80  }
0x3a8: {  	[tilespmem:s6], [sflag:$0x1] =	stream.indirect_vreg.gather [hbm4b:s3+s2], $0x80, v3, vm0, $0xb8;
	[tilespmem:$0x1E380] =	vst v63  }
0x3a9: {  	s6 =	simm.s32 $0xE380  }
0x3aa: {  	[tilespmem:s6], [sflag:$0x1] =	stream.indirect_vreg.gather [hbm4b:s16+s2], $0x80, v3, vm0, $0xb8;
	[tilespmem:$0x1E380] =	vst v63  }
0x3ab: {  	s6 =	simm.s32 $0xEB80  }
0x3ac: {  	[tilespmem:s6], [sflag:$0x1] =	stream.indirect_vreg.gather [hbm4b:s15+s2], $0x80, v3, vm0, $0xb8;
	[tilespmem:$0x1E380] =	vst v63  }
0x3ad: {  	_ =	swait.ge [sflag:s1], $0xF000  }
0x3ae: {  	[sflag:s1] =	ssyncset.done $0x0  }
0x3af: {  	s6 =	rddreg [dreg:$0x8];
	[sflag:s1] =	ssyncadd.s32 $0xFFFF1000  }
0x3b0: {  	[hbm4b:s6+s2] =	stream.linear.scatter [tilespmem:s24], [sflag:$0x4], $0xF000, $0x38;
	[tilespmem:$0x1E380] =	vst v63  }
0x3b1: {  	_ =	swait.ge [sflag:s5], $0xF000  }
0x3b2: {  	[sflag:s5] =	ssyncset.done $0x0  }
0x3b3: {  	[sflag:s5] =	ssyncadd.s32 $0xFFFF1000  }
0x3b4: {  	v3 =	vld [tilespmem:$0x2D0];
	_ =	sdelay $0x4  }
0x3b5: {  	v59 =	vshrl.u32 v3, $0x3  }
0x3b6: {  	v4 =	vmul.u32 $0x30, v59  }
0x3b7: {  	v3 =	vand.u32 $0x7, v3  }
0x3b8: {  	v3 =	vor.u32 v3, v4  }
0x3b9: {  	v4 =	vperm.xlane v3, v0;
	_ =	sdelay $0x1  }
0x3ba: {  	v4 =	vadd.s32 v1, v4;
	_ =	sdelay $0x3  }
0x3bb: {  	v3 =	vperm.xlane v3, v2  }
0x3bc: {  	[tilespmem:s24], [sflag:$0x2] =	stream.indirect_vreg.gather [hbm4b:s3+s2], $0x80, v4, vm0, $0xb8;
	[tilespmem:$0x1E380] =	vst v63  }
0x3bd: {  	s9 =	simm.s32 $0xFB80;
	v3 =	vadd.s32 v1, v3  }
0x3be: {  	[tilespmem:s9], [sflag:$0x2] =	stream.indirect_vreg.gather [hbm4b:s16+s2], $0x80, v4, vm0, $0xb8;
	[tilespmem:$0x1E380] =	vst v63  }
0x3bf: {  	s10 =	simm.s32 $0x10380  }
0x3c0: {  	[tilespmem:s10], [sflag:$0x2] =	stream.indirect_vreg.gather [hbm4b:s15+s2], $0x80, v4, vm0, $0xb8;
	[tilespmem:$0x1E380] =	vst v63  }
0x3c1: {  	s11 =	simm.s32 $0x10B80  }
0x3c2: {  	[tilespmem:s11], [sflag:$0x2] =	stream.indirect_vreg.gather [hbm4b:s3+s2], $0x80, v3, vm0, $0xb8;
	[tilespmem:$0x1E380] =	vst v63  }
0x3c3: {  	s12 =	simm.s32 $0x11380  }
0x3c4: {  	[tilespmem:s12], [sflag:$0x2] =	stream.indirect_vreg.gather [hbm4b:s16+s2], $0x80, v3, vm0, $0xb8;
	[tilespmem:$0x1E380] =	vst v63  }
0x3c5: {  	s11 =	simm.s32 $0x11B80  }
0x3c6: {  	[tilespmem:s11], [sflag:$0x2] =	stream.indirect_vreg.gather [hbm4b:s15+s2], $0x80, v3, vm0, $0xb8;
	[tilespmem:$0x1E380] =	vst v63  }
0x3c7: {  	v3 =	vld [tilespmem:$0x2E0];
	_ =	sdelay $0x4  }
0x3c8: {  	v60 =	vshrl.u32 v3, $0x3  }
0x3c9: {  	v4 =	vmul.u32 $0x30, v60  }
0x3ca: {  	v3 =	vand.u32 $0x7, v3  }
0x3cb: {  	v3 =	vor.u32 v3, v4  }
0x3cc: {  	v4 =	vperm.xlane v3, v0;
	_ =	sdelay $0x1  }
0x3cd: {  	v4 =	vadd.s32 v1, v4;
	_ =	sdelay $0x3  }
0x3ce: {  	s12 =	simm.s32 $0x12380;
	v3 =	vperm.xlane v3, v2  }
0x3cf: {  	[tilespmem:s12], [sflag:$0x2] =	stream.indirect_vreg.gather [hbm4b:s3+s2], $0x80, v4, vm0, $0xb8;
	[tilespmem:$0x1E380] =	vst v63  }
0x3d0: {  	s13 =	simm.s32 $0x12B80;
	v3 =	vadd.s32 v1, v3  }
0x3d1: {  	[tilespmem:s13], [sflag:$0x2] =	stream.indirect_vreg.gather [hbm4b:s16+s2], $0x80, v4, vm0, $0xb8;
	[tilespmem:$0x1E380] =	vst v63  }
0x3d2: {  	s14 =	simm.s32 $0x13380  }
0x3d3: {  	[tilespmem:s14], [sflag:$0x2] =	stream.indirect_vreg.gather [hbm4b:s15+s2], $0x80, v4, vm0, $0xb8;
	[tilespmem:$0x1E380] =	vst v63  }
0x3d4: {  	s17 =	simm.s32 $0x13B80  }
0x3d5: {  	[tilespmem:s17], [sflag:$0x2] =	stream.indirect_vreg.gather [hbm4b:s3+s2], $0x80, v3, vm0, $0xb8;
	[tilespmem:$0x1E380] =	vst v63  }
0x3d6: {  	s18 =	simm.s32 $0x14380  }
0x3d7: {  	[tilespmem:s18], [sflag:$0x2] =	stream.indirect_vreg.gather [hbm4b:s16+s2], $0x80, v3, vm0, $0xb8;
	[tilespmem:$0x1E380] =	vst v63  }
0x3d8: {  	s17 =	simm.s32 $0x14B80  }
0x3d9: {  	[tilespmem:s17], [sflag:$0x2] =	stream.indirect_vreg.gather [hbm4b:s15+s2], $0x80, v3, vm0, $0xb8;
	[tilespmem:$0x1E380] =	vst v63  }
0x3da: {  	v3 =	vld [tilespmem:$0x2F0];
	_ =	sdelay $0x4  }
0x3db: {  	v61 =	vshrl.u32 v3, $0x3  }
0x3dc: {  	v4 =	vmul.u32 $0x30, v61  }
0x3dd: {  	v3 =	vand.u32 $0x7, v3  }
0x3de: {  	v3 =	vor.u32 v3, v4  }
0x3df: {  	v4 =	vperm.xlane v3, v0;
	_ =	sdelay $0x1  }
0x3e0: {  	v4 =	vadd.s32 v1, v4;
	_ =	sdelay $0x3  }
0x3e1: {  	s18 =	simm.s32 $0x15380;
	v3 =	vperm.xlane v3, v2  }
0x3e2: {  	[tilespmem:s18], [sflag:$0x2] =	stream.indirect_vreg.gather [hbm4b:s3+s2], $0x80, v4, vm0, $0xb8;
	[tilespmem:$0x1E380] =	vst v63  }
0x3e3: {  	s19 =	simm.s32 $0x15B80;
	v3 =	vadd.s32 v1, v3  }
0x3e4: {  	[tilespmem:s19], [sflag:$0x2] =	stream.indirect_vreg.gather [hbm4b:s16+s2], $0x80, v4, vm0, $0xb8;
	[tilespmem:$0x1E380] =	vst v63  }
0x3e5: {  	s20 =	simm.s32 $0x16380  }
0x3e6: {  	[tilespmem:s20], [sflag:$0x2] =	stream.indirect_vreg.gather [hbm4b:s15+s2], $0x80, v4, vm0, $0xb8;
	[tilespmem:$0x1E380] =	vst v63  }
0x3e7: {  	s21 =	simm.s32 $0x16B80  }
0x3e8: {  	[tilespmem:s21], [sflag:$0x2] =	stream.indirect_vreg.gather [hbm4b:s3+s2], $0x80, v3, vm0, $0xb8;
	[tilespmem:$0x1E380] =	vst v63  }
0x3e9: {  	s22 =	simm.s32 $0x17380  }
0x3ea: {  	[tilespmem:s22], [sflag:$0x2] =	stream.indirect_vreg.gather [hbm4b:s16+s2], $0x80, v3, vm0, $0xb8;
	[tilespmem:$0x1E380] =	vst v63  }
0x3eb: {  	s21 =	simm.s32 $0x17B80  }
0x3ec: {  	[tilespmem:s21], [sflag:$0x2] =	stream.indirect_vreg.gather [hbm4b:s15+s2], $0x80, v3, vm0, $0xb8;
	[tilespmem:$0x1E380] =	vst v63  }
0x3ed: {  	v3 =	vld [tilespmem:$0x300];
	_ =	sdelay $0x4  }
0x3ee: {  	v62 =	vshrl.u32 v3, $0x3  }
0x3ef: {  	v4 =	vmul.u32 $0x30, v62  }
0x3f0: {  	v3 =	vand.u32 $0x7, v3  }
0x3f1: {  	v3 =	vor.u32 v3, v4  }
0x3f2: {  	v4 =	vperm.xlane v3, v0;
	_ =	sdelay $0x1  }
0x3f3: {  	v4 =	vadd.s32 v1, v4;
	_ =	sdelay $0x3  }
0x3f4: {  	s22 =	simm.s32 $0x18380;
	v3 =	vperm.xlane v3, v2  }
0x3f5: {  	[tilespmem:s22], [sflag:$0x2] =	stream.indirect_vreg.gather [hbm4b:s3+s2], $0x80, v4, vm0, $0xb8;
	[tilespmem:$0x1E380] =	vst v63  }
0x3f6: {  	s23 =	simm.s32 $0x18B80;
	v3 =	vadd.s32 v1, v3  }
0x3f7: {  	[tilespmem:s23], [sflag:$0x2] =	stream.indirect_vreg.gather [hbm4b:s16+s2], $0x80, v4, vm0, $0xb8;
	[tilespmem:$0x1E380] =	vst v63  }
0x3f8: {  	s25 =	simm.s32 $0x19380  }
0x3f9: {  	[tilespmem:s25], [sflag:$0x2] =	stream.indirect_vreg.gather [hbm4b:s15+s2], $0x80, v4, vm0, $0xb8;
	[tilespmem:$0x1E380] =	vst v63  }
0x3fa: {  	s26 =	simm.s32 $0x19B80  }
0x3fb: {  	[tilespmem:s26], [sflag:$0x2] =	stream.indirect_vreg.gather [hbm4b:s3+s2], $0x80, v3, vm0, $0xb8;
	[tilespmem:$0x1E380] =	vst v63  }
0x3fc: {  	s28 =	simm.s32 $0x1A380  }
0x3fd: {  	[tilespmem:s28], [sflag:$0x2] =	stream.indirect_vreg.gather [hbm4b:s16+s2], $0x80, v3, vm0, $0xb8;
	[tilespmem:$0x1E380] =	vst v63  }
0x3fe: {  	s23 =	simm.s32 $0x1AB80  }
0x3ff: {  	[tilespmem:s23], [sflag:$0x2] =	stream.indirect_vreg.gather [hbm4b:s15+s2], $0x80, v3, vm0, $0xb8;
	[tilespmem:$0x1E380] =	vst v63  }
0x400: {  	v3 =	vld [tilespmem:$0x310];
	_ =	sdelay $0x4  }
0x401: {  	v63 =	vshrl.u32 v3, $0x3  }
0x402: {  	v4 =	vmul.u32 $0x30, v63  }
0x403: {  	v3 =	vand.u32 $0x7, v3  }
0x404: {  	v3 =	vor.u32 v3, v4  }
0x405: {  	v4 =	vperm.xlane v3, v0;
	_ =	sdelay $0x1  }
0x406: {  	v4 =	vadd.s32 v1, v4;
	_ =	sdelay $0x3  }
0x407: {  	s25 =	simm.s32 $0x1B380;
	v3 =	vperm.xlane v3, v2  }
0x408: {  	[tilespmem:s25], [sflag:$0x2] =	stream.indirect_vreg.gather [hbm4b:s3+s2], $0x80, v4, vm0, $0xb8;
	[tilespmem:$0x1E380] =	vst v63  }
0x409: {  	s29 =	simm.s32 $0x1BB80;
	v3 =	vadd.s32 v1, v3  }
0x40a: {  	[tilespmem:s29], [sflag:$0x2] =	stream.indirect_vreg.gather [hbm4b:s16+s2], $0x80, v4, vm0, $0xb8;
	[tilespmem:$0x1E380] =	vst v63  }
0x40b: {  	s30 =	simm.s32 $0x1C380  }
0x40c: {  	[tilespmem:s30], [sflag:$0x2] =	stream.indirect_vreg.gather [hbm4b:s15+s2], $0x80, v4, vm0, $0xb8;
	[tilespmem:$0x1E380] =	vst v63  }
0x40d: {  	s26 =	simm.s32 $0x1CB80  }
0x40e: {  	[tilespmem:s26], [sflag:$0x2] =	stream.indirect_vreg.gather [hbm4b:s3+s2], $0x80, v3, vm0, $0xb8;
	[tilespmem:$0x1E380] =	vst v63  }
0x40f: {  	s8 =	simm.s32 $0x1D380  }
0x410: {  	[tilespmem:s8], [sflag:$0x2] =	stream.indirect_vreg.gather [hbm4b:s16+s2], $0x80, v3, vm0, $0xb8;
	[tilespmem:$0x1E380] =	vst v63  }
0x411: {  	s28 =	simm.s32 $0x1DB80  }
0x412: {  	[tilespmem:s28], [sflag:$0x2] =	stream.indirect_vreg.gather [hbm4b:s15+s2], $0x80, v3, vm0, $0xb8;
	[tilespmem:$0x1E380] =	vst v63  }
0x413: {  	_ =	swait.ge [sflag:s31], $0xF000  }
0x414: {  	[sflag:s31] =	ssyncset.done $0x0  }
0x415: {  	s29 =	rddreg [dreg:$0x7];
	[sflag:s31] =	ssyncadd.s32 $0xFFFF1000  }
0x416: {  	[hbm4b:s29+s2] =	stream.linear.scatter [tilespmem:s7], [sflag:$0x3], $0xF000, $0x38;
	[tilespmem:$0x1E380] =	vst v63  }
0x417: {  	_ =	swait.ge [sflag:s1], $0xF000  }
0x418: {  	[sflag:s1] =	ssyncset.done $0x0  }
0x419: {  	s4 =	sadd.s32 $0xFFFFFFFF, s4;
	s30 =	rddreg [dreg:$0x6];
	[sflag:s1] =	ssyncadd.s32 $0xFFFF1000  }
0x41a: {  	[hbm4b:s30+s2] =	stream.linear.scatter [tilespmem:s24], [sflag:$0x4], $0xF000, $0x38;
	[tilespmem:$0x1E380] =	vst v63  }
0x41b: {  	p0 =	sne.s32 s4, $0x0;
	_ =	swait.ge [sflag:s0], $0xF000  }
.Ltmp0:
0x41c: {  	[sflag:s0] =	ssyncset.done $0x0;
	(pc) =	sbr.rel @p0 .LBB2_1-.Ltmp0, $4  }
0x41d: {  	[sflag:s0] =	ssyncadd.s32 $0xFFFF1000  }
0x41e: {  	_ =	swait.ge [sflag:s5], $0xF000  }
0x41f: {  	[sflag:s5] =	ssyncset.done $0x0  }
0x420: {  	[sflag:s5] =	ssyncadd.s32 $0xFFFF1000  }
0x421: {  	_ =	sfence.sel $0x180000  }
0x422: {  	[bflag:$0x0] =	sbarrier.arrive $0xFFFF  }
0x423: {  	_ =	strace $0x90000047  }
0x424: {  	s0 =	stileid.u32;
	[bflag:$0x2] =	sbarrier.arrive $0xFFFF  }
0x425: {  	p0 =	sne.s32 s0, $0x0;
	s0 =	rddreg [dreg:$0x5]  }
0x426: {  	s0 =	sadd.s32 @!p0 $0x100000, s0  }
0x427: {  	[sflag:s0] =	ssyncadd.tile.s32 @!p0 $0x1;
	_ =	shalt  }
.Lfunc_end2:
_tile_overlayer_lowered:
.L_overlay_start_2:
0x428: {  	(tag) =	ssettag $0x2  }
0x429: {  	s0 =	rddreg [dreg:$0x0];
	s2 =	stileid.u32  }
0x42a: {  	s1 =	rddreg [dreg:$0x1];
	p0 =	sne.s32 s2, $0x0  }
0x42b: {  	s3 =	rddreg [dreg:$0x2];
	[bflag:$0x3] =	sbarrier.arrive $0xFFFF;
	s2 =	simm.s32 @!p0 $0x1C05  }
0x42c: {  	[timem:s3], [sflag:s2] =	dma.local @!p0 [hbm:s0], s1  }
0x42d: {  	s0 =	simm.s32 @!p0 $0x5  }
0x42e: {  	_ =	swait.ge @!p0 [sflag:s0], s1  }
0x42f: {  	s1 =	ssub.s32 @!p0 $0x0, s1;
	[sflag:s0] =	ssyncset.done @!p0 $0x0  }
0x430: {  	[sflag:s0] =	ssyncadd.s32 @!p0 s1  }
0x431: {  	[bflag:$0x3] =	sbarrier.arrive $0xFFFF  }
0x432: {  	_ =	shalt  }

</sc_bundles>
